<compile_context>
chip_gen: v7x
topology: tpu7x:2x2x1
jax: 0.10.2.dev20260603
libtpu: 0.0.44.dev20260713+nightly
codegen_flags: <defaults>
</compile_context>

<pallas_src>
import functools

import jax
import jax.numpy as jnp
from jax import lax
from jax.experimental import pallas as pl
from jax.experimental.pallas import tpu as pltpu
from jax.experimental.pallas import tpu_sc as plsc

EMBED = 128
N_ROWS = 4096 * 200
ROW_GROUPS = N_ROWS // EMBED
NC, NS = 2, 16
NW = NC * NS

SC_RG = 4096
TC_RG = ROW_GROUPS - SC_RG
PER_W = SC_RG // NW
QTR = PER_W // 4
NSLOT = 4
NSTEP = PER_W // NSLOT
STEPS_Q = NSTEP // 4
SPQ = QTR // STEPS_Q

BG = 16
TC_GRID = TC_RG // BG


def _tab_body(we_ref, wp_ref, wr_ref, out_ref):
    c = lax.broadcasted_iota(jnp.int32, (48, EMBED), 0)
    n = c % 5
    p = (c // 5) % 3
    r = c // 15
    t = jnp.zeros((48, EMBED), jnp.float32)
    for i in range(5):
        t = t + jnp.where(n == i, we_ref[i, :][None, :], 0.0)
    for i in range(3):
        t = t + jnp.where(p == i, wp_ref[i, :][None, :], 0.0)
    for i in range(3):
        t = t + jnp.where(r == i, wr_ref[i, :][None, :], 0.0)
    out_ref[...] = t


def _combined_table(We, Wpbs, Wrt):
    return pl.pallas_call(
        _tab_body,
        out_shape=jax.ShapeDtypeStruct((48, EMBED), jnp.float32),
    )(We, Wpbs, Wrt)


def _sc_embed(tab_hbm, xn_hbm, xp_hbm, xr_hbm, out_hbm,
              tab_sh, xc_v, xn_v, xp_v, xr_v,
              rows0, rows1, rows2, rows3,
              sg0, sg1, sg2, sg3, sw0, sw1, sw2, sw3, si):
    wid = lax.axis_index("s") * NC + lax.axis_index("c")
    base = wid * PER_W
    rows = (rows0, rows1, rows2, rows3)
    sg = (sg0, sg1, sg2, sg3)
    sw = (sw0, sw1, sw2, sw3)

    @pl.when(lax.axis_index("s") == 0)
    def _stage_tab():
        pltpu.sync_copy(tab_hbm, tab_sh)

    plsc.subcore_barrier()

    def slab_copies(q):
        sl = pl.ds(base + q * QTR, QTR)
        return [
            pltpu.make_async_copy(xn_hbm.at[sl], xn_v, si),
            pltpu.make_async_copy(xp_hbm.at[sl], xp_v, si),
            pltpu.make_async_copy(xr_hbm.at[sl], xr_v, si),
        ]

    def combine_one(src, dst):
        for k in range(EMBED // 16):
            s = pl.ds(k * 16, 16)
            xc_v[dst, 0, s] = (
                xn_v[src, 0, s] + xp_v[src, 0, s] * 5 + xr_v[src, 0, s] * 15
            )

    def gather_chunk(i, slot):
        return pltpu.make_async_copy(tab_sh.at[xc_v.at[i, 0]], rows[slot], sg[slot])

    def write_chunk(i, slot):
        return pltpu.make_async_copy(
            rows[slot], out_hbm.at[pl.ds((base + i) * EMBED, EMBED)], sw[slot]
        )

    for cp in slab_copies(0):
        cp.start()
    for cp in slab_copies(0):
        cp.wait()

    def comb0(j, c):
        combine_one(j, j)
        return c

    lax.fori_loop(0, QTR, comb0, 0)

    for cp in slab_copies(1):
        cp.start()

    for s in range(NSLOT):
        gather_chunk(s, s).start()

    for q in range(4):
        def step(tt, c, q=q):
            t = q * STEPS_Q + tt

            if q < 3:
                @pl.when(tt == 0)
                def _slab_arrived():
                    for cp in slab_copies(q + 1):
                        cp.wait()

                def one(k, cc):
                    combine_one(SPQ * tt + k, SPQ * t + QTR + k)
                    return cc

                lax.fori_loop(0, SPQ, one, 0)

                if q < 2:
                    @pl.when(tt == STEPS_Q - 1)
                    def _slab_next():
                        for cp in slab_copies(q + 2):
                            cp.start()

            for s in range(NSLOT):
                i = NSLOT * t + s
                gather_chunk(i, s).wait()
                write_chunk(i, s).start()

            if q < 3:
                for s in range(NSLOT):
                    i = NSLOT * t + s
                    write_chunk(i, s).wait()
                    gather_chunk(i + NSLOT, s).start()
            else:
                @pl.when(tt < STEPS_Q - 1)
                def _prefetch():
                    for s in range(NSLOT):
                        i = NSLOT * t + s
                        write_chunk(i, s).wait()
                        gather_chunk(i + NSLOT, s).start()

            return c

        lax.fori_loop(0, STEPS_Q, step, 0)

    for s in range(NSLOT):
        write_chunk(PER_W - NSLOT + s, s).wait()


_sc_embed_call = functools.partial(
    pl.kernel,
    out_type=jax.ShapeDtypeStruct((SC_RG * EMBED, EMBED), jnp.float32),
    mesh=plsc.VectorSubcoreMesh(core_axis_name="c", subcore_axis_name="s"),
    scratch_types=[
        pltpu.VMEM_SHARED((48, EMBED), jnp.float32),
        pltpu.VMEM((PER_W, 1, EMBED), jnp.int32),
        pltpu.VMEM((QTR, 1, EMBED), jnp.int32),
        pltpu.VMEM((QTR, 1, EMBED), jnp.int32),
        pltpu.VMEM((QTR, 1, EMBED), jnp.int32),
        pltpu.VMEM((EMBED, EMBED), jnp.float32),
        pltpu.VMEM((EMBED, EMBED), jnp.float32),
        pltpu.VMEM((EMBED, EMBED), jnp.float32),
        pltpu.VMEM((EMBED, EMBED), jnp.float32),
        pltpu.SemaphoreType.DMA,
        pltpu.SemaphoreType.DMA,
        pltpu.SemaphoreType.DMA,
        pltpu.SemaphoreType.DMA,
        pltpu.SemaphoreType.DMA,
        pltpu.SemaphoreType.DMA,
        pltpu.SemaphoreType.DMA,
        pltpu.SemaphoreType.DMA,
        pltpu.SemaphoreType.DMA,
    ],
)(_sc_embed)


def _tc_body(xn_ref, xp_ref, xr_ref, tab_ref, out_ref):
    xc = xn_ref[...] + xp_ref[...] * 5 + xr_ref[...] * 15
    v = lax.broadcasted_iota(jnp.int32, (1, 48, 1), 1)
    oh = (xc[:, None, :] == v).astype(jnp.float32)
    tab3 = jnp.broadcast_to(tab_ref[...][None], (BG, 48, EMBED))
    out_ref[...] = lax.dot_general(
        oh, tab3,
        dimension_numbers=(((1,), (1,)), ((0,), (0,))),
        preferred_element_type=jnp.float32,
    )


def _tc_embed(xn, xp, xr, tab):
    return pl.pallas_call(
        _tc_body,
        grid=(TC_GRID,),
        in_specs=[
            pl.BlockSpec((BG, EMBED), lambda i: (i, 0)),
            pl.BlockSpec((BG, EMBED), lambda i: (i, 0)),
            pl.BlockSpec((BG, EMBED), lambda i: (i, 0)),
            pl.BlockSpec((48, EMBED), lambda i: (0, 0)),
        ],
        out_specs=pl.BlockSpec((BG, EMBED, EMBED), lambda i: (i, 0, 0)),
        out_shape=jax.ShapeDtypeStruct((TC_RG, EMBED, EMBED), jnp.float32),
    )(xn, xp, xr, tab)


@jax.jit
def kernel(X_nucl, X_pbs, X_rt, We, Wpbs, Wrt):
    xn = X_nucl.astype(jnp.int32).reshape(ROW_GROUPS, EMBED)
    xp = X_pbs.astype(jnp.int32).reshape(ROW_GROUPS, EMBED)
    xr = X_rt.astype(jnp.int32).reshape(ROW_GROUPS, EMBED)
    tab = _combined_table(We, Wpbs, Wrt)
    sc_out = _sc_embed_call(
        tab,
        xn[:SC_RG].reshape(SC_RG, 1, EMBED),
        xp[:SC_RG].reshape(SC_RG, 1, EMBED),
        xr[:SC_RG].reshape(SC_RG, 1, EMBED),
    )
    tc_out = _tc_embed(xn[SC_RG:], xp[SC_RG:], xr[SC_RG:], tab)
    out = jnp.concatenate(
        [sc_out, tc_out.reshape(TC_RG * EMBED, EMBED)], axis=0
    )
    return out.reshape(X_nucl.shape[0], X_nucl.shape[1], EMBED)

# --- scband reference (transcript-rebuilt; emitter-appended) ---
"""Pipeline reference for scband-annot-embeder-mut-seq-8229157339327 (READ-ONLY COPY).

The authoritative reference and input builder live on the scoring server;
editing this copy changes nothing except your own understanding.
"""

import jax, jax.numpy as jnp
import numpy as np

EMBED_DIM = 128
ANNOT_EMBED = 128
NUM_NUCL = 4
NUM_INDIC = 2
B, L = 4096, 200


def setup_inputs(seed: int = 0) -> dict:
    key = jax.random.key(seed)
    k1, k2, k3, k4, k5, k6 = jax.random.split(key, 6)
    X_nucl = jax.random.randint(k1, (B, L), 0, NUM_NUCL + 1, dtype=jnp.int64 if jax.config.jax_enable_x64 else jnp.int32)
    X_pbs = jax.random.randint(k2, (B, L), 0, NUM_INDIC + 1, dtype=jnp.int64 if jax.config.jax_enable_x64 else jnp.int32)
    X_rt = jax.random.randint(k3, (B, L), 0, NUM_INDIC + 1, dtype=jnp.int64 if jax.config.jax_enable_x64 else jnp.int32)
    We = jax.random.normal(k4, (NUM_NUCL + 1, EMBED_DIM), dtype=jnp.float32)
    We = We.at[NUM_NUCL].set(0.0)  # padding_idx row zeroed as in torch
    Wpbs = jax.random.normal(k5, (NUM_INDIC + 1, ANNOT_EMBED), dtype=jnp.float32)
    Wpbs = Wpbs.at[NUM_INDIC].set(0.0)
    Wrt = jax.random.normal(k6, (NUM_INDIC + 1, ANNOT_EMBED), dtype=jnp.float32)
    Wrt = Wrt.at[NUM_INDIC].set(0.0)
    return {"X_nucl": X_nucl, "X_pbs": X_pbs, "X_rt": X_rt, "We": We, "Wpbs": Wpbs, "Wrt": Wrt}


def reference(X_nucl, X_pbs, X_rt, We, Wpbs, Wrt):
    # assemb_opt == 'add': sum of three embedding lookups
    e_nucl = jnp.take(We, X_nucl, axis=0)
    e_pbs = jnp.take(Wpbs, X_pbs, axis=0)
    e_rt = jnp.take(Wrt, X_rt, axis=0)
    return e_nucl + e_pbs + e_rt

if __name__ == "__main__":
    import jax
    _d = setup_inputs()
    print(jax.jit(kernel)(*tuple(_d.values())))

</pallas_src>

<mosaic_0001>
#map = affine_map<(d0, d1) -> (0, 0)>
#map1 = affine_map<(d0, d1) -> (0, 0, 0)>
module attributes {stable_mosaic.version = 14 : i64} {
  func.func @_sc_embed(%arg0: i32, %arg1: i32, %arg2: memref<48x128xf32, #tpu.memory_space<hbm>>, %arg3: memref<4096x1x128xi32, #tpu.memory_space<hbm>>, %arg4: memref<4096x1x128xi32, #tpu.memory_space<hbm>>, %arg5: memref<4096x1x128xi32, #tpu.memory_space<hbm>>, %arg6: memref<524288x128xf32, #tpu.memory_space<hbm>>, %arg7: memref<48x128xf32, #tpu.memory_space<vmem_shared>>, %arg8: memref<128x1x128xi32, #tpu.memory_space<vmem>>, %arg9: memref<32x1x128xi32, #tpu.memory_space<vmem>>, %arg10: memref<32x1x128xi32, #tpu.memory_space<vmem>>, %arg11: memref<32x1x128xi32, #tpu.memory_space<vmem>>, %arg12: memref<128x128xf32, #tpu.memory_space<vmem>>, %arg13: memref<128x128xf32, #tpu.memory_space<vmem>>, %arg14: memref<128x128xf32, #tpu.memory_space<vmem>>, %arg15: memref<128x128xf32, #tpu.memory_space<vmem>>, %arg16: memref<!tpu.dma_semaphore, #tpu.memory_space<semaphore_mem>>, %arg17: memref<!tpu.dma_semaphore, #tpu.memory_space<semaphore_mem>>, %arg18: memref<!tpu.dma_semaphore, #tpu.memory_space<semaphore_mem>>, %arg19: memref<!tpu.dma_semaphore, #tpu.memory_space<semaphore_mem>>, %arg20: memref<!tpu.dma_semaphore, #tpu.memory_space<semaphore_mem>>, %arg21: memref<!tpu.dma_semaphore, #tpu.memory_space<semaphore_mem>>, %arg22: memref<!tpu.dma_semaphore, #tpu.memory_space<semaphore_mem>>, %arg23: memref<!tpu.dma_semaphore, #tpu.memory_space<semaphore_mem>>, %arg24: memref<!tpu.dma_semaphore, #tpu.memory_space<semaphore_mem>>) attributes {dimension_semantics = [#tpu.dimension_semantics<core_parallel>, #tpu.dimension_semantics<subcore_parallel>], iteration_bounds = array<i64: 2, 16>, scalar_prefetch = 0 : i64, scratch_operands = 18 : i64, tpu.core_type = #tpu.core_type<sc_vector_subcore>, window_params = [{transform_indices = #map}, {transform_indices = #map1}, {transform_indices = #map1}, {transform_indices = #map1}, {transform_indices = #map}]} {
    %mul3A = arith.constant 2 : i32
    %mul3A_0 = arith.muli %arg1, %mul3A : i32
    %add3A = arith.addi %mul3A_0, %arg0 : i32
    %mul3A_1 = arith.constant 128 : i32
    %mul3A_2 = arith.muli %add3A, %mul3A_1 : i32
    %eq3A = arith.constant 0 : i32
    %eq3A_3 = arith.cmpi eq, %arg1, %eq3A : i32
    %convert_element_type3A = arith.extui %eq3A_3 : i1 to i32
    %cond3A = arith.constant 0 : i32
    %cond3A_4 = arith.cmpi ne, %convert_element_type3A, %cond3A : i32
    scf.if %cond3A_4 {
      "tpu.region"() ({
        %run_scoped3A = tpu.sem_alloc : memref<!tpu.dma_semaphore, #tpu.memory_space<semaphore_mem>>
        tpu.enqueue_dma source(%arg2 : memref<48x128xf32, #tpu.memory_space<hbm>>) target(%arg7 : memref<48x128xf32, #tpu.memory_space<vmem_shared>>) target_semaphore(%run_scoped3A : memref<!tpu.dma_semaphore, #tpu.memory_space<semaphore_mem>>)
        tpu.wait_dma2 semaphore(%run_scoped3A : memref<!tpu.dma_semaphore, #tpu.memory_space<semaphore_mem>>) src(%arg2 : memref<48x128xf32, #tpu.memory_space<hbm>>) dst(%arg7 : memref<48x128xf32, #tpu.memory_space<vmem_shared>>)
        tpu.yield
      }) : () -> ()
    } else {
    }
    %barrier3A = arith.constant 0 : index
    tpu.barrier barrier_id(%barrier3A)
    %add3A_5 = arith.constant 0 : i32
    %add3A_6 = arith.addi %mul3A_2, %add3A_5 : i32
    %dma_start3A = arith.constant 0 : i32
    %dma_start3A_7 = arith.constant 0 : i32
    %dma_start3A_8 = tpu.memref_slice %arg3[%add3A_6, %dma_start3A, %dma_start3A_7] : memref<4096x1x128xi32, #tpu.memory_space<hbm>> -> memref<32x1x128xi32, #tpu.memory_space<hbm>>
    %dma_start3A_9 = arith.constant 0 : i32
    %dma_start3A_10 = arith.constant 0 : i32
    %dma_start3A_11 = tpu.memref_slice %arg3[%add3A_6, %dma_start3A_9, %dma_start3A_10] : memref<4096x1x128xi32, #tpu.memory_space<hbm>> -> memref<32x1x128xi32, #tpu.memory_space<hbm>>
    tpu.enqueue_dma source(%dma_start3A_11 : memref<32x1x128xi32, #tpu.memory_space<hbm>>) target(%arg9 : memref<32x1x128xi32, #tpu.memory_space<vmem>>) target_semaphore(%arg24 : memref<!tpu.dma_semaphore, #tpu.memory_space<semaphore_mem>>)
    %dma_start3A_12 = arith.constant 0 : i32
    %dma_start3A_13 = arith.constant 0 : i32
    %dma_start3A_14 = tpu.memref_slice %arg4[%add3A_6, %dma_start3A_12, %dma_start3A_13] : memref<4096x1x128xi32, #tpu.memory_space<hbm>> -> memref<32x1x128xi32, #tpu.memory_space<hbm>>
    %dma_start3A_15 = arith.constant 0 : i32
    %dma_start3A_16 = arith.constant 0 : i32
    %dma_start3A_17 = tpu.memref_slice %arg4[%add3A_6, %dma_start3A_15, %dma_start3A_16] : memref<4096x1x128xi32, #tpu.memory_space<hbm>> -> memref<32x1x128xi32, #tpu.memory_space<hbm>>
    tpu.enqueue_dma source(%dma_start3A_17 : memref<32x1x128xi32, #tpu.memory_space<hbm>>) target(%arg10 : memref<32x1x128xi32, #tpu.memory_space<vmem>>) target_semaphore(%arg24 : memref<!tpu.dma_semaphore, #tpu.memory_space<semaphore_mem>>)
    %dma_start3A_18 = arith.constant 0 : i32
    %dma_start3A_19 = arith.constant 0 : i32
    %dma_start3A_20 = tpu.memref_slice %arg5[%add3A_6, %dma_start3A_18, %dma_start3A_19] : memref<4096x1x128xi32, #tpu.memory_space<hbm>> -> memref<32x1x128xi32, #tpu.memory_space<hbm>>
    %dma_start3A_21 = arith.constant 0 : i32
    %dma_start3A_22 = arith.constant 0 : i32
    %dma_start3A_23 = tpu.memref_slice %arg5[%add3A_6, %dma_start3A_21, %dma_start3A_22] : memref<4096x1x128xi32, #tpu.memory_space<hbm>> -> memref<32x1x128xi32, #tpu.memory_space<hbm>>
    tpu.enqueue_dma source(%dma_start3A_23 : memref<32x1x128xi32, #tpu.memory_space<hbm>>) target(%arg11 : memref<32x1x128xi32, #tpu.memory_space<vmem>>) target_semaphore(%arg24 : memref<!tpu.dma_semaphore, #tpu.memory_space<semaphore_mem>>)
    %add3A_24 = arith.constant 0 : i32
    %add3A_25 = arith.addi %mul3A_2, %add3A_24 : i32
    %dma_wait3A = arith.constant 0 : i32
    %dma_wait3A_26 = arith.constant 0 : i32
    %dma_wait3A_27 = tpu.memref_slice %arg3[%add3A_25, %dma_wait3A, %dma_wait3A_26] : memref<4096x1x128xi32, #tpu.memory_space<hbm>> -> memref<32x1x128xi32, #tpu.memory_space<hbm>>
    %dma_wait3A_28 = arith.constant 0 : i32
    %dma_wait3A_29 = arith.constant 0 : i32
    %dma_wait3A_30 = tpu.memref_slice %arg3[%add3A_25, %dma_wait3A_28, %dma_wait3A_29] : memref<4096x1x128xi32, #tpu.memory_space<hbm>> -> memref<32x1x128xi32, #tpu.memory_space<hbm>>
    tpu.wait_dma2 semaphore(%arg24 : memref<!tpu.dma_semaphore, #tpu.memory_space<semaphore_mem>>) src(%dma_wait3A_30 : memref<32x1x128xi32, #tpu.memory_space<hbm>>) dst(%arg9 : memref<32x1x128xi32, #tpu.memory_space<vmem>>)
    %dma_wait3A_31 = arith.constant 0 : i32
    %dma_wait3A_32 = arith.constant 0 : i32
    %dma_wait3A_33 = tpu.memref_slice %arg4[%add3A_25, %dma_wait3A_31, %dma_wait3A_32] : memref<4096x1x128xi32, #tpu.memory_space<hbm>> -> memref<32x1x128xi32, #tpu.memory_space<hbm>>
    %dma_wait3A_34 = arith.constant 0 : i32
    %dma_wait3A_35 = arith.constant 0 : i32
    %dma_wait3A_36 = tpu.memref_slice %arg4[%add3A_25, %dma_wait3A_34, %dma_wait3A_35] : memref<4096x1x128xi32, #tpu.memory_space<hbm>> -> memref<32x1x128xi32, #tpu.memory_space<hbm>>
    tpu.wait_dma2 semaphore(%arg24 : memref<!tpu.dma_semaphore, #tpu.memory_space<semaphore_mem>>) src(%dma_wait3A_36 : memref<32x1x128xi32, #tpu.memory_space<hbm>>) dst(%arg10 : memref<32x1x128xi32, #tpu.memory_space<vmem>>)
    %dma_wait3A_37 = arith.constant 0 : i32
    %dma_wait3A_38 = arith.constant 0 : i32
    %dma_wait3A_39 = tpu.memref_slice %arg5[%add3A_25, %dma_wait3A_37, %dma_wait3A_38] : memref<4096x1x128xi32, #tpu.memory_space<hbm>> -> memref<32x1x128xi32, #tpu.memory_space<hbm>>
    %dma_wait3A_40 = arith.constant 0 : i32
    %dma_wait3A_41 = arith.constant 0 : i32
    %dma_wait3A_42 = tpu.memref_slice %arg5[%add3A_25, %dma_wait3A_40, %dma_wait3A_41] : memref<4096x1x128xi32, #tpu.memory_space<hbm>> -> memref<32x1x128xi32, #tpu.memory_space<hbm>>
    tpu.wait_dma2 semaphore(%arg24 : memref<!tpu.dma_semaphore, #tpu.memory_space<semaphore_mem>>) src(%dma_wait3A_42 : memref<32x1x128xi32, #tpu.memory_space<hbm>>) dst(%arg11 : memref<32x1x128xi32, #tpu.memory_space<vmem>>)
    %scan3A = arith.constant 0 : i32
    %scan3A_43 = arith.constant 0 : i32
    %scan3A_44 = arith.constant 32 : i32
    %scan3A_45 = arith.addi %scan3A_43, %scan3A_44 : i32
    %scan3A_46 = arith.constant 1 : i32
    scf.for %scan3A_156 = %scan3A_43 to %scan3A_45 step %scan3A_46  : i32 {
      %get3A = arith.constant 0 : i32
      %get3A_157 = arith.index_cast %scan3A_156 : i32 to index
      %get3A_158 = arith.index_cast %get3A : i32 to index
      %get3A_159 = arith.constant 0 : index
      %get3A_160 = tpu.vector_load %arg9[%get3A_157, %get3A_158, %get3A_159] {strides = array<i32>} : memref<32x1x128xi32, #tpu.memory_space<vmem>>, vector<1x1x16xi32>,
      %get3A_161 = vector.shape_cast %get3A_160 : vector<1x1x16xi32> to vector<16xi32>
      %get3A_162 = arith.constant 0 : i32
      %get3A_163 = arith.index_cast %scan3A_156 : i32 to index
      %get3A_164 = arith.index_cast %get3A_162 : i32 to index
      %get3A_165 = arith.constant 0 : index
      %get3A_166 = tpu.vector_load %arg10[%get3A_163, %get3A_164, %get3A_165] {strides = array<i32>} : memref<32x1x128xi32, #tpu.memory_space<vmem>>, vector<1x1x16xi32>,
      %get3A_167 = vector.shape_cast %get3A_166 : vector<1x1x16xi32> to vector<16xi32>
      %mul3A_168 = arith.constant 5 : i32
      %mul3A_169 = vector.broadcast %mul3A_168 : i32 to vector<16xi32>
      %mul3A_170 = arith.muli %get3A_167, %mul3A_169 : vector<16xi32>
      %add3A_171 = arith.addi %get3A_161, %mul3A_170 : vector<16xi32>
      %get3A_172 = arith.constant 0 : i32
      %get3A_173 = arith.index_cast %scan3A_156 : i32 to index
      %get3A_174 = arith.index_cast %get3A_172 : i32 to index
      %get3A_175 = arith.constant 0 : index
      %get3A_176 = tpu.vector_load %arg11[%get3A_173, %get3A_174, %get3A_175] {strides = array<i32>} : memref<32x1x128xi32, #tpu.memory_space<vmem>>, vector<1x1x16xi32>,
      %get3A_177 = vector.shape_cast %get3A_176 : vector<1x1x16xi32> to vector<16xi32>
      %mul3A_178 = arith.constant 15 : i32
      %mul3A_179 = vector.broadcast %mul3A_178 : i32 to vector<16xi32>
      %mul3A_180 = arith.muli %get3A_177, %mul3A_179 : vector<16xi32>
      %add3A_181 = arith.addi %add3A_171, %mul3A_180 : vector<16xi32>
      %swap3A = arith.constant 0 : i32
      %swap3A_182 = arith.index_cast %scan3A_156 : i32 to index
      %swap3A_183 = arith.index_cast %swap3A : i32 to index
      %swap3A_184 = arith.constant 0 : index
      %swap3A_185 = tpu.vector_load %arg8[%swap3A_182, %swap3A_183, %swap3A_184] {strides = array<i32>} : memref<128x1x128xi32, #tpu.memory_space<vmem>>, vector<1x1x16xi32>,
      %swap3A_186 = vector.shape_cast %swap3A_185 : vector<1x1x16xi32> to vector<16xi32>
      %swap3A_187 = vector.shape_cast %add3A_181 : vector<16xi32> to vector<1x1x16xi32>
      tpu.vector_store %arg8[%swap3A_182, %swap3A_183, %swap3A_184], %swap3A_187 {strides = array<i32>} : memref<128x1x128xi32, #tpu.memory_space<vmem>>, vector<1x1x16xi32>,
      %get3A_188 = arith.constant 0 : i32
      %get3A_189 = arith.index_cast %scan3A_156 : i32 to index
      %get3A_190 = arith.index_cast %get3A_188 : i32 to index
      %get3A_191 = arith.constant 16 : index
      %get3A_192 = tpu.vector_load %arg9[%get3A_189, %get3A_190, %get3A_191] {strides = array<i32>} : memref<32x1x128xi32, #tpu.memory_space<vmem>>, vector<1x1x16xi32>,
      %get3A_193 = vector.shape_cast %get3A_192 : vector<1x1x16xi32> to vector<16xi32>
      %get3A_194 = arith.constant 0 : i32
      %get3A_195 = arith.index_cast %scan3A_156 : i32 to index
      %get3A_196 = arith.index_cast %get3A_194 : i32 to index
      %get3A_197 = arith.constant 16 : index
      %get3A_198 = tpu.vector_load %arg10[%get3A_195, %get3A_196, %get3A_197] {strides = array<i32>} : memref<32x1x128xi32, #tpu.memory_space<vmem>>, vector<1x1x16xi32>,
      %get3A_199 = vector.shape_cast %get3A_198 : vector<1x1x16xi32> to vector<16xi32>
      %mul3A_200 = arith.constant 5 : i32
      %mul3A_201 = vector.broadcast %mul3A_200 : i32 to vector<16xi32>
      %mul3A_202 = arith.muli %get3A_199, %mul3A_201 : vector<16xi32>
      %add3A_203 = arith.addi %get3A_193, %mul3A_202 : vector<16xi32>
      %get3A_204 = arith.constant 0 : i32
      %get3A_205 = arith.index_cast %scan3A_156 : i32 to index
      %get3A_206 = arith.index_cast %get3A_204 : i32 to index
      %get3A_207 = arith.constant 16 : index
      %get3A_208 = tpu.vector_load %arg11[%get3A_205, %get3A_206, %get3A_207] {strides = array<i32>} : memref<32x1x128xi32, #tpu.memory_space<vmem>>, vector<1x1x16xi32>,
      %get3A_209 = vector.shape_cast %get3A_208 : vector<1x1x16xi32> to vector<16xi32>
      %mul3A_210 = arith.constant 15 : i32
      %mul3A_211 = vector.broadcast %mul3A_210 : i32 to vector<16xi32>
      %mul3A_212 = arith.muli %get3A_209, %mul3A_211 : vector<16xi32>
      %add3A_213 = arith.addi %add3A_203, %mul3A_212 : vector<16xi32>
      %swap3A_214 = arith.constant 0 : i32
      %swap3A_215 = arith.index_cast %scan3A_156 : i32 to index
      %swap3A_216 = arith.index_cast %swap3A_214 : i32 to index
      %swap3A_217 = arith.constant 16 : index
      %swap3A_218 = tpu.vector_load %arg8[%swap3A_215, %swap3A_216, %swap3A_217] {strides = array<i32>} : memref<128x1x128xi32, #tpu.memory_space<vmem>>, vector<1x1x16xi32>,
      %swap3A_219 = vector.shape_cast %swap3A_218 : vector<1x1x16xi32> to vector<16xi32>
      %swap3A_220 = vector.shape_cast %add3A_213 : vector<16xi32> to vector<1x1x16xi32>
      tpu.vector_store %arg8[%swap3A_215, %swap3A_216, %swap3A_217], %swap3A_220 {strides = array<i32>} : memref<128x1x128xi32, #tpu.memory_space<vmem>>, vector<1x1x16xi32>,
      %get3A_221 = arith.constant 0 : i32
      %get3A_222 = arith.index_cast %scan3A_156 : i32 to index
      %get3A_223 = arith.index_cast %get3A_221 : i32 to index
      %get3A_224 = arith.constant 32 : index
      %get3A_225 = tpu.vector_load %arg9[%get3A_222, %get3A_223, %get3A_224] {strides = array<i32>} : memref<32x1x128xi32, #tpu.memory_space<vmem>>, vector<1x1x16xi32>,
      %get3A_226 = vector.shape_cast %get3A_225 : vector<1x1x16xi32> to vector<16xi32>
      %get3A_227 = arith.constant 0 : i32
      %get3A_228 = arith.index_cast %scan3A_156 : i32 to index
      %get3A_229 = arith.index_cast %get3A_227 : i32 to index
      %get3A_230 = arith.constant 32 : index
      %get3A_231 = tpu.vector_load %arg10[%get3A_228, %get3A_229, %get3A_230] {strides = array<i32>} : memref<32x1x128xi32, #tpu.memory_space<vmem>>, vector<1x1x16xi32>,
      %get3A_232 = vector.shape_cast %get3A_231 : vector<1x1x16xi32> to vector<16xi32>
      %mul3A_233 = arith.constant 5 : i32
      %mul3A_234 = vector.broadcast %mul3A_233 : i32 to vector<16xi32>
      %mul3A_235 = arith.muli %get3A_232, %mul3A_234 : vector<16xi32>
      %add3A_236 = arith.addi %get3A_226, %mul3A_235 : vector<16xi32>
      %get3A_237 = arith.constant 0 : i32
      %get3A_238 = arith.index_cast %scan3A_156 : i32 to index
      %get3A_239 = arith.index_cast %get3A_237 : i32 to index
      %get3A_240 = arith.constant 32 : index
      %get3A_241 = tpu.vector_load %arg11[%get3A_238, %get3A_239, %get3A_240] {strides = array<i32>} : memref<32x1x128xi32, #tpu.memory_space<vmem>>, vector<1x1x16xi32>,
      %get3A_242 = vector.shape_cast %get3A_241 : vector<1x1x16xi32> to vector<16xi32>
      %mul3A_243 = arith.constant 15 : i32
      %mul3A_244 = vector.broadcast %mul3A_243 : i32 to vector<16xi32>
      %mul3A_245 = arith.muli %get3A_242, %mul3A_244 : vector<16xi32>
      %add3A_246 = arith.addi %add3A_236, %mul3A_245 : vector<16xi32>
      %swap3A_247 = arith.constant 0 : i32
      %swap3A_248 = arith.index_cast %scan3A_156 : i32 to index
      %swap3A_249 = arith.index_cast %swap3A_247 : i32 to index
      %swap3A_250 = arith.constant 32 : index
      %swap3A_251 = tpu.vector_load %arg8[%swap3A_248, %swap3A_249, %swap3A_250] {strides = array<i32>} : memref<128x1x128xi32, #tpu.memory_space<vmem>>, vector<1x1x16xi32>,
      %swap3A_252 = vector.shape_cast %swap3A_251 : vector<1x1x16xi32> to vector<16xi32>
      %swap3A_253 = vector.shape_cast %add3A_246 : vector<16xi32> to vector<1x1x16xi32>
      tpu.vector_store %arg8[%swap3A_248, %swap3A_249, %swap3A_250], %swap3A_253 {strides = array<i32>} : memref<128x1x128xi32, #tpu.memory_space<vmem>>, vector<1x1x16xi32>,
      %get3A_254 = arith.constant 0 : i32
      %get3A_255 = arith.index_cast %scan3A_156 : i32 to index
      %get3A_256 = arith.index_cast %get3A_254 : i32 to index
      %get3A_257 = arith.constant 48 : index
      %get3A_258 = tpu.vector_load %arg9[%get3A_255, %get3A_256, %get3A_257] {strides = array<i32>} : memref<32x1x128xi32, #tpu.memory_space<vmem>>, vector<1x1x16xi32>,
      %get3A_259 = vector.shape_cast %get3A_258 : vector<1x1x16xi32> to vector<16xi32>
      %get3A_260 = arith.constant 0 : i32
      %get3A_261 = arith.index_cast %scan3A_156 : i32 to index
      %get3A_262 = arith.index_cast %get3A_260 : i32 to index
      %get3A_263 = arith.constant 48 : index
      %get3A_264 = tpu.vector_load %arg10[%get3A_261, %get3A_262, %get3A_263] {strides = array<i32>} : memref<32x1x128xi32, #tpu.memory_space<vmem>>, vector<1x1x16xi32>,
      %get3A_265 = vector.shape_cast %get3A_264 : vector<1x1x16xi32> to vector<16xi32>
      %mul3A_266 = arith.constant 5 : i32
      %mul3A_267 = vector.broadcast %mul3A_266 : i32 to vector<16xi32>
      %mul3A_268 = arith.muli %get3A_265, %mul3A_267 : vector<16xi32>
      %add3A_269 = arith.addi %get3A_259, %mul3A_268 : vector<16xi32>
      %get3A_270 = arith.constant 0 : i32
      %get3A_271 = arith.index_cast %scan3A_156 : i32 to index
      %get3A_272 = arith.index_cast %get3A_270 : i32 to index
      %get3A_273 = arith.constant 48 : index
      %get3A_274 = tpu.vector_load %arg11[%get3A_271, %get3A_272, %get3A_273] {strides = array<i32>} : memref<32x1x128xi32, #tpu.memory_space<vmem>>, vector<1x1x16xi32>,
      %get3A_275 = vector.shape_cast %get3A_274 : vector<1x1x16xi32> to vector<16xi32>
      %mul3A_276 = arith.constant 15 : i32
      %mul3A_277 = vector.broadcast %mul3A_276 : i32 to vector<16xi32>
      %mul3A_278 = arith.muli %get3A_275, %mul3A_277 : vector<16xi32>
      %add3A_279 = arith.addi %add3A_269, %mul3A_278 : vector<16xi32>
      %swap3A_280 = arith.constant 0 : i32
      %swap3A_281 = arith.index_cast %scan3A_156 : i32 to index
      %swap3A_282 = arith.index_cast %swap3A_280 : i32 to index
      %swap3A_283 = arith.constant 48 : index
      %swap3A_284 = tpu.vector_load %arg8[%swap3A_281, %swap3A_282, %swap3A_283] {strides = array<i32>} : memref<128x1x128xi32, #tpu.memory_space<vmem>>, vector<1x1x16xi32>,
      %swap3A_285 = vector.shape_cast %swap3A_284 : vector<1x1x16xi32> to vector<16xi32>
      %swap3A_286 = vector.shape_cast %add3A_279 : vector<16xi32> to vector<1x1x16xi32>
      tpu.vector_store %arg8[%swap3A_281, %swap3A_282, %swap3A_283], %swap3A_286 {strides = array<i32>} : memref<128x1x128xi32, #tpu.memory_space<vmem>>, vector<1x1x16xi32>,
      %get3A_287 = arith.constant 0 : i32
      %get3A_288 = arith.index_cast %scan3A_156 : i32 to index
      %get3A_289 = arith.index_cast %get3A_287 : i32 to index
      %get3A_290 = arith.constant 64 : index
      %get3A_291 = tpu.vector_load %arg9[%get3A_288, %get3A_289, %get3A_290] {strides = array<i32>} : memref<32x1x128xi32, #tpu.memory_space<vmem>>, vector<1x1x16xi32>,
      %get3A_292 = vector.shape_cast %get3A_291 : vector<1x1x16xi32> to vector<16xi32>
      %get3A_293 = arith.constant 0 : i32
      %get3A_294 = arith.index_cast %scan3A_156 : i32 to index
      %get3A_295 = arith.index_cast %get3A_293 : i32 to index
      %get3A_296 = arith.constant 64 : index
      %get3A_297 = tpu.vector_load %arg10[%get3A_294, %get3A_295, %get3A_296] {strides = array<i32>} : memref<32x1x128xi32, #tpu.memory_space<vmem>>, vector<1x1x16xi32>,
      %get3A_298 = vector.shape_cast %get3A_297 : vector<1x1x16xi32> to vector<16xi32>
      %mul3A_299 = arith.constant 5 : i32
      %mul3A_300 = vector.broadcast %mul3A_299 : i32 to vector<16xi32>
      %mul3A_301 = arith.muli %get3A_298, %mul3A_300 : vector<16xi32>
      %add3A_302 = arith.addi %get3A_292, %mul3A_301 : vector<16xi32>
      %get3A_303 = arith.constant 0 : i32
      %get3A_304 = arith.index_cast %scan3A_156 : i32 to index
      %get3A_305 = arith.index_cast %get3A_303 : i32 to index
      %get3A_306 = arith.constant 64 : index
      %get3A_307 = tpu.vector_load %arg11[%get3A_304, %get3A_305, %get3A_306] {strides = array<i32>} : memref<32x1x128xi32, #tpu.memory_space<vmem>>, vector<1x1x16xi32>,
      %get3A_308 = vector.shape_cast %get3A_307 : vector<1x1x16xi32> to vector<16xi32>
      %mul3A_309 = arith.constant 15 : i32
      %mul3A_310 = vector.broadcast %mul3A_309 : i32 to vector<16xi32>
      %mul3A_311 = arith.muli %get3A_308, %mul3A_310 : vector<16xi32>
      %add3A_312 = arith.addi %add3A_302, %mul3A_311 : vector<16xi32>
      %swap3A_313 = arith.constant 0 : i32
      %swap3A_314 = arith.index_cast %scan3A_156 : i32 to index
      %swap3A_315 = arith.index_cast %swap3A_313 : i32 to index
      %swap3A_316 = arith.constant 64 : index
      %swap3A_317 = tpu.vector_load %arg8[%swap3A_314, %swap3A_315, %swap3A_316] {strides = array<i32>} : memref<128x1x128xi32, #tpu.memory_space<vmem>>, vector<1x1x16xi32>,
      %swap3A_318 = vector.shape_cast %swap3A_317 : vector<1x1x16xi32> to vector<16xi32>
      %swap3A_319 = vector.shape_cast %add3A_312 : vector<16xi32> to vector<1x1x16xi32>
      tpu.vector_store %arg8[%swap3A_314, %swap3A_315, %swap3A_316], %swap3A_319 {strides = array<i32>} : memref<128x1x128xi32, #tpu.memory_space<vmem>>, vector<1x1x16xi32>,
      %get3A_320 = arith.constant 0 : i32
      %get3A_321 = arith.index_cast %scan3A_156 : i32 to index
      %get3A_322 = arith.index_cast %get3A_320 : i32 to index
      %get3A_323 = arith.constant 80 : index
      %get3A_324 = tpu.vector_load %arg9[%get3A_321, %get3A_322, %get3A_323] {strides = array<i32>} : memref<32x1x128xi32, #tpu.memory_space<vmem>>, vector<1x1x16xi32>,
      %get3A_325 = vector.shape_cast %get3A_324 : vector<1x1x16xi32> to vector<16xi32>
      %get3A_326 = arith.constant 0 : i32
      %get3A_327 = arith.index_cast %scan3A_156 : i32 to index
      %get3A_328 = arith.index_cast %get3A_326 : i32 to index
      %get3A_329 = arith.constant 80 : index
      %get3A_330 = tpu.vector_load %arg10[%get3A_327, %get3A_328, %get3A_329] {strides = array<i32>} : memref<32x1x128xi32, #tpu.memory_space<vmem>>, vector<1x1x16xi32>,
      %get3A_331 = vector.shape_cast %get3A_330 : vector<1x1x16xi32> to vector<16xi32>
      %mul3A_332 = arith.constant 5 : i32
      %mul3A_333 = vector.broadcast %mul3A_332 : i32 to vector<16xi32>
      %mul3A_334 = arith.muli %get3A_331, %mul3A_333 : vector<16xi32>
      %add3A_335 = arith.addi %get3A_325, %mul3A_334 : vector<16xi32>
      %get3A_336 = arith.constant 0 : i32
      %get3A_337 = arith.index_cast %scan3A_156 : i32 to index
      %get3A_338 = arith.index_cast %get3A_336 : i32 to index
      %get3A_339 = arith.constant 80 : index
      %get3A_340 = tpu.vector_load %arg11[%get3A_337, %get3A_338, %get3A_339] {strides = array<i32>} : memref<32x1x128xi32, #tpu.memory_space<vmem>>, vector<1x1x16xi32>,
      %get3A_341 = vector.shape_cast %get3A_340 : vector<1x1x16xi32> to vector<16xi32>
      %mul3A_342 = arith.constant 15 : i32
      %mul3A_343 = vector.broadcast %mul3A_342 : i32 to vector<16xi32>
      %mul3A_344 = arith.muli %get3A_341, %mul3A_343 : vector<16xi32>
      %add3A_345 = arith.addi %add3A_335, %mul3A_344 : vector<16xi32>
      %swap3A_346 = arith.constant 0 : i32
      %swap3A_347 = arith.index_cast %scan3A_156 : i32 to index
      %swap3A_348 = arith.index_cast %swap3A_346 : i32 to index
      %swap3A_349 = arith.constant 80 : index
      %swap3A_350 = tpu.vector_load %arg8[%swap3A_347, %swap3A_348, %swap3A_349] {strides = array<i32>} : memref<128x1x128xi32, #tpu.memory_space<vmem>>, vector<1x1x16xi32>,
      %swap3A_351 = vector.shape_cast %swap3A_350 : vector<1x1x16xi32> to vector<16xi32>
      %swap3A_352 = vector.shape_cast %add3A_345 : vector<16xi32> to vector<1x1x16xi32>
      tpu.vector_store %arg8[%swap3A_347, %swap3A_348, %swap3A_349], %swap3A_352 {strides = array<i32>} : memref<128x1x128xi32, #tpu.memory_space<vmem>>, vector<1x1x16xi32>,
      %get3A_353 = arith.constant 0 : i32
      %get3A_354 = arith.index_cast %scan3A_156 : i32 to index
      %get3A_355 = arith.index_cast %get3A_353 : i32 to index
      %get3A_356 = arith.constant 96 : index
      %get3A_357 = tpu.vector_load %arg9[%get3A_354, %get3A_355, %get3A_356] {strides = array<i32>} : memref<32x1x128xi32, #tpu.memory_space<vmem>>, vector<1x1x16xi32>,
      %get3A_358 = vector.shape_cast %get3A_357 : vector<1x1x16xi32> to vector<16xi32>
      %get3A_359 = arith.constant 0 : i32
      %get3A_360 = arith.index_cast %scan3A_156 : i32 to index
      %get3A_361 = arith.index_cast %get3A_359 : i32 to index
      %get3A_362 = arith.constant 96 : index
      %get3A_363 = tpu.vector_load %arg10[%get3A_360, %get3A_361, %get3A_362] {strides = array<i32>} : memref<32x1x128xi32, #tpu.memory_space<vmem>>, vector<1x1x16xi32>,
      %get3A_364 = vector.shape_cast %get3A_363 : vector<1x1x16xi32> to vector<16xi32>
      %mul3A_365 = arith.constant 5 : i32
      %mul3A_366 = vector.broadcast %mul3A_365 : i32 to vector<16xi32>
      %mul3A_367 = arith.muli %get3A_364, %mul3A_366 : vector<16xi32>
      %add3A_368 = arith.addi %get3A_358, %mul3A_367 : vector<16xi32>
      %get3A_369 = arith.constant 0 : i32
      %get3A_370 = arith.index_cast %scan3A_156 : i32 to index
      %get3A_371 = arith.index_cast %get3A_369 : i32 to index
      %get3A_372 = arith.constant 96 : index
      %get3A_373 = tpu.vector_load %arg11[%get3A_370, %get3A_371, %get3A_372] {strides = array<i32>} : memref<32x1x128xi32, #tpu.memory_space<vmem>>, vector<1x1x16xi32>,
      %get3A_374 = vector.shape_cast %get3A_373 : vector<1x1x16xi32> to vector<16xi32>
      %mul3A_375 = arith.constant 15 : i32
      %mul3A_376 = vector.broadcast %mul3A_375 : i32 to vector<16xi32>
      %mul3A_377 = arith.muli %get3A_374, %mul3A_376 : vector<16xi32>
      %add3A_378 = arith.addi %add3A_368, %mul3A_377 : vector<16xi32>
      %swap3A_379 = arith.constant 0 : i32
      %swap3A_380 = arith.index_cast %scan3A_156 : i32 to index
      %swap3A_381 = arith.index_cast %swap3A_379 : i32 to index
      %swap3A_382 = arith.constant 96 : index
      %swap3A_383 = tpu.vector_load %arg8[%swap3A_380, %swap3A_381, %swap3A_382] {strides = array<i32>} : memref<128x1x128xi32, #tpu.memory_space<vmem>>, vector<1x1x16xi32>,
      %swap3A_384 = vector.shape_cast %swap3A_383 : vector<1x1x16xi32> to vector<16xi32>
      %swap3A_385 = vector.shape_cast %add3A_378 : vector<16xi32> to vector<1x1x16xi32>
      tpu.vector_store %arg8[%swap3A_380, %swap3A_381, %swap3A_382], %swap3A_385 {strides = array<i32>} : memref<128x1x128xi32, #tpu.memory_space<vmem>>, vector<1x1x16xi32>,
      %get3A_386 = arith.constant 0 : i32
      %get3A_387 = arith.index_cast %scan3A_156 : i32 to index
      %get3A_388 = arith.index_cast %get3A_386 : i32 to index
      %get3A_389 = arith.constant 112 : index
      %get3A_390 = tpu.vector_load %arg9[%get3A_387, %get3A_388, %get3A_389] {strides = array<i32>} : memref<32x1x128xi32, #tpu.memory_space<vmem>>, vector<1x1x16xi32>,
      %get3A_391 = vector.shape_cast %get3A_390 : vector<1x1x16xi32> to vector<16xi32>
      %get3A_392 = arith.constant 0 : i32
      %get3A_393 = arith.index_cast %scan3A_156 : i32 to index
      %get3A_394 = arith.index_cast %get3A_392 : i32 to index
      %get3A_395 = arith.constant 112 : index
      %get3A_396 = tpu.vector_load %arg10[%get3A_393, %get3A_394, %get3A_395] {strides = array<i32>} : memref<32x1x128xi32, #tpu.memory_space<vmem>>, vector<1x1x16xi32>,
      %get3A_397 = vector.shape_cast %get3A_396 : vector<1x1x16xi32> to vector<16xi32>
      %mul3A_398 = arith.constant 5 : i32
      %mul3A_399 = vector.broadcast %mul3A_398 : i32 to vector<16xi32>
      %mul3A_400 = arith.muli %get3A_397, %mul3A_399 : vector<16xi32>
      %add3A_401 = arith.addi %get3A_391, %mul3A_400 : vector<16xi32>
      %get3A_402 = arith.constant 0 : i32
      %get3A_403 = arith.index_cast %scan3A_156 : i32 to index
      %get3A_404 = arith.index_cast %get3A_402 : i32 to index
      %get3A_405 = arith.constant 112 : index
      %get3A_406 = tpu.vector_load %arg11[%get3A_403, %get3A_404, %get3A_405] {strides = array<i32>} : memref<32x1x128xi32, #tpu.memory_space<vmem>>, vector<1x1x16xi32>,
      %get3A_407 = vector.shape_cast %get3A_406 : vector<1x1x16xi32> to vector<16xi32>
      %mul3A_408 = arith.constant 15 : i32
      %mul3A_409 = vector.broadcast %mul3A_408 : i32 to vector<16xi32>
      %mul3A_410 = arith.muli %get3A_407, %mul3A_409 : vector<16xi32>
      %add3A_411 = arith.addi %add3A_401, %mul3A_410 : vector<16xi32>
      %swap3A_412 = arith.constant 0 : i32
      %swap3A_413 = arith.index_cast %scan3A_156 : i32 to index
      %swap3A_414 = arith.index_cast %swap3A_412 : i32 to index
      %swap3A_415 = arith.constant 112 : index
      %swap3A_416 = tpu.vector_load %arg8[%swap3A_413, %swap3A_414, %swap3A_415] {strides = array<i32>} : memref<128x1x128xi32, #tpu.memory_space<vmem>>, vector<1x1x16xi32>,
      %swap3A_417 = vector.shape_cast %swap3A_416 : vector<1x1x16xi32> to vector<16xi32>
      %swap3A_418 = vector.shape_cast %add3A_411 : vector<16xi32> to vector<1x1x16xi32>
      tpu.vector_store %arg8[%swap3A_413, %swap3A_414, %swap3A_415], %swap3A_418 {strides = array<i32>} : memref<128x1x128xi32, #tpu.memory_space<vmem>>, vector<1x1x16xi32>,
    }
    %scan3A_47 = arith.constant 32 : i32
    %add3A_48 = arith.constant 32 : i32
    %add3A_49 = arith.addi %mul3A_2, %add3A_48 : i32
    %dma_start3A_50 = arith.constant 0 : i32
    %dma_start3A_51 = arith.constant 0 : i32
    %dma_start3A_52 = tpu.memref_slice %arg3[%add3A_49, %dma_start3A_50, %dma_start3A_51] : memref<4096x1x128xi32, #tpu.memory_space<hbm>> -> memref<32x1x128xi32, #tpu.memory_space<hbm>>
    %dma_start3A_53 = arith.constant 0 : i32
    %dma_start3A_54 = arith.constant 0 : i32
    %dma_start3A_55 = tpu.memref_slice %arg3[%add3A_49, %dma_start3A_53, %dma_start3A_54] : memref<4096x1x128xi32, #tpu.memory_space<hbm>> -> memref<32x1x128xi32, #tpu.memory_space<hbm>>
    tpu.enqueue_dma source(%dma_start3A_55 : memref<32x1x128xi32, #tpu.memory_space<hbm>>) target(%arg9 : memref<32x1x128xi32, #tpu.memory_space<vmem>>) target_semaphore(%arg24 : memref<!tpu.dma_semaphore, #tpu.memory_space<semaphore_mem>>)
    %dma_start3A_56 = arith.constant 0 : i32
    %dma_start3A_57 = arith.constant 0 : i32
    %dma_start3A_58 = tpu.memref_slice %arg4[%add3A_49, %dma_start3A_56, %dma_start3A_57] : memref<4096x1x128xi32, #tpu.memory_space<hbm>> -> memref<32x1x128xi32, #tpu.memory_space<hbm>>
    %dma_start3A_59 = arith.constant 0 : i32
    %dma_start3A_60 = arith.constant 0 : i32
    %dma_start3A_61 = tpu.memref_slice %arg4[%add3A_49, %dma_start3A_59, %dma_start3A_60] : memref<4096x1x128xi32, #tpu.memory_space<hbm>> -> memref<32x1x128xi32, #tpu.memory_space<hbm>>
    tpu.enqueue_dma source(%dma_start3A_61 : memref<32x1x128xi32, #tpu.memory_space<hbm>>) target(%arg10 : memref<32x1x128xi32, #tpu.memory_space<vmem>>) target_semaphore(%arg24 : memref<!tpu.dma_semaphore, #tpu.memory_space<semaphore_mem>>)
    %dma_start3A_62 = arith.constant 0 : i32
    %dma_start3A_63 = arith.constant 0 : i32
    %dma_start3A_64 = tpu.memref_slice %arg5[%add3A_49, %dma_start3A_62, %dma_start3A_63] : memref<4096x1x128xi32, #tpu.memory_space<hbm>> -> memref<32x1x128xi32, #tpu.memory_space<hbm>>
    %dma_start3A_65 = arith.constant 0 : i32
    %dma_start3A_66 = arith.constant 0 : i32
    %dma_start3A_67 = tpu.memref_slice %arg5[%add3A_49, %dma_start3A_65, %dma_start3A_66] : memref<4096x1x128xi32, #tpu.memory_space<hbm>> -> memref<32x1x128xi32, #tpu.memory_space<hbm>>
    tpu.enqueue_dma source(%dma_start3A_67 : memref<32x1x128xi32, #tpu.memory_space<hbm>>) target(%arg11 : memref<32x1x128xi32, #tpu.memory_space<vmem>>) target_semaphore(%arg24 : memref<!tpu.dma_semaphore, #tpu.memory_space<semaphore_mem>>)
    %dma_start3A_68 = arith.constant 0 : i32
    %dma_start3A_69 = arith.constant 0 : i32
    %dma_start3A_70 = arith.constant 0 : i32
    %dma_start3A_71 = tpu.memref_slice %arg8[%dma_start3A_68, %dma_start3A_69, %dma_start3A_70] : memref<128x1x128xi32, #tpu.memory_space<vmem>> -> memref<1x1x128xi32, #tpu.memory_space<vmem>>
    %dma_start3A_72 = tpu.memref_squeeze %dma_start3A_71 : memref<1x1x128xi32, #tpu.memory_space<vmem>> -> memref<128xi32, #tpu.memory_space<vmem>>
    %dma_start3A_73 = arith.constant 0 : i32
    %dma_start3A_74 = arith.constant 0 : i32
    %dma_start3A_75 = tpu.memref_slice %arg7[%dma_start3A_73, %dma_start3A_74] : memref<48x128xf32, #tpu.memory_space<vmem_shared>> -> memref<48x128xf32, #tpu.memory_space<vmem_shared>>
    tpu.enqueue_indirect_dma source(%dma_start3A_75 : memref<48x128xf32, #tpu.memory_space<vmem_shared>>) target(%arg12 : memref<128x128xf32, #tpu.memory_space<vmem>>) offsets(%dma_start3A_72 : memref<128xi32, #tpu.memory_space<vmem>>) semaphore(%arg16 : memref<!tpu.dma_semaphore, #tpu.memory_space<semaphore_mem>>)
    %dma_start3A_76 = arith.constant 1 : i32
    %dma_start3A_77 = arith.constant 0 : i32
    %dma_start3A_78 = arith.constant 0 : i32
    %dma_start3A_79 = tpu.memref_slice %arg8[%dma_start3A_76, %dma_start3A_77, %dma_start3A_78] : memref<128x1x128xi32, #tpu.memory_space<vmem>> -> memref<1x1x128xi32, #tpu.memory_space<vmem>>
    %dma_start3A_80 = tpu.memref_squeeze %dma_start3A_79 : memref<1x1x128xi32, #tpu.memory_space<vmem>> -> memref<128xi32, #tpu.memory_space<vmem>>
    %dma_start3A_81 = arith.constant 0 : i32
    %dma_start3A_82 = arith.constant 0 : i32
    %dma_start3A_83 = tpu.memref_slice %arg7[%dma_start3A_81, %dma_start3A_82] : memref<48x128xf32, #tpu.memory_space<vmem_shared>> -> memref<48x128xf32, #tpu.memory_space<vmem_shared>>
    tpu.enqueue_indirect_dma source(%dma_start3A_83 : memref<48x128xf32, #tpu.memory_space<vmem_shared>>) target(%arg13 : memref<128x128xf32, #tpu.memory_space<vmem>>) offsets(%dma_start3A_80 : memref<128xi32, #tpu.memory_space<vmem>>) semaphore(%arg17 : memref<!tpu.dma_semaphore, #tpu.memory_space<semaphore_mem>>)
    %dma_start3A_84 = arith.constant 2 : i32
    %dma_start3A_85 = arith.constant 0 : i32
    %dma_start3A_86 = arith.constant 0 : i32
    %dma_start3A_87 = tpu.memref_slice %arg8[%dma_start3A_84, %dma_start3A_85, %dma_start3A_86] : memref<128x1x128xi32, #tpu.memory_space<vmem>> -> memref<1x1x128xi32, #tpu.memory_space<vmem>>
    %dma_start3A_88 = tpu.memref_squeeze %dma_start3A_87 : memref<1x1x128xi32, #tpu.memory_space<vmem>> -> memref<128xi32, #tpu.memory_space<vmem>>
    %dma_start3A_89 = arith.constant 0 : i32
    %dma_start3A_90 = arith.constant 0 : i32
    %dma_start3A_91 = tpu.memref_slice %arg7[%dma_start3A_89, %dma_start3A_90] : memref<48x128xf32, #tpu.memory_space<vmem_shared>> -> memref<48x128xf32, #tpu.memory_space<vmem_shared>>
    tpu.enqueue_indirect_dma source(%dma_start3A_91 : memref<48x128xf32, #tpu.memory_space<vmem_shared>>) target(%arg14 : memref<128x128xf32, #tpu.memory_space<vmem>>) offsets(%dma_start3A_88 : memref<128xi32, #tpu.memory_space<vmem>>) semaphore(%arg18 : memref<!tpu.dma_semaphore, #tpu.memory_space<semaphore_mem>>)
    %dma_start3A_92 = arith.constant 3 : i32
    %dma_start3A_93 = arith.constant 0 : i32
    %dma_start3A_94 = arith.constant 0 : i32
    %dma_start3A_95 = tpu.memref_slice %arg8[%dma_start3A_92, %dma_start3A_93, %dma_start3A_94] : memref<128x1x128xi32, #tpu.memory_space<vmem>> -> memref<1x1x128xi32, #tpu.memory_space<vmem>>
    %dma_start3A_96 = tpu.memref_squeeze %dma_start3A_95 : memref<1x1x128xi32, #tpu.memory_space<vmem>> -> memref<128xi32, #tpu.memory_space<vmem>>
    %dma_start3A_97 = arith.constant 0 : i32
    %dma_start3A_98 = arith.constant 0 : i32
    %dma_start3A_99 = tpu.memref_slice %arg7[%dma_start3A_97, %dma_start3A_98] : memref<48x128xf32, #tpu.memory_space<vmem_shared>> -> memref<48x128xf32, #tpu.memory_space<vmem_shared>>
    tpu.enqueue_indirect_dma source(%dma_start3A_99 : memref<48x128xf32, #tpu.memory_space<vmem_shared>>) target(%arg15 : memref<128x128xf32, #tpu.memory_space<vmem>>) offsets(%dma_start3A_96 : memref<128xi32, #tpu.memory_space<vmem>>) semaphore(%arg19 : memref<!tpu.dma_semaphore, #tpu.memory_space<semaphore_mem>>)
    %scan3A_100 = arith.constant 0 : i32
    %scan3A_101 = arith.constant 0 : i32
    %scan3A_102 = arith.constant 8 : i32
    %scan3A_103 = arith.addi %scan3A_101, %scan3A_102 : i32
    %scan3A_104 = arith.constant 1 : i32
    scf.for %scan3A_156 = %scan3A_101 to %scan3A_103 step %scan3A_104  : i32 {
      %add3A_157 = arith.constant 0 : i32
      %add3A_158 = arith.addi %add3A_157, %scan3A_156 : i32
      %eq3A_159 = arith.constant 0 : i32
      %eq3A_160 = arith.cmpi eq, %scan3A_156, %eq3A_159 : i32
      %convert_element_type3A_161 = arith.extui %eq3A_160 : i1 to i32
      %cond3A_162 = arith.constant 0 : i32
      %cond3A_163 = arith.cmpi ne, %convert_element_type3A_161, %cond3A_162 : i32
      scf.if %cond3A_163 {
        %add3A_327 = arith.constant 32 : i32
        %add3A_328 = arith.addi %mul3A_2, %add3A_327 : i32
        %dma_wait3A_329 = arith.constant 0 : i32
        %dma_wait3A_330 = arith.constant 0 : i32
        %dma_wait3A_331 = tpu.memref_slice %arg3[%add3A_328, %dma_wait3A_329, %dma_wait3A_330] : memref<4096x1x128xi32, #tpu.memory_space<hbm>> -> memref<32x1x128xi32, #tpu.memory_space<hbm>>
        %dma_wait3A_332 = arith.constant 0 : i32
        %dma_wait3A_333 = arith.constant 0 : i32
        %dma_wait3A_334 = tpu.memref_slice %arg3[%add3A_328, %dma_wait3A_332, %dma_wait3A_333] : memref<4096x1x128xi32, #tpu.memory_space<hbm>> -> memref<32x1x128xi32, #tpu.memory_space<hbm>>
        tpu.wait_dma2 semaphore(%arg24 : memref<!tpu.dma_semaphore, #tpu.memory_space<semaphore_mem>>) src(%dma_wait3A_334 : memref<32x1x128xi32, #tpu.memory_space<hbm>>) dst(%arg9 : memref<32x1x128xi32, #tpu.memory_space<vmem>>)
        %dma_wait3A_335 = arith.constant 0 : i32
        %dma_wait3A_336 = arith.constant 0 : i32
        %dma_wait3A_337 = tpu.memref_slice %arg4[%add3A_328, %dma_wait3A_335, %dma_wait3A_336] : memref<4096x1x128xi32, #tpu.memory_space<hbm>> -> memref<32x1x128xi32, #tpu.memory_space<hbm>>
        %dma_wait3A_338 = arith.constant 0 : i32
        %dma_wait3A_339 = arith.constant 0 : i32
        %dma_wait3A_340 = tpu.memref_slice %arg4[%add3A_328, %dma_wait3A_338, %dma_wait3A_339] : memref<4096x1x128xi32, #tpu.memory_space<hbm>> -> memref<32x1x128xi32, #tpu.memory_space<hbm>>
        tpu.wait_dma2 semaphore(%arg24 : memref<!tpu.dma_semaphore, #tpu.memory_space<semaphore_mem>>) src(%dma_wait3A_340 : memref<32x1x128xi32, #tpu.memory_space<hbm>>) dst(%arg10 : memref<32x1x128xi32, #tpu.memory_space<vmem>>)
        %dma_wait3A_341 = arith.constant 0 : i32
        %dma_wait3A_342 = arith.constant 0 : i32
        %dma_wait3A_343 = tpu.memref_slice %arg5[%add3A_328, %dma_wait3A_341, %dma_wait3A_342] : memref<4096x1x128xi32, #tpu.memory_space<hbm>> -> memref<32x1x128xi32, #tpu.memory_space<hbm>>
        %dma_wait3A_344 = arith.constant 0 : i32
        %dma_wait3A_345 = arith.constant 0 : i32
        %dma_wait3A_346 = tpu.memref_slice %arg5[%add3A_328, %dma_wait3A_344, %dma_wait3A_345] : memref<4096x1x128xi32, #tpu.memory_space<hbm>> -> memref<32x1x128xi32, #tpu.memory_space<hbm>>
        tpu.wait_dma2 semaphore(%arg24 : memref<!tpu.dma_semaphore, #tpu.memory_space<semaphore_mem>>) src(%dma_wait3A_346 : memref<32x1x128xi32, #tpu.memory_space<hbm>>) dst(%arg11 : memref<32x1x128xi32, #tpu.memory_space<vmem>>)
      } else {
      }
      %scan3A_164 = arith.constant 0 : i32
      %scan3A_165 = arith.constant 0 : i32
      %scan3A_166 = arith.constant 4 : i32
      %scan3A_167 = arith.addi %scan3A_165, %scan3A_166 : i32
      %scan3A_168 = arith.constant 1 : i32
      scf.for %scan3A_327 = %scan3A_165 to %scan3A_167 step %scan3A_168  : i32 {
        %mul3A_328 = arith.constant 4 : i32
        %mul3A_329 = arith.muli %mul3A_328, %scan3A_156 : i32
        %add3A_330 = arith.addi %mul3A_329, %scan3A_327 : i32
        %mul3A_331 = arith.constant 4 : i32
        %mul3A_332 = arith.muli %mul3A_331, %add3A_158 : i32
        %add3A_333 = arith.constant 32 : i32
        %add3A_334 = arith.addi %mul3A_332, %add3A_333 : i32
        %add3A_335 = arith.addi %add3A_334, %scan3A_327 : i32
        %get3A = arith.constant 0 : i32
        %get3A_336 = arith.index_cast %add3A_330 : i32 to index
        %get3A_337 = arith.index_cast %get3A : i32 to index
        %get3A_338 = arith.constant 0 : index
        %get3A_339 = tpu.vector_load %arg9[%get3A_336, %get3A_337, %get3A_338] {strides = array<i32>} : memref<32x1x128xi32, #tpu.memory_space<vmem>>, vector<1x1x16xi32>,
        %get3A_340 = vector.shape_cast %get3A_339 : vector<1x1x16xi32> to vector<16xi32>
        %get3A_341 = arith.constant 0 : i32
        %get3A_342 = arith.index_cast %add3A_330 : i32 to index
        %get3A_343 = arith.index_cast %get3A_341 : i32 to index
        %get3A_344 = arith.constant 0 : index
        %get3A_345 = tpu.vector_load %arg10[%get3A_342, %get3A_343, %get3A_344] {strides = array<i32>} : memref<32x1x128xi32, #tpu.memory_space<vmem>>, vector<1x1x16xi32>,
        %get3A_346 = vector.shape_cast %get3A_345 : vector<1x1x16xi32> to vector<16xi32>
        %mul3A_347 = arith.constant 5 : i32
        %mul3A_348 = vector.broadcast %mul3A_347 : i32 to vector<16xi32>
        %mul3A_349 = arith.muli %get3A_346, %mul3A_348 : vector<16xi32>
        %add3A_350 = arith.addi %get3A_340, %mul3A_349 : vector<16xi32>
        %get3A_351 = arith.constant 0 : i32
        %get3A_352 = arith.index_cast %add3A_330 : i32 to index
        %get3A_353 = arith.index_cast %get3A_351 : i32 to index
        %get3A_354 = arith.constant 0 : index
        %get3A_355 = tpu.vector_load %arg11[%get3A_352, %get3A_353, %get3A_354] {strides = array<i32>} : memref<32x1x128xi32, #tpu.memory_space<vmem>>, vector<1x1x16xi32>,
        %get3A_356 = vector.shape_cast %get3A_355 : vector<1x1x16xi32> to vector<16xi32>
        %mul3A_357 = arith.constant 15 : i32
        %mul3A_358 = vector.broadcast %mul3A_357 : i32 to vector<16xi32>
        %mul3A_359 = arith.muli %get3A_356, %mul3A_358 : vector<16xi32>
        %add3A_360 = arith.addi %add3A_350, %mul3A_359 : vector<16xi32>
        %swap3A = arith.constant 0 : i32
        %swap3A_361 = arith.index_cast %add3A_335 : i32 to index
        %swap3A_362 = arith.index_cast %swap3A : i32 to index
        %swap3A_363 = arith.constant 0 : index
        %swap3A_364 = tpu.vector_load %arg8[%swap3A_361, %swap3A_362, %swap3A_363] {strides = array<i32>} : memref<128x1x128xi32, #tpu.memory_space<vmem>>, vector<1x1x16xi32>,
        %swap3A_365 = vector.shape_cast %swap3A_364 : vector<1x1x16xi32> to vector<16xi32>
        %swap3A_366 = vector.shape_cast %add3A_360 : vector<16xi32> to vector<1x1x16xi32>
        tpu.vector_store %arg8[%swap3A_361, %swap3A_362, %swap3A_363], %swap3A_366 {strides = array<i32>} : memref<128x1x128xi32, #tpu.memory_space<vmem>>, vector<1x1x16xi32>,
        %get3A_367 = arith.constant 0 : i32
        %get3A_368 = arith.index_cast %add3A_330 : i32 to index
        %get3A_369 = arith.index_cast %get3A_367 : i32 to index
        %get3A_370 = arith.constant 16 : index
        %get3A_371 = tpu.vector_load %arg9[%get3A_368, %get3A_369, %get3A_370] {strides = array<i32>} : memref<32x1x128xi32, #tpu.memory_space<vmem>>, vector<1x1x16xi32>,
        %get3A_372 = vector.shape_cast %get3A_371 : vector<1x1x16xi32> to vector<16xi32>
        %get3A_373 = arith.constant 0 : i32
        %get3A_374 = arith.index_cast %add3A_330 : i32 to index
        %get3A_375 = arith.index_cast %get3A_373 : i32 to index
        %get3A_376 = arith.constant 16 : index
        %get3A_377 = tpu.vector_load %arg10[%get3A_374, %get3A_375, %get3A_376] {strides = array<i32>} : memref<32x1x128xi32, #tpu.memory_space<vmem>>, vector<1x1x16xi32>,
        %get3A_378 = vector.shape_cast %get3A_377 : vector<1x1x16xi32> to vector<16xi32>
        %mul3A_379 = arith.constant 5 : i32
        %mul3A_380 = vector.broadcast %mul3A_379 : i32 to vector<16xi32>
        %mul3A_381 = arith.muli %get3A_378, %mul3A_380 : vector<16xi32>
        %add3A_382 = arith.addi %get3A_372, %mul3A_381 : vector<16xi32>
        %get3A_383 = arith.constant 0 : i32
        %get3A_384 = arith.index_cast %add3A_330 : i32 to index
        %get3A_385 = arith.index_cast %get3A_383 : i32 to index
        %get3A_386 = arith.constant 16 : index
        %get3A_387 = tpu.vector_load %arg11[%get3A_384, %get3A_385, %get3A_386] {strides = array<i32>} : memref<32x1x128xi32, #tpu.memory_space<vmem>>, vector<1x1x16xi32>,
        %get3A_388 = vector.shape_cast %get3A_387 : vector<1x1x16xi32> to vector<16xi32>
        %mul3A_389 = arith.constant 15 : i32
        %mul3A_390 = vector.broadcast %mul3A_389 : i32 to vector<16xi32>
        %mul3A_391 = arith.muli %get3A_388, %mul3A_390 : vector<16xi32>
        %add3A_392 = arith.addi %add3A_382, %mul3A_391 : vector<16xi32>
        %swap3A_393 = arith.constant 0 : i32
        %swap3A_394 = arith.index_cast %add3A_335 : i32 to index
        %swap3A_395 = arith.index_cast %swap3A_393 : i32 to index
        %swap3A_396 = arith.constant 16 : index
        %swap3A_397 = tpu.vector_load %arg8[%swap3A_394, %swap3A_395, %swap3A_396] {strides = array<i32>} : memref<128x1x128xi32, #tpu.memory_space<vmem>>, vector<1x1x16xi32>,
        %swap3A_398 = vector.shape_cast %swap3A_397 : vector<1x1x16xi32> to vector<16xi32>
        %swap3A_399 = vector.shape_cast %add3A_392 : vector<16xi32> to vector<1x1x16xi32>
        tpu.vector_store %arg8[%swap3A_394, %swap3A_395, %swap3A_396], %swap3A_399 {strides = array<i32>} : memref<128x1x128xi32, #tpu.memory_space<vmem>>, vector<1x1x16xi32>,
        %get3A_400 = arith.constant 0 : i32
        %get3A_401 = arith.index_cast %add3A_330 : i32 to index
        %get3A_402 = arith.index_cast %get3A_400 : i32 to index
        %get3A_403 = arith.constant 32 : index
        %get3A_404 = tpu.vector_load %arg9[%get3A_401, %get3A_402, %get3A_403] {strides = array<i32>} : memref<32x1x128xi32, #tpu.memory_space<vmem>>, vector<1x1x16xi32>,
        %get3A_405 = vector.shape_cast %get3A_404 : vector<1x1x16xi32> to vector<16xi32>
        %get3A_406 = arith.constant 0 : i32
        %get3A_407 = arith.index_cast %add3A_330 : i32 to index
        %get3A_408 = arith.index_cast %get3A_406 : i32 to index
        %get3A_409 = arith.constant 32 : index
        %get3A_410 = tpu.vector_load %arg10[%get3A_407, %get3A_408, %get3A_409] {strides = array<i32>} : memref<32x1x128xi32, #tpu.memory_space<vmem>>, vector<1x1x16xi32>,
        %get3A_411 = vector.shape_cast %get3A_410 : vector<1x1x16xi32> to vector<16xi32>
        %mul3A_412 = arith.constant 5 : i32
        %mul3A_413 = vector.broadcast %mul3A_412 : i32 to vector<16xi32>
        %mul3A_414 = arith.muli %get3A_411, %mul3A_413 : vector<16xi32>
        %add3A_415 = arith.addi %get3A_405, %mul3A_414 : vector<16xi32>
        %get3A_416 = arith.constant 0 : i32
        %get3A_417 = arith.index_cast %add3A_330 : i32 to index
        %get3A_418 = arith.index_cast %get3A_416 : i32 to index
        %get3A_419 = arith.constant 32 : index
        %get3A_420 = tpu.vector_load %arg11[%get3A_417, %get3A_418, %get3A_419] {strides = array<i32>} : memref<32x1x128xi32, #tpu.memory_space<vmem>>, vector<1x1x16xi32>,
        %get3A_421 = vector.shape_cast %get3A_420 : vector<1x1x16xi32> to vector<16xi32>
        %mul3A_422 = arith.constant 15 : i32
        %mul3A_423 = vector.broadcast %mul3A_422 : i32 to vector<16xi32>
        %mul3A_424 = arith.muli %get3A_421, %mul3A_423 : vector<16xi32>
        %add3A_425 = arith.addi %add3A_415, %mul3A_424 : vector<16xi32>
        %swap3A_426 = arith.constant 0 : i32
        %swap3A_427 = arith.index_cast %add3A_335 : i32 to index
        %swap3A_428 = arith.index_cast %swap3A_426 : i32 to index
        %swap3A_429 = arith.constant 32 : index
        %swap3A_430 = tpu.vector_load %arg8[%swap3A_427, %swap3A_428, %swap3A_429] {strides = array<i32>} : memref<128x1x128xi32, #tpu.memory_space<vmem>>, vector<1x1x16xi32>,
        %swap3A_431 = vector.shape_cast %swap3A_430 : vector<1x1x16xi32> to vector<16xi32>
        %swap3A_432 = vector.shape_cast %add3A_425 : vector<16xi32> to vector<1x1x16xi32>
        tpu.vector_store %arg8[%swap3A_427, %swap3A_428, %swap3A_429], %swap3A_432 {strides = array<i32>} : memref<128x1x128xi32, #tpu.memory_space<vmem>>, vector<1x1x16xi32>,
        %get3A_433 = arith.constant 0 : i32
        %get3A_434 = arith.index_cast %add3A_330 : i32 to index
        %get3A_435 = arith.index_cast %get3A_433 : i32 to index
        %get3A_436 = arith.constant 48 : index
        %get3A_437 = tpu.vector_load %arg9[%get3A_434, %get3A_435, %get3A_436] {strides = array<i32>} : memref<32x1x128xi32, #tpu.memory_space<vmem>>, vector<1x1x16xi32>,
        %get3A_438 = vector.shape_cast %get3A_437 : vector<1x1x16xi32> to vector<16xi32>
        %get3A_439 = arith.constant 0 : i32
        %get3A_440 = arith.index_cast %add3A_330 : i32 to index
        %get3A_441 = arith.index_cast %get3A_439 : i32 to index
        %get3A_442 = arith.constant 48 : index
        %get3A_443 = tpu.vector_load %arg10[%get3A_440, %get3A_441, %get3A_442] {strides = array<i32>} : memref<32x1x128xi32, #tpu.memory_space<vmem>>, vector<1x1x16xi32>,
        %get3A_444 = vector.shape_cast %get3A_443 : vector<1x1x16xi32> to vector<16xi32>
        %mul3A_445 = arith.constant 5 : i32
        %mul3A_446 = vector.broadcast %mul3A_445 : i32 to vector<16xi32>
        %mul3A_447 = arith.muli %get3A_444, %mul3A_446 : vector<16xi32>
        %add3A_448 = arith.addi %get3A_438, %mul3A_447 : vector<16xi32>
        %get3A_449 = arith.constant 0 : i32
        %get3A_450 = arith.index_cast %add3A_330 : i32 to index
        %get3A_451 = arith.index_cast %get3A_449 : i32 to index
        %get3A_452 = arith.constant 48 : index
        %get3A_453 = tpu.vector_load %arg11[%get3A_450, %get3A_451, %get3A_452] {strides = array<i32>} : memref<32x1x128xi32, #tpu.memory_space<vmem>>, vector<1x1x16xi32>,
        %get3A_454 = vector.shape_cast %get3A_453 : vector<1x1x16xi32> to vector<16xi32>
        %mul3A_455 = arith.constant 15 : i32
        %mul3A_456 = vector.broadcast %mul3A_455 : i32 to vector<16xi32>
        %mul3A_457 = arith.muli %get3A_454, %mul3A_456 : vector<16xi32>
        %add3A_458 = arith.addi %add3A_448, %mul3A_457 : vector<16xi32>
        %swap3A_459 = arith.constant 0 : i32
        %swap3A_460 = arith.index_cast %add3A_335 : i32 to index
        %swap3A_461 = arith.index_cast %swap3A_459 : i32 to index
        %swap3A_462 = arith.constant 48 : index
        %swap3A_463 = tpu.vector_load %arg8[%swap3A_460, %swap3A_461, %swap3A_462] {strides = array<i32>} : memref<128x1x128xi32, #tpu.memory_space<vmem>>, vector<1x1x16xi32>,
        %swap3A_464 = vector.shape_cast %swap3A_463 : vector<1x1x16xi32> to vector<16xi32>
        %swap3A_465 = vector.shape_cast %add3A_458 : vector<16xi32> to vector<1x1x16xi32>
        tpu.vector_store %arg8[%swap3A_460, %swap3A_461, %swap3A_462], %swap3A_465 {strides = array<i32>} : memref<128x1x128xi32, #tpu.memory_space<vmem>>, vector<1x1x16xi32>,
        %get3A_466 = arith.constant 0 : i32
        %get3A_467 = arith.index_cast %add3A_330 : i32 to index
        %get3A_468 = arith.index_cast %get3A_466 : i32 to index
        %get3A_469 = arith.constant 64 : index
        %get3A_470 = tpu.vector_load %arg9[%get3A_467, %get3A_468, %get3A_469] {strides = array<i32>} : memref<32x1x128xi32, #tpu.memory_space<vmem>>, vector<1x1x16xi32>,
        %get3A_471 = vector.shape_cast %get3A_470 : vector<1x1x16xi32> to vector<16xi32>
        %get3A_472 = arith.constant 0 : i32
        %get3A_473 = arith.index_cast %add3A_330 : i32 to index
        %get3A_474 = arith.index_cast %get3A_472 : i32 to index
        %get3A_475 = arith.constant 64 : index
        %get3A_476 = tpu.vector_load %arg10[%get3A_473, %get3A_474, %get3A_475] {strides = array<i32>} : memref<32x1x128xi32, #tpu.memory_space<vmem>>, vector<1x1x16xi32>,
        %get3A_477 = vector.shape_cast %get3A_476 : vector<1x1x16xi32> to vector<16xi32>
        %mul3A_478 = arith.constant 5 : i32
        %mul3A_479 = vector.broadcast %mul3A_478 : i32 to vector<16xi32>
        %mul3A_480 = arith.muli %get3A_477, %mul3A_479 : vector<16xi32>
        %add3A_481 = arith.addi %get3A_471, %mul3A_480 : vector<16xi32>
        %get3A_482 = arith.constant 0 : i32
        %get3A_483 = arith.index_cast %add3A_330 : i32 to index
        %get3A_484 = arith.index_cast %get3A_482 : i32 to index
        %get3A_485 = arith.constant 64 : index
        %get3A_486 = tpu.vector_load %arg11[%get3A_483, %get3A_484, %get3A_485] {strides = array<i32>} : memref<32x1x128xi32, #tpu.memory_space<vmem>>, vector<1x1x16xi32>,
        %get3A_487 = vector.shape_cast %get3A_486 : vector<1x1x16xi32> to vector<16xi32>
        %mul3A_488 = arith.constant 15 : i32
        %mul3A_489 = vector.broadcast %mul3A_488 : i32 to vector<16xi32>
        %mul3A_490 = arith.muli %get3A_487, %mul3A_489 : vector<16xi32>
        %add3A_491 = arith.addi %add3A_481, %mul3A_490 : vector<16xi32>
        %swap3A_492 = arith.constant 0 : i32
        %swap3A_493 = arith.index_cast %add3A_335 : i32 to index
        %swap3A_494 = arith.index_cast %swap3A_492 : i32 to index
        %swap3A_495 = arith.constant 64 : index
        %swap3A_496 = tpu.vector_load %arg8[%swap3A_493, %swap3A_494, %swap3A_495] {strides = array<i32>} : memref<128x1x128xi32, #tpu.memory_space<vmem>>, vector<1x1x16xi32>,
        %swap3A_497 = vector.shape_cast %swap3A_496 : vector<1x1x16xi32> to vector<16xi32>
        %swap3A_498 = vector.shape_cast %add3A_491 : vector<16xi32> to vector<1x1x16xi32>
        tpu.vector_store %arg8[%swap3A_493, %swap3A_494, %swap3A_495], %swap3A_498 {strides = array<i32>} : memref<128x1x128xi32, #tpu.memory_space<vmem>>, vector<1x1x16xi32>,
        %get3A_499 = arith.constant 0 : i32
        %get3A_500 = arith.index_cast %add3A_330 : i32 to index
        %get3A_501 = arith.index_cast %get3A_499 : i32 to index
        %get3A_502 = arith.constant 80 : index
        %get3A_503 = tpu.vector_load %arg9[%get3A_500, %get3A_501, %get3A_502] {strides = array<i32>} : memref<32x1x128xi32, #tpu.memory_space<vmem>>, vector<1x1x16xi32>,
        %get3A_504 = vector.shape_cast %get3A_503 : vector<1x1x16xi32> to vector<16xi32>
        %get3A_505 = arith.constant 0 : i32
        %get3A_506 = arith.index_cast %add3A_330 : i32 to index
        %get3A_507 = arith.index_cast %get3A_505 : i32 to index
        %get3A_508 = arith.constant 80 : index
        %get3A_509 = tpu.vector_load %arg10[%get3A_506, %get3A_507, %get3A_508] {strides = array<i32>} : memref<32x1x128xi32, #tpu.memory_space<vmem>>, vector<1x1x16xi32>,
        %get3A_510 = vector.shape_cast %get3A_509 : vector<1x1x16xi32> to vector<16xi32>
        %mul3A_511 = arith.constant 5 : i32
        %mul3A_512 = vector.broadcast %mul3A_511 : i32 to vector<16xi32>
        %mul3A_513 = arith.muli %get3A_510, %mul3A_512 : vector<16xi32>
        %add3A_514 = arith.addi %get3A_504, %mul3A_513 : vector<16xi32>
        %get3A_515 = arith.constant 0 : i32
        %get3A_516 = arith.index_cast %add3A_330 : i32 to index
        %get3A_517 = arith.index_cast %get3A_515 : i32 to index
        %get3A_518 = arith.constant 80 : index
        %get3A_519 = tpu.vector_load %arg11[%get3A_516, %get3A_517, %get3A_518] {strides = array<i32>} : memref<32x1x128xi32, #tpu.memory_space<vmem>>, vector<1x1x16xi32>,
        %get3A_520 = vector.shape_cast %get3A_519 : vector<1x1x16xi32> to vector<16xi32>
        %mul3A_521 = arith.constant 15 : i32
        %mul3A_522 = vector.broadcast %mul3A_521 : i32 to vector<16xi32>
        %mul3A_523 = arith.muli %get3A_520, %mul3A_522 : vector<16xi32>
        %add3A_524 = arith.addi %add3A_514, %mul3A_523 : vector<16xi32>
        %swap3A_525 = arith.constant 0 : i32
        %swap3A_526 = arith.index_cast %add3A_335 : i32 to index
        %swap3A_527 = arith.index_cast %swap3A_525 : i32 to index
        %swap3A_528 = arith.constant 80 : index
        %swap3A_529 = tpu.vector_load %arg8[%swap3A_526, %swap3A_527, %swap3A_528] {strides = array<i32>} : memref<128x1x128xi32, #tpu.memory_space<vmem>>, vector<1x1x16xi32>,
        %swap3A_530 = vector.shape_cast %swap3A_529 : vector<1x1x16xi32> to vector<16xi32>
        %swap3A_531 = vector.shape_cast %add3A_524 : vector<16xi32> to vector<1x1x16xi32>
        tpu.vector_store %arg8[%swap3A_526, %swap3A_527, %swap3A_528], %swap3A_531 {strides = array<i32>} : memref<128x1x128xi32, #tpu.memory_space<vmem>>, vector<1x1x16xi32>,
        %get3A_532 = arith.constant 0 : i32
        %get3A_533 = arith.index_cast %add3A_330 : i32 to index
        %get3A_534 = arith.index_cast %get3A_532 : i32 to index
        %get3A_535 = arith.constant 96 : index
        %get3A_536 = tpu.vector_load %arg9[%get3A_533, %get3A_534, %get3A_535] {strides = array<i32>} : memref<32x1x128xi32, #tpu.memory_space<vmem>>, vector<1x1x16xi32>,
        %get3A_537 = vector.shape_cast %get3A_536 : vector<1x1x16xi32> to vector<16xi32>
        %get3A_538 = arith.constant 0 : i32
        %get3A_539 = arith.index_cast %add3A_330 : i32 to index
        %get3A_540 = arith.index_cast %get3A_538 : i32 to index
        %get3A_541 = arith.constant 96 : index
        %get3A_542 = tpu.vector_load %arg10[%get3A_539, %get3A_540, %get3A_541] {strides = array<i32>} : memref<32x1x128xi32, #tpu.memory_space<vmem>>, vector<1x1x16xi32>,
        %get3A_543 = vector.shape_cast %get3A_542 : vector<1x1x16xi32> to vector<16xi32>
        %mul3A_544 = arith.constant 5 : i32
        %mul3A_545 = vector.broadcast %mul3A_544 : i32 to vector<16xi32>
        %mul3A_546 = arith.muli %get3A_543, %mul3A_545 : vector<16xi32>
        %add3A_547 = arith.addi %get3A_537, %mul3A_546 : vector<16xi32>
        %get3A_548 = arith.constant 0 : i32
        %get3A_549 = arith.index_cast %add3A_330 : i32 to index
        %get3A_550 = arith.index_cast %get3A_548 : i32 to index
        %get3A_551 = arith.constant 96 : index
        %get3A_552 = tpu.vector_load %arg11[%get3A_549, %get3A_550, %get3A_551] {strides = array<i32>} : memref<32x1x128xi32, #tpu.memory_space<vmem>>, vector<1x1x16xi32>,
        %get3A_553 = vector.shape_cast %get3A_552 : vector<1x1x16xi32> to vector<16xi32>
        %mul3A_554 = arith.constant 15 : i32
        %mul3A_555 = vector.broadcast %mul3A_554 : i32 to vector<16xi32>
        %mul3A_556 = arith.muli %get3A_553, %mul3A_555 : vector<16xi32>
        %add3A_557 = arith.addi %add3A_547, %mul3A_556 : vector<16xi32>
        %swap3A_558 = arith.constant 0 : i32
        %swap3A_559 = arith.index_cast %add3A_335 : i32 to index
        %swap3A_560 = arith.index_cast %swap3A_558 : i32 to index
        %swap3A_561 = arith.constant 96 : index
        %swap3A_562 = tpu.vector_load %arg8[%swap3A_559, %swap3A_560, %swap3A_561] {strides = array<i32>} : memref<128x1x128xi32, #tpu.memory_space<vmem>>, vector<1x1x16xi32>,
        %swap3A_563 = vector.shape_cast %swap3A_562 : vector<1x1x16xi32> to vector<16xi32>
        %swap3A_564 = vector.shape_cast %add3A_557 : vector<16xi32> to vector<1x1x16xi32>
        tpu.vector_store %arg8[%swap3A_559, %swap3A_560, %swap3A_561], %swap3A_564 {strides = array<i32>} : memref<128x1x128xi32, #tpu.memory_space<vmem>>, vector<1x1x16xi32>,
        %get3A_565 = arith.constant 0 : i32
        %get3A_566 = arith.index_cast %add3A_330 : i32 to index
        %get3A_567 = arith.index_cast %get3A_565 : i32 to index
        %get3A_568 = arith.constant 112 : index
        %get3A_569 = tpu.vector_load %arg9[%get3A_566, %get3A_567, %get3A_568] {strides = array<i32>} : memref<32x1x128xi32, #tpu.memory_space<vmem>>, vector<1x1x16xi32>,
        %get3A_570 = vector.shape_cast %get3A_569 : vector<1x1x16xi32> to vector<16xi32>
        %get3A_571 = arith.constant 0 : i32
        %get3A_572 = arith.index_cast %add3A_330 : i32 to index
        %get3A_573 = arith.index_cast %get3A_571 : i32 to index
        %get3A_574 = arith.constant 112 : index
        %get3A_575 = tpu.vector_load %arg10[%get3A_572, %get3A_573, %get3A_574] {strides = array<i32>} : memref<32x1x128xi32, #tpu.memory_space<vmem>>, vector<1x1x16xi32>,
        %get3A_576 = vector.shape_cast %get3A_575 : vector<1x1x16xi32> to vector<16xi32>
        %mul3A_577 = arith.constant 5 : i32
        %mul3A_578 = vector.broadcast %mul3A_577 : i32 to vector<16xi32>
        %mul3A_579 = arith.muli %get3A_576, %mul3A_578 : vector<16xi32>
        %add3A_580 = arith.addi %get3A_570, %mul3A_579 : vector<16xi32>
        %get3A_581 = arith.constant 0 : i32
        %get3A_582 = arith.index_cast %add3A_330 : i32 to index
        %get3A_583 = arith.index_cast %get3A_581 : i32 to index
        %get3A_584 = arith.constant 112 : index
        %get3A_585 = tpu.vector_load %arg11[%get3A_582, %get3A_583, %get3A_584] {strides = array<i32>} : memref<32x1x128xi32, #tpu.memory_space<vmem>>, vector<1x1x16xi32>,
        %get3A_586 = vector.shape_cast %get3A_585 : vector<1x1x16xi32> to vector<16xi32>
        %mul3A_587 = arith.constant 15 : i32
        %mul3A_588 = vector.broadcast %mul3A_587 : i32 to vector<16xi32>
        %mul3A_589 = arith.muli %get3A_586, %mul3A_588 : vector<16xi32>
        %add3A_590 = arith.addi %add3A_580, %mul3A_589 : vector<16xi32>
        %swap3A_591 = arith.constant 0 : i32
        %swap3A_592 = arith.index_cast %add3A_335 : i32 to index
        %swap3A_593 = arith.index_cast %swap3A_591 : i32 to index
        %swap3A_594 = arith.constant 112 : index
        %swap3A_595 = tpu.vector_load %arg8[%swap3A_592, %swap3A_593, %swap3A_594] {strides = array<i32>} : memref<128x1x128xi32, #tpu.memory_space<vmem>>, vector<1x1x16xi32>,
        %swap3A_596 = vector.shape_cast %swap3A_595 : vector<1x1x16xi32> to vector<16xi32>
        %swap3A_597 = vector.shape_cast %add3A_590 : vector<16xi32> to vector<1x1x16xi32>
        tpu.vector_store %arg8[%swap3A_592, %swap3A_593, %swap3A_594], %swap3A_597 {strides = array<i32>} : memref<128x1x128xi32, #tpu.memory_space<vmem>>, vector<1x1x16xi32>,
      }
      %scan3A_169 = arith.constant 4 : i32
      %eq3A_170 = arith.constant 7 : i32
      %eq3A_171 = arith.cmpi eq, %scan3A_156, %eq3A_170 : i32
      %convert_element_type3A_172 = arith.extui %eq3A_171 : i1 to i32
      %cond3A_173 = arith.constant 0 : i32
      %cond3A_174 = arith.cmpi ne, %convert_element_type3A_172, %cond3A_173 : i32
      scf.if %cond3A_174 {
        %add3A_327 = arith.constant 64 : i32
        %add3A_328 = arith.addi %mul3A_2, %add3A_327 : i32
        %dma_start3A_329 = arith.constant 0 : i32
        %dma_start3A_330 = arith.constant 0 : i32
        %dma_start3A_331 = tpu.memref_slice %arg3[%add3A_328, %dma_start3A_329, %dma_start3A_330] : memref<4096x1x128xi32, #tpu.memory_space<hbm>> -> memref<32x1x128xi32, #tpu.memory_space<hbm>>
        %dma_start3A_332 = arith.constant 0 : i32
        %dma_start3A_333 = arith.constant 0 : i32
        %dma_start3A_334 = tpu.memref_slice %arg3[%add3A_328, %dma_start3A_332, %dma_start3A_333] : memref<4096x1x128xi32, #tpu.memory_space<hbm>> -> memref<32x1x128xi32, #tpu.memory_space<hbm>>
        tpu.enqueue_dma source(%dma_start3A_334 : memref<32x1x128xi32, #tpu.memory_space<hbm>>) target(%arg9 : memref<32x1x128xi32, #tpu.memory_space<vmem>>) target_semaphore(%arg24 : memref<!tpu.dma_semaphore, #tpu.memory_space<semaphore_mem>>)
        %dma_start3A_335 = arith.constant 0 : i32
        %dma_start3A_336 = arith.constant 0 : i32
        %dma_start3A_337 = tpu.memref_slice %arg4[%add3A_328, %dma_start3A_335, %dma_start3A_336] : memref<4096x1x128xi32, #tpu.memory_space<hbm>> -> memref<32x1x128xi32, #tpu.memory_space<hbm>>
        %dma_start3A_338 = arith.constant 0 : i32
        %dma_start3A_339 = arith.constant 0 : i32
        %dma_start3A_340 = tpu.memref_slice %arg4[%add3A_328, %dma_start3A_338, %dma_start3A_339] : memref<4096x1x128xi32, #tpu.memory_space<hbm>> -> memref<32x1x128xi32, #tpu.memory_space<hbm>>
        tpu.enqueue_dma source(%dma_start3A_340 : memref<32x1x128xi32, #tpu.memory_space<hbm>>) target(%arg10 : memref<32x1x128xi32, #tpu.memory_space<vmem>>) target_semaphore(%arg24 : memref<!tpu.dma_semaphore, #tpu.memory_space<semaphore_mem>>)
        %dma_start3A_341 = arith.constant 0 : i32
        %dma_start3A_342 = arith.constant 0 : i32
        %dma_start3A_343 = tpu.memref_slice %arg5[%add3A_328, %dma_start3A_341, %dma_start3A_342] : memref<4096x1x128xi32, #tpu.memory_space<hbm>> -> memref<32x1x128xi32, #tpu.memory_space<hbm>>
        %dma_start3A_344 = arith.constant 0 : i32
        %dma_start3A_345 = arith.constant 0 : i32
        %dma_start3A_346 = tpu.memref_slice %arg5[%add3A_328, %dma_start3A_344, %dma_start3A_345] : memref<4096x1x128xi32, #tpu.memory_space<hbm>> -> memref<32x1x128xi32, #tpu.memory_space<hbm>>
        tpu.enqueue_dma source(%dma_start3A_346 : memref<32x1x128xi32, #tpu.memory_space<hbm>>) target(%arg11 : memref<32x1x128xi32, #tpu.memory_space<vmem>>) target_semaphore(%arg24 : memref<!tpu.dma_semaphore, #tpu.memory_space<semaphore_mem>>)
      } else {
      }
      %mul3A_175 = arith.constant 4 : i32
      %mul3A_176 = arith.muli %mul3A_175, %add3A_158 : i32
      %add3A_177 = arith.constant 0 : i32
      %add3A_178 = arith.addi %mul3A_176, %add3A_177 : i32
      %dma_wait3A_179 = arith.constant 0 : i32
      %dma_wait3A_180 = arith.constant 0 : i32
      %dma_wait3A_181 = tpu.memref_slice %arg8[%add3A_178, %dma_wait3A_179, %dma_wait3A_180] : memref<128x1x128xi32, #tpu.memory_space<vmem>> -> memref<1x1x128xi32, #tpu.memory_space<vmem>>
      %dma_wait3A_182 = tpu.memref_squeeze %dma_wait3A_181 : memref<1x1x128xi32, #tpu.memory_space<vmem>> -> memref<128xi32, #tpu.memory_space<vmem>>
      %dma_wait3A_183 = arith.constant 0 : i32
      %dma_wait3A_184 = arith.constant 0 : i32
      %dma_wait3A_185 = tpu.memref_slice %arg7[%dma_wait3A_183, %dma_wait3A_184] : memref<48x128xf32, #tpu.memory_space<vmem_shared>> -> memref<48x128xf32, #tpu.memory_space<vmem_shared>>
      tpu.wait_indirect_dma semaphore(%arg16 : memref<!tpu.dma_semaphore, #tpu.memory_space<semaphore_mem>>) src(%dma_wait3A_185 : memref<48x128xf32, #tpu.memory_space<vmem_shared>>) dst(%arg12 : memref<128x128xf32, #tpu.memory_space<vmem>>)
      %add3A_186 = arith.addi %mul3A_2, %add3A_178 : i32
      %mul3A_187 = arith.constant 128 : i32
      %mul3A_188 = arith.muli %add3A_186, %mul3A_187 : i32
      %dma_start3A_189 = arith.constant 0 : i32
      %dma_start3A_190 = tpu.memref_slice %arg6[%mul3A_188, %dma_start3A_189] : memref<524288x128xf32, #tpu.memory_space<hbm>> -> memref<128x128xf32, #tpu.memory_space<hbm>>
      %dma_start3A_191 = arith.constant 0 : i32
      %dma_start3A_192 = tpu.memref_slice %arg6[%mul3A_188, %dma_start3A_191] : memref<524288x128xf32, #tpu.memory_space<hbm>> -> memref<128x128xf32, #tpu.memory_space<hbm>>
      tpu.enqueue_dma source(%arg12 : memref<128x128xf32, #tpu.memory_space<vmem>>) target(%dma_start3A_192 : memref<128x128xf32, #tpu.memory_space<hbm>>) target_semaphore(%arg20 : memref<!tpu.dma_semaphore, #tpu.memory_space<semaphore_mem>>)
      %mul3A_193 = arith.constant 4 : i32
      %mul3A_194 = arith.muli %mul3A_193, %add3A_158 : i32
      %add3A_195 = arith.constant 1 : i32
      %add3A_196 = arith.addi %mul3A_194, %add3A_195 : i32
      %dma_wait3A_197 = arith.constant 0 : i32
      %dma_wait3A_198 = arith.constant 0 : i32
      %dma_wait3A_199 = tpu.memref_slice %arg8[%add3A_196, %dma_wait3A_197, %dma_wait3A_198] : memref<128x1x128xi32, #tpu.memory_space<vmem>> -> memref<1x1x128xi32, #tpu.memory_space<vmem>>
      %dma_wait3A_200 = tpu.memref_squeeze %dma_wait3A_199 : memref<1x1x128xi32, #tpu.memory_space<vmem>> -> memref<128xi32, #tpu.memory_space<vmem>>
      %dma_wait3A_201 = arith.constant 0 : i32
      %dma_wait3A_202 = arith.constant 0 : i32
      %dma_wait3A_203 = tpu.memref_slice %arg7[%dma_wait3A_201, %dma_wait3A_202] : memref<48x128xf32, #tpu.memory_space<vmem_shared>> -> memref<48x128xf32, #tpu.memory_space<vmem_shared>>
      tpu.wait_indirect_dma semaphore(%arg17 : memref<!tpu.dma_semaphore, #tpu.memory_space<semaphore_mem>>) src(%dma_wait3A_203 : memref<48x128xf32, #tpu.memory_space<vmem_shared>>) dst(%arg13 : memref<128x128xf32, #tpu.memory_space<vmem>>)
      %add3A_204 = arith.addi %mul3A_2, %add3A_196 : i32
      %mul3A_205 = arith.constant 128 : i32
      %mul3A_206 = arith.muli %add3A_204, %mul3A_205 : i32
      %dma_start3A_207 = arith.constant 0 : i32
      %dma_start3A_208 = tpu.memref_slice %arg6[%mul3A_206, %dma_start3A_207] : memref<524288x128xf32, #tpu.memory_space<hbm>> -> memref<128x128xf32, #tpu.memory_space<hbm>>
      %dma_start3A_209 = arith.constant 0 : i32
      %dma_start3A_210 = tpu.memref_slice %arg6[%mul3A_206, %dma_start3A_209] : memref<524288x128xf32, #tpu.memory_space<hbm>> -> memref<128x128xf32, #tpu.memory_space<hbm>>
      tpu.enqueue_dma source(%arg13 : memref<128x128xf32, #tpu.memory_space<vmem>>) target(%dma_start3A_210 : memref<128x128xf32, #tpu.memory_space<hbm>>) target_semaphore(%arg21 : memref<!tpu.dma_semaphore, #tpu.memory_space<semaphore_mem>>)
      %mul3A_211 = arith.constant 4 : i32
      %mul3A_212 = arith.muli %mul3A_211, %add3A_158 : i32
      %add3A_213 = arith.constant 2 : i32
      %add3A_214 = arith.addi %mul3A_212, %add3A_213 : i32
      %dma_wait3A_215 = arith.constant 0 : i32
      %dma_wait3A_216 = arith.constant 0 : i32
      %dma_wait3A_217 = tpu.memref_slice %arg8[%add3A_214, %dma_wait3A_215, %dma_wait3A_216] : memref<128x1x128xi32, #tpu.memory_space<vmem>> -> memref<1x1x128xi32, #tpu.memory_space<vmem>>
      %dma_wait3A_218 = tpu.memref_squeeze %dma_wait3A_217 : memref<1x1x128xi32, #tpu.memory_space<vmem>> -> memref<128xi32, #tpu.memory_space<vmem>>
      %dma_wait3A_219 = arith.constant 0 : i32
      %dma_wait3A_220 = arith.constant 0 : i32
      %dma_wait3A_221 = tpu.memref_slice %arg7[%dma_wait3A_219, %dma_wait3A_220] : memref<48x128xf32, #tpu.memory_space<vmem_shared>> -> memref<48x128xf32, #tpu.memory_space<vmem_shared>>
      tpu.wait_indirect_dma semaphore(%arg18 : memref<!tpu.dma_semaphore, #tpu.memory_space<semaphore_mem>>) src(%dma_wait3A_221 : memref<48x128xf32, #tpu.memory_space<vmem_shared>>) dst(%arg14 : memref<128x128xf32, #tpu.memory_space<vmem>>)
      %add3A_222 = arith.addi %mul3A_2, %add3A_214 : i32
      %mul3A_223 = arith.constant 128 : i32
      %mul3A_224 = arith.muli %add3A_222, %mul3A_223 : i32
      %dma_start3A_225 = arith.constant 0 : i32
      %dma_start3A_226 = tpu.memref_slice %arg6[%mul3A_224, %dma_start3A_225] : memref<524288x128xf32, #tpu.memory_space<hbm>> -> memref<128x128xf32, #tpu.memory_space<hbm>>
      %dma_start3A_227 = arith.constant 0 : i32
      %dma_start3A_228 = tpu.memref_slice %arg6[%mul3A_224, %dma_start3A_227] : memref<524288x128xf32, #tpu.memory_space<hbm>> -> memref<128x128xf32, #tpu.memory_space<hbm>>
      tpu.enqueue_dma source(%arg14 : memref<128x128xf32, #tpu.memory_space<vmem>>) target(%dma_start3A_228 : memref<128x128xf32, #tpu.memory_space<hbm>>) target_semaphore(%arg22 : memref<!tpu.dma_semaphore, #tpu.memory_space<semaphore_mem>>)
      %mul3A_229 = arith.constant 4 : i32
      %mul3A_230 = arith.muli %mul3A_229, %add3A_158 : i32
      %add3A_231 = arith.constant 3 : i32
      %add3A_232 = arith.addi %mul3A_230, %add3A_231 : i32
      %dma_wait3A_233 = arith.constant 0 : i32
      %dma_wait3A_234 = arith.constant 0 : i32
      %dma_wait3A_235 = tpu.memref_slice %arg8[%add3A_232, %dma_wait3A_233, %dma_wait3A_234] : memref<128x1x128xi32, #tpu.memory_space<vmem>> -> memref<1x1x128xi32, #tpu.memory_space<vmem>>
      %dma_wait3A_236 = tpu.memref_squeeze %dma_wait3A_235 : memref<1x1x128xi32, #tpu.memory_space<vmem>> -> memref<128xi32, #tpu.memory_space<vmem>>
      %dma_wait3A_237 = arith.constant 0 : i32
      %dma_wait3A_238 = arith.constant 0 : i32
      %dma_wait3A_239 = tpu.memref_slice %arg7[%dma_wait3A_237, %dma_wait3A_238] : memref<48x128xf32, #tpu.memory_space<vmem_shared>> -> memref<48x128xf32, #tpu.memory_space<vmem_shared>>
      tpu.wait_indirect_dma semaphore(%arg19 : memref<!tpu.dma_semaphore, #tpu.memory_space<semaphore_mem>>) src(%dma_wait3A_239 : memref<48x128xf32, #tpu.memory_space<vmem_shared>>) dst(%arg15 : memref<128x128xf32, #tpu.memory_space<vmem>>)
      %add3A_240 = arith.addi %mul3A_2, %add3A_232 : i32
      %mul3A_241 = arith.constant 128 : i32
      %mul3A_242 = arith.muli %add3A_240, %mul3A_241 : i32
      %dma_start3A_243 = arith.constant 0 : i32
      %dma_start3A_244 = tpu.memref_slice %arg6[%mul3A_242, %dma_start3A_243] : memref<524288x128xf32, #tpu.memory_space<hbm>> -> memref<128x128xf32, #tpu.memory_space<hbm>>
      %dma_start3A_245 = arith.constant 0 : i32
      %dma_start3A_246 = tpu.memref_slice %arg6[%mul3A_242, %dma_start3A_245] : memref<524288x128xf32, #tpu.memory_space<hbm>> -> memref<128x128xf32, #tpu.memory_space<hbm>>
      tpu.enqueue_dma source(%arg15 : memref<128x128xf32, #tpu.memory_space<vmem>>) target(%dma_start3A_246 : memref<128x128xf32, #tpu.memory_space<hbm>>) target_semaphore(%arg23 : memref<!tpu.dma_semaphore, #tpu.memory_space<semaphore_mem>>)
      %mul3A_247 = arith.constant 4 : i32
      %mul3A_248 = arith.muli %mul3A_247, %add3A_158 : i32
      %add3A_249 = arith.constant 0 : i32
      %add3A_250 = arith.addi %mul3A_248, %add3A_249 : i32
      %add3A_251 = arith.addi %mul3A_2, %add3A_250 : i32
      %mul3A_252 = arith.constant 128 : i32
      %mul3A_253 = arith.muli %add3A_251, %mul3A_252 : i32
      %dma_wait3A_254 = arith.constant 0 : i32
      %dma_wait3A_255 = tpu.memref_slice %arg6[%mul3A_253, %dma_wait3A_254] : memref<524288x128xf32, #tpu.memory_space<hbm>> -> memref<128x128xf32, #tpu.memory_space<hbm>>
      %dma_wait3A_256 = arith.constant 0 : i32
      %dma_wait3A_257 = tpu.memref_slice %arg6[%mul3A_253, %dma_wait3A_256] : memref<524288x128xf32, #tpu.memory_space<hbm>> -> memref<128x128xf32, #tpu.memory_space<hbm>>
      tpu.wait_dma2 semaphore(%arg20 : memref<!tpu.dma_semaphore, #tpu.memory_space<semaphore_mem>>) src(%arg12 : memref<128x128xf32, #tpu.memory_space<vmem>>) dst(%dma_wait3A_257 : memref<128x128xf32, #tpu.memory_space<hbm>>)
      %add3A_258 = arith.constant 4 : i32
      %add3A_259 = arith.addi %add3A_250, %add3A_258 : i32
      %dma_start3A_260 = arith.constant 0 : i32
      %dma_start3A_261 = arith.constant 0 : i32
      %dma_start3A_262 = tpu.memref_slice %arg8[%add3A_259, %dma_start3A_260, %dma_start3A_261] : memref<128x1x128xi32, #tpu.memory_space<vmem>> -> memref<1x1x128xi32, #tpu.memory_space<vmem>>
      %dma_start3A_263 = tpu.memref_squeeze %dma_start3A_262 : memref<1x1x128xi32, #tpu.memory_space<vmem>> -> memref<128xi32, #tpu.memory_space<vmem>>
      %dma_start3A_264 = arith.constant 0 : i32
      %dma_start3A_265 = arith.constant 0 : i32
      %dma_start3A_266 = tpu.memref_slice %arg7[%dma_start3A_264, %dma_start3A_265] : memref<48x128xf32, #tpu.memory_space<vmem_shared>> -> memref<48x128xf32, #tpu.memory_space<vmem_shared>>
      tpu.enqueue_indirect_dma source(%dma_start3A_266 : memref<48x128xf32, #tpu.memory_space<vmem_shared>>) target(%arg12 : memref<128x128xf32, #tpu.memory_space<vmem>>) offsets(%dma_start3A_263 : memref<128xi32, #tpu.memory_space<vmem>>) semaphore(%arg16 : memref<!tpu.dma_semaphore, #tpu.memory_space<semaphore_mem>>)
      %mul3A_267 = arith.constant 4 : i32
      %mul3A_268 = arith.muli %mul3A_267, %add3A_158 : i32
      %add3A_269 = arith.constant 1 : i32
      %add3A_270 = arith.addi %mul3A_268, %add3A_269 : i32
      %add3A_271 = arith.addi %mul3A_2, %add3A_270 : i32
      %mul3A_272 = arith.constant 128 : i32
      %mul3A_273 = arith.muli %add3A_271, %mul3A_272 : i32
      %dma_wait3A_274 = arith.constant 0 : i32
      %dma_wait3A_275 = tpu.memref_slice %arg6[%mul3A_273, %dma_wait3A_274] : memref<524288x128xf32, #tpu.memory_space<hbm>> -> memref<128x128xf32, #tpu.memory_space<hbm>>
      %dma_wait3A_276 = arith.constant 0 : i32
      %dma_wait3A_277 = tpu.memref_slice %arg6[%mul3A_273, %dma_wait3A_276] : memref<524288x128xf32, #tpu.memory_space<hbm>> -> memref<128x128xf32, #tpu.memory_space<hbm>>
      tpu.wait_dma2 semaphore(%arg21 : memref<!tpu.dma_semaphore, #tpu.memory_space<semaphore_mem>>) src(%arg13 : memref<128x128xf32, #tpu.memory_space<vmem>>) dst(%dma_wait3A_277 : memref<128x128xf32, #tpu.memory_space<hbm>>)
      %add3A_278 = arith.constant 4 : i32
      %add3A_279 = arith.addi %add3A_270, %add3A_278 : i32
      %dma_start3A_280 = arith.constant 0 : i32
      %dma_start3A_281 = arith.constant 0 : i32
      %dma_start3A_282 = tpu.memref_slice %arg8[%add3A_279, %dma_start3A_280, %dma_start3A_281] : memref<128x1x128xi32, #tpu.memory_space<vmem>> -> memref<1x1x128xi32, #tpu.memory_space<vmem>>
      %dma_start3A_283 = tpu.memref_squeeze %dma_start3A_282 : memref<1x1x128xi32, #tpu.memory_space<vmem>> -> memref<128xi32, #tpu.memory_space<vmem>>
      %dma_start3A_284 = arith.constant 0 : i32
      %dma_start3A_285 = arith.constant 0 : i32
      %dma_start3A_286 = tpu.memref_slice %arg7[%dma_start3A_284, %dma_start3A_285] : memref<48x128xf32, #tpu.memory_space<vmem_shared>> -> memref<48x128xf32, #tpu.memory_space<vmem_shared>>
      tpu.enqueue_indirect_dma source(%dma_start3A_286 : memref<48x128xf32, #tpu.memory_space<vmem_shared>>) target(%arg13 : memref<128x128xf32, #tpu.memory_space<vmem>>) offsets(%dma_start3A_283 : memref<128xi32, #tpu.memory_space<vmem>>) semaphore(%arg17 : memref<!tpu.dma_semaphore, #tpu.memory_space<semaphore_mem>>)
      %mul3A_287 = arith.constant 4 : i32
      %mul3A_288 = arith.muli %mul3A_287, %add3A_158 : i32
      %add3A_289 = arith.constant 2 : i32
      %add3A_290 = arith.addi %mul3A_288, %add3A_289 : i32
      %add3A_291 = arith.addi %mul3A_2, %add3A_290 : i32
      %mul3A_292 = arith.constant 128 : i32
      %mul3A_293 = arith.muli %add3A_291, %mul3A_292 : i32
      %dma_wait3A_294 = arith.constant 0 : i32
      %dma_wait3A_295 = tpu.memref_slice %arg6[%mul3A_293, %dma_wait3A_294] : memref<524288x128xf32, #tpu.memory_space<hbm>> -> memref<128x128xf32, #tpu.memory_space<hbm>>
      %dma_wait3A_296 = arith.constant 0 : i32
      %dma_wait3A_297 = tpu.memref_slice %arg6[%mul3A_293, %dma_wait3A_296] : memref<524288x128xf32, #tpu.memory_space<hbm>> -> memref<128x128xf32, #tpu.memory_space<hbm>>
      tpu.wait_dma2 semaphore(%arg22 : memref<!tpu.dma_semaphore, #tpu.memory_space<semaphore_mem>>) src(%arg14 : memref<128x128xf32, #tpu.memory_space<vmem>>) dst(%dma_wait3A_297 : memref<128x128xf32, #tpu.memory_space<hbm>>)
      %add3A_298 = arith.constant 4 : i32
      %add3A_299 = arith.addi %add3A_290, %add3A_298 : i32
      %dma_start3A_300 = arith.constant 0 : i32
      %dma_start3A_301 = arith.constant 0 : i32
      %dma_start3A_302 = tpu.memref_slice %arg8[%add3A_299, %dma_start3A_300, %dma_start3A_301] : memref<128x1x128xi32, #tpu.memory_space<vmem>> -> memref<1x1x128xi32, #tpu.memory_space<vmem>>
      %dma_start3A_303 = tpu.memref_squeeze %dma_start3A_302 : memref<1x1x128xi32, #tpu.memory_space<vmem>> -> memref<128xi32, #tpu.memory_space<vmem>>
      %dma_start3A_304 = arith.constant 0 : i32
      %dma_start3A_305 = arith.constant 0 : i32
      %dma_start3A_306 = tpu.memref_slice %arg7[%dma_start3A_304, %dma_start3A_305] : memref<48x128xf32, #tpu.memory_space<vmem_shared>> -> memref<48x128xf32, #tpu.memory_space<vmem_shared>>
      tpu.enqueue_indirect_dma source(%dma_start3A_306 : memref<48x128xf32, #tpu.memory_space<vmem_shared>>) target(%arg14 : memref<128x128xf32, #tpu.memory_space<vmem>>) offsets(%dma_start3A_303 : memref<128xi32, #tpu.memory_space<vmem>>) semaphore(%arg18 : memref<!tpu.dma_semaphore, #tpu.memory_space<semaphore_mem>>)
      %mul3A_307 = arith.constant 4 : i32
      %mul3A_308 = arith.muli %mul3A_307, %add3A_158 : i32
      %add3A_309 = arith.constant 3 : i32
      %add3A_310 = arith.addi %mul3A_308, %add3A_309 : i32
      %add3A_311 = arith.addi %mul3A_2, %add3A_310 : i32
      %mul3A_312 = arith.constant 128 : i32
      %mul3A_313 = arith.muli %add3A_311, %mul3A_312 : i32
      %dma_wait3A_314 = arith.constant 0 : i32
      %dma_wait3A_315 = tpu.memref_slice %arg6[%mul3A_313, %dma_wait3A_314] : memref<524288x128xf32, #tpu.memory_space<hbm>> -> memref<128x128xf32, #tpu.memory_space<hbm>>
      %dma_wait3A_316 = arith.constant 0 : i32
      %dma_wait3A_317 = tpu.memref_slice %arg6[%mul3A_313, %dma_wait3A_316] : memref<524288x128xf32, #tpu.memory_space<hbm>> -> memref<128x128xf32, #tpu.memory_space<hbm>>
      tpu.wait_dma2 semaphore(%arg23 : memref<!tpu.dma_semaphore, #tpu.memory_space<semaphore_mem>>) src(%arg15 : memref<128x128xf32, #tpu.memory_space<vmem>>) dst(%dma_wait3A_317 : memref<128x128xf32, #tpu.memory_space<hbm>>)
      %add3A_318 = arith.constant 4 : i32
      %add3A_319 = arith.addi %add3A_310, %add3A_318 : i32
      %dma_start3A_320 = arith.constant 0 : i32
      %dma_start3A_321 = arith.constant 0 : i32
      %dma_start3A_322 = tpu.memref_slice %arg8[%add3A_319, %dma_start3A_320, %dma_start3A_321] : memref<128x1x128xi32, #tpu.memory_space<vmem>> -> memref<1x1x128xi32, #tpu.memory_space<vmem>>
      %dma_start3A_323 = tpu.memref_squeeze %dma_start3A_322 : memref<1x1x128xi32, #tpu.memory_space<vmem>> -> memref<128xi32, #tpu.memory_space<vmem>>
      %dma_start3A_324 = arith.constant 0 : i32
      %dma_start3A_325 = arith.constant 0 : i32
      %dma_start3A_326 = tpu.memref_slice %arg7[%dma_start3A_324, %dma_start3A_325] : memref<48x128xf32, #tpu.memory_space<vmem_shared>> -> memref<48x128xf32, #tpu.memory_space<vmem_shared>>
      tpu.enqueue_indirect_dma source(%dma_start3A_326 : memref<48x128xf32, #tpu.memory_space<vmem_shared>>) target(%arg15 : memref<128x128xf32, #tpu.memory_space<vmem>>) offsets(%dma_start3A_323 : memref<128xi32, #tpu.memory_space<vmem>>) semaphore(%arg19 : memref<!tpu.dma_semaphore, #tpu.memory_space<semaphore_mem>>)
    }
    %scan3A_105 = arith.constant 8 : i32
    %scan3A_106 = arith.constant 0 : i32
    %scan3A_107 = arith.constant 0 : i32
    %scan3A_108 = arith.constant 8 : i32
    %scan3A_109 = arith.addi %scan3A_107, %scan3A_108 : i32
    %scan3A_110 = arith.constant 1 : i32
    scf.for %scan3A_156 = %scan3A_107 to %scan3A_109 step %scan3A_110  : i32 {
      %add3A_157 = arith.constant 8 : i32
      %add3A_158 = arith.addi %add3A_157, %scan3A_156 : i32
      %eq3A_159 = arith.constant 0 : i32
      %eq3A_160 = arith.cmpi eq, %scan3A_156, %eq3A_159 : i32
      %convert_element_type3A_161 = arith.extui %eq3A_160 : i1 to i32
      %cond3A_162 = arith.constant 0 : i32
      %cond3A_163 = arith.cmpi ne, %convert_element_type3A_161, %cond3A_162 : i32
      scf.if %cond3A_163 {
        %add3A_327 = arith.constant 64 : i32
        %add3A_328 = arith.addi %mul3A_2, %add3A_327 : i32
        %dma_wait3A_329 = arith.constant 0 : i32
        %dma_wait3A_330 = arith.constant 0 : i32
        %dma_wait3A_331 = tpu.memref_slice %arg3[%add3A_328, %dma_wait3A_329, %dma_wait3A_330] : memref<4096x1x128xi32, #tpu.memory_space<hbm>> -> memref<32x1x128xi32, #tpu.memory_space<hbm>>
        %dma_wait3A_332 = arith.constant 0 : i32
        %dma_wait3A_333 = arith.constant 0 : i32
        %dma_wait3A_334 = tpu.memref_slice %arg3[%add3A_328, %dma_wait3A_332, %dma_wait3A_333] : memref<4096x1x128xi32, #tpu.memory_space<hbm>> -> memref<32x1x128xi32, #tpu.memory_space<hbm>>
        tpu.wait_dma2 semaphore(%arg24 : memref<!tpu.dma_semaphore, #tpu.memory_space<semaphore_mem>>) src(%dma_wait3A_334 : memref<32x1x128xi32, #tpu.memory_space<hbm>>) dst(%arg9 : memref<32x1x128xi32, #tpu.memory_space<vmem>>)
        %dma_wait3A_335 = arith.constant 0 : i32
        %dma_wait3A_336 = arith.constant 0 : i32
        %dma_wait3A_337 = tpu.memref_slice %arg4[%add3A_328, %dma_wait3A_335, %dma_wait3A_336] : memref<4096x1x128xi32, #tpu.memory_space<hbm>> -> memref<32x1x128xi32, #tpu.memory_space<hbm>>
        %dma_wait3A_338 = arith.constant 0 : i32
        %dma_wait3A_339 = arith.constant 0 : i32
        %dma_wait3A_340 = tpu.memref_slice %arg4[%add3A_328, %dma_wait3A_338, %dma_wait3A_339] : memref<4096x1x128xi32, #tpu.memory_space<hbm>> -> memref<32x1x128xi32, #tpu.memory_space<hbm>>
        tpu.wait_dma2 semaphore(%arg24 : memref<!tpu.dma_semaphore, #tpu.memory_space<semaphore_mem>>) src(%dma_wait3A_340 : memref<32x1x128xi32, #tpu.memory_space<hbm>>) dst(%arg10 : memref<32x1x128xi32, #tpu.memory_space<vmem>>)
        %dma_wait3A_341 = arith.constant 0 : i32
        %dma_wait3A_342 = arith.constant 0 : i32
        %dma_wait3A_343 = tpu.memref_slice %arg5[%add3A_328, %dma_wait3A_341, %dma_wait3A_342] : memref<4096x1x128xi32, #tpu.memory_space<hbm>> -> memref<32x1x128xi32, #tpu.memory_space<hbm>>
        %dma_wait3A_344 = arith.constant 0 : i32
        %dma_wait3A_345 = arith.constant 0 : i32
        %dma_wait3A_346 = tpu.memref_slice %arg5[%add3A_328, %dma_wait3A_344, %dma_wait3A_345] : memref<4096x1x128xi32, #tpu.memory_space<hbm>> -> memref<32x1x128xi32, #tpu.memory_space<hbm>>
        tpu.wait_dma2 semaphore(%arg24 : memref<!tpu.dma_semaphore, #tpu.memory_space<semaphore_mem>>) src(%dma_wait3A_346 : memref<32x1x128xi32, #tpu.memory_space<hbm>>) dst(%arg11 : memref<32x1x128xi32, #tpu.memory_space<vmem>>)
      } else {
      }
      %scan3A_164 = arith.constant 0 : i32
      %scan3A_165 = arith.constant 0 : i32
      %scan3A_166 = arith.constant 4 : i32
      %scan3A_167 = arith.addi %scan3A_165, %scan3A_166 : i32
      %scan3A_168 = arith.constant 1 : i32
      scf.for %scan3A_327 = %scan3A_165 to %scan3A_167 step %scan3A_168  : i32 {
        %mul3A_328 = arith.constant 4 : i32
        %mul3A_329 = arith.muli %mul3A_328, %scan3A_156 : i32
        %add3A_330 = arith.addi %mul3A_329, %scan3A_327 : i32
        %mul3A_331 = arith.constant 4 : i32
        %mul3A_332 = arith.muli %mul3A_331, %add3A_158 : i32
        %add3A_333 = arith.constant 32 : i32
        %add3A_334 = arith.addi %mul3A_332, %add3A_333 : i32
        %add3A_335 = arith.addi %add3A_334, %scan3A_327 : i32
        %get3A = arith.constant 0 : i32
        %get3A_336 = arith.index_cast %add3A_330 : i32 to index
        %get3A_337 = arith.index_cast %get3A : i32 to index
        %get3A_338 = arith.constant 0 : index
        %get3A_339 = tpu.vector_load %arg9[%get3A_336, %get3A_337, %get3A_338] {strides = array<i32>} : memref<32x1x128xi32, #tpu.memory_space<vmem>>, vector<1x1x16xi32>,
        %get3A_340 = vector.shape_cast %get3A_339 : vector<1x1x16xi32> to vector<16xi32>
        %get3A_341 = arith.constant 0 : i32
        %get3A_342 = arith.index_cast %add3A_330 : i32 to index
        %get3A_343 = arith.index_cast %get3A_341 : i32 to index
        %get3A_344 = arith.constant 0 : index
        %get3A_345 = tpu.vector_load %arg10[%get3A_342, %get3A_343, %get3A_344] {strides = array<i32>} : memref<32x1x128xi32, #tpu.memory_space<vmem>>, vector<1x1x16xi32>,
        %get3A_346 = vector.shape_cast %get3A_345 : vector<1x1x16xi32> to vector<16xi32>
        %mul3A_347 = arith.constant 5 : i32
        %mul3A_348 = vector.broadcast %mul3A_347 : i32 to vector<16xi32>
        %mul3A_349 = arith.muli %get3A_346, %mul3A_348 : vector<16xi32>
        %add3A_350 = arith.addi %get3A_340, %mul3A_349 : vector<16xi32>
        %get3A_351 = arith.constant 0 : i32
        %get3A_352 = arith.index_cast %add3A_330 : i32 to index
        %get3A_353 = arith.index_cast %get3A_351 : i32 to index
        %get3A_354 = arith.constant 0 : index
        %get3A_355 = tpu.vector_load %arg11[%get3A_352, %get3A_353, %get3A_354] {strides = array<i32>} : memref<32x1x128xi32, #tpu.memory_space<vmem>>, vector<1x1x16xi32>,
        %get3A_356 = vector.shape_cast %get3A_355 : vector<1x1x16xi32> to vector<16xi32>
        %mul3A_357 = arith.constant 15 : i32
        %mul3A_358 = vector.broadcast %mul3A_357 : i32 to vector<16xi32>
        %mul3A_359 = arith.muli %get3A_356, %mul3A_358 : vector<16xi32>
        %add3A_360 = arith.addi %add3A_350, %mul3A_359 : vector<16xi32>
        %swap3A = arith.constant 0 : i32
        %swap3A_361 = arith.index_cast %add3A_335 : i32 to index
        %swap3A_362 = arith.index_cast %swap3A : i32 to index
        %swap3A_363 = arith.constant 0 : index
        %swap3A_364 = tpu.vector_load %arg8[%swap3A_361, %swap3A_362, %swap3A_363] {strides = array<i32>} : memref<128x1x128xi32, #tpu.memory_space<vmem>>, vector<1x1x16xi32>,
        %swap3A_365 = vector.shape_cast %swap3A_364 : vector<1x1x16xi32> to vector<16xi32>
        %swap3A_366 = vector.shape_cast %add3A_360 : vector<16xi32> to vector<1x1x16xi32>
        tpu.vector_store %arg8[%swap3A_361, %swap3A_362, %swap3A_363], %swap3A_366 {strides = array<i32>} : memref<128x1x128xi32, #tpu.memory_space<vmem>>, vector<1x1x16xi32>,
        %get3A_367 = arith.constant 0 : i32
        %get3A_368 = arith.index_cast %add3A_330 : i32 to index
        %get3A_369 = arith.index_cast %get3A_367 : i32 to index
        %get3A_370 = arith.constant 16 : index
        %get3A_371 = tpu.vector_load %arg9[%get3A_368, %get3A_369, %get3A_370] {strides = array<i32>} : memref<32x1x128xi32, #tpu.memory_space<vmem>>, vector<1x1x16xi32>,
        %get3A_372 = vector.shape_cast %get3A_371 : vector<1x1x16xi32> to vector<16xi32>
        %get3A_373 = arith.constant 0 : i32
        %get3A_374 = arith.index_cast %add3A_330 : i32 to index
        %get3A_375 = arith.index_cast %get3A_373 : i32 to index
        %get3A_376 = arith.constant 16 : index
        %get3A_377 = tpu.vector_load %arg10[%get3A_374, %get3A_375, %get3A_376] {strides = array<i32>} : memref<32x1x128xi32, #tpu.memory_space<vmem>>, vector<1x1x16xi32>,
        %get3A_378 = vector.shape_cast %get3A_377 : vector<1x1x16xi32> to vector<16xi32>
        %mul3A_379 = arith.constant 5 : i32
        %mul3A_380 = vector.broadcast %mul3A_379 : i32 to vector<16xi32>
        %mul3A_381 = arith.muli %get3A_378, %mul3A_380 : vector<16xi32>
        %add3A_382 = arith.addi %get3A_372, %mul3A_381 : vector<16xi32>
        %get3A_383 = arith.constant 0 : i32
        %get3A_384 = arith.index_cast %add3A_330 : i32 to index
        %get3A_385 = arith.index_cast %get3A_383 : i32 to index
        %get3A_386 = arith.constant 16 : index
        %get3A_387 = tpu.vector_load %arg11[%get3A_384, %get3A_385, %get3A_386] {strides = array<i32>} : memref<32x1x128xi32, #tpu.memory_space<vmem>>, vector<1x1x16xi32>,
        %get3A_388 = vector.shape_cast %get3A_387 : vector<1x1x16xi32> to vector<16xi32>
        %mul3A_389 = arith.constant 15 : i32
        %mul3A_390 = vector.broadcast %mul3A_389 : i32 to vector<16xi32>
        %mul3A_391 = arith.muli %get3A_388, %mul3A_390 : vector<16xi32>
        %add3A_392 = arith.addi %add3A_382, %mul3A_391 : vector<16xi32>
        %swap3A_393 = arith.constant 0 : i32
        %swap3A_394 = arith.index_cast %add3A_335 : i32 to index
        %swap3A_395 = arith.index_cast %swap3A_393 : i32 to index
        %swap3A_396 = arith.constant 16 : index
        %swap3A_397 = tpu.vector_load %arg8[%swap3A_394, %swap3A_395, %swap3A_396] {strides = array<i32>} : memref<128x1x128xi32, #tpu.memory_space<vmem>>, vector<1x1x16xi32>,
        %swap3A_398 = vector.shape_cast %swap3A_397 : vector<1x1x16xi32> to vector<16xi32>
        %swap3A_399 = vector.shape_cast %add3A_392 : vector<16xi32> to vector<1x1x16xi32>
        tpu.vector_store %arg8[%swap3A_394, %swap3A_395, %swap3A_396], %swap3A_399 {strides = array<i32>} : memref<128x1x128xi32, #tpu.memory_space<vmem>>, vector<1x1x16xi32>,
        %get3A_400 = arith.constant 0 : i32
        %get3A_401 = arith.index_cast %add3A_330 : i32 to index
        %get3A_402 = arith.index_cast %get3A_400 : i32 to index
        %get3A_403 = arith.constant 32 : index
        %get3A_404 = tpu.vector_load %arg9[%get3A_401, %get3A_402, %get3A_403] {strides = array<i32>} : memref<32x1x128xi32, #tpu.memory_space<vmem>>, vector<1x1x16xi32>,
        %get3A_405 = vector.shape_cast %get3A_404 : vector<1x1x16xi32> to vector<16xi32>
        %get3A_406 = arith.constant 0 : i32
        %get3A_407 = arith.index_cast %add3A_330 : i32 to index
        %get3A_408 = arith.index_cast %get3A_406 : i32 to index
        %get3A_409 = arith.constant 32 : index
        %get3A_410 = tpu.vector_load %arg10[%get3A_407, %get3A_408, %get3A_409] {strides = array<i32>} : memref<32x1x128xi32, #tpu.memory_space<vmem>>, vector<1x1x16xi32>,
        %get3A_411 = vector.shape_cast %get3A_410 : vector<1x1x16xi32> to vector<16xi32>
        %mul3A_412 = arith.constant 5 : i32
        %mul3A_413 = vector.broadcast %mul3A_412 : i32 to vector<16xi32>
        %mul3A_414 = arith.muli %get3A_411, %mul3A_413 : vector<16xi32>
        %add3A_415 = arith.addi %get3A_405, %mul3A_414 : vector<16xi32>
        %get3A_416 = arith.constant 0 : i32
        %get3A_417 = arith.index_cast %add3A_330 : i32 to index
        %get3A_418 = arith.index_cast %get3A_416 : i32 to index
        %get3A_419 = arith.constant 32 : index
        %get3A_420 = tpu.vector_load %arg11[%get3A_417, %get3A_418, %get3A_419] {strides = array<i32>} : memref<32x1x128xi32, #tpu.memory_space<vmem>>, vector<1x1x16xi32>,
        %get3A_421 = vector.shape_cast %get3A_420 : vector<1x1x16xi32> to vector<16xi32>
        %mul3A_422 = arith.constant 15 : i32
        %mul3A_423 = vector.broadcast %mul3A_422 : i32 to vector<16xi32>
        %mul3A_424 = arith.muli %get3A_421, %mul3A_423 : vector<16xi32>
        %add3A_425 = arith.addi %add3A_415, %mul3A_424 : vector<16xi32>
        %swap3A_426 = arith.constant 0 : i32
        %swap3A_427 = arith.index_cast %add3A_335 : i32 to index
        %swap3A_428 = arith.index_cast %swap3A_426 : i32 to index
        %swap3A_429 = arith.constant 32 : index
        %swap3A_430 = tpu.vector_load %arg8[%swap3A_427, %swap3A_428, %swap3A_429] {strides = array<i32>} : memref<128x1x128xi32, #tpu.memory_space<vmem>>, vector<1x1x16xi32>,
        %swap3A_431 = vector.shape_cast %swap3A_430 : vector<1x1x16xi32> to vector<16xi32>
        %swap3A_432 = vector.shape_cast %add3A_425 : vector<16xi32> to vector<1x1x16xi32>
        tpu.vector_store %arg8[%swap3A_427, %swap3A_428, %swap3A_429], %swap3A_432 {strides = array<i32>} : memref<128x1x128xi32, #tpu.memory_space<vmem>>, vector<1x1x16xi32>,
        %get3A_433 = arith.constant 0 : i32
        %get3A_434 = arith.index_cast %add3A_330 : i32 to index
        %get3A_435 = arith.index_cast %get3A_433 : i32 to index
        %get3A_436 = arith.constant 48 : index
        %get3A_437 = tpu.vector_load %arg9[%get3A_434, %get3A_435, %get3A_436] {strides = array<i32>} : memref<32x1x128xi32, #tpu.memory_space<vmem>>, vector<1x1x16xi32>,
        %get3A_438 = vector.shape_cast %get3A_437 : vector<1x1x16xi32> to vector<16xi32>
        %get3A_439 = arith.constant 0 : i32
        %get3A_440 = arith.index_cast %add3A_330 : i32 to index
        %get3A_441 = arith.index_cast %get3A_439 : i32 to index
        %get3A_442 = arith.constant 48 : index
        %get3A_443 = tpu.vector_load %arg10[%get3A_440, %get3A_441, %get3A_442] {strides = array<i32>} : memref<32x1x128xi32, #tpu.memory_space<vmem>>, vector<1x1x16xi32>,
        %get3A_444 = vector.shape_cast %get3A_443 : vector<1x1x16xi32> to vector<16xi32>
        %mul3A_445 = arith.constant 5 : i32
        %mul3A_446 = vector.broadcast %mul3A_445 : i32 to vector<16xi32>
        %mul3A_447 = arith.muli %get3A_444, %mul3A_446 : vector<16xi32>
        %add3A_448 = arith.addi %get3A_438, %mul3A_447 : vector<16xi32>
        %get3A_449 = arith.constant 0 : i32
        %get3A_450 = arith.index_cast %add3A_330 : i32 to index
        %get3A_451 = arith.index_cast %get3A_449 : i32 to index
        %get3A_452 = arith.constant 48 : index
        %get3A_453 = tpu.vector_load %arg11[%get3A_450, %get3A_451, %get3A_452] {strides = array<i32>} : memref<32x1x128xi32, #tpu.memory_space<vmem>>, vector<1x1x16xi32>,
        %get3A_454 = vector.shape_cast %get3A_453 : vector<1x1x16xi32> to vector<16xi32>
        %mul3A_455 = arith.constant 15 : i32
        %mul3A_456 = vector.broadcast %mul3A_455 : i32 to vector<16xi32>
        %mul3A_457 = arith.muli %get3A_454, %mul3A_456 : vector<16xi32>
        %add3A_458 = arith.addi %add3A_448, %mul3A_457 : vector<16xi32>
        %swap3A_459 = arith.constant 0 : i32
        %swap3A_460 = arith.index_cast %add3A_335 : i32 to index
        %swap3A_461 = arith.index_cast %swap3A_459 : i32 to index
        %swap3A_462 = arith.constant 48 : index
        %swap3A_463 = tpu.vector_load %arg8[%swap3A_460, %swap3A_461, %swap3A_462] {strides = array<i32>} : memref<128x1x128xi32, #tpu.memory_space<vmem>>, vector<1x1x16xi32>,
        %swap3A_464 = vector.shape_cast %swap3A_463 : vector<1x1x16xi32> to vector<16xi32>
        %swap3A_465 = vector.shape_cast %add3A_458 : vector<16xi32> to vector<1x1x16xi32>
        tpu.vector_store %arg8[%swap3A_460, %swap3A_461, %swap3A_462], %swap3A_465 {strides = array<i32>} : memref<128x1x128xi32, #tpu.memory_space<vmem>>, vector<1x1x16xi32>,
        %get3A_466 = arith.constant 0 : i32
        %get3A_467 = arith.index_cast %add3A_330 : i32 to index
        %get3A_468 = arith.index_cast %get3A_466 : i32 to index
        %get3A_469 = arith.constant 64 : index
        %get3A_470 = tpu.vector_load %arg9[%get3A_467, %get3A_468, %get3A_469] {strides = array<i32>} : memref<32x1x128xi32, #tpu.memory_space<vmem>>, vector<1x1x16xi32>,
        %get3A_471 = vector.shape_cast %get3A_470 : vector<1x1x16xi32> to vector<16xi32>
        %get3A_472 = arith.constant 0 : i32
        %get3A_473 = arith.index_cast %add3A_330 : i32 to index
        %get3A_474 = arith.index_cast %get3A_472 : i32 to index
        %get3A_475 = arith.constant 64 : index
        %get3A_476 = tpu.vector_load %arg10[%get3A_473, %get3A_474, %get3A_475] {strides = array<i32>} : memref<32x1x128xi32, #tpu.memory_space<vmem>>, vector<1x1x16xi32>,
        %get3A_477 = vector.shape_cast %get3A_476 : vector<1x1x16xi32> to vector<16xi32>
        %mul3A_478 = arith.constant 5 : i32
        %mul3A_479 = vector.broadcast %mul3A_478 : i32 to vector<16xi32>
        %mul3A_480 = arith.muli %get3A_477, %mul3A_479 : vector<16xi32>
        %add3A_481 = arith.addi %get3A_471, %mul3A_480 : vector<16xi32>
        %get3A_482 = arith.constant 0 : i32
        %get3A_483 = arith.index_cast %add3A_330 : i32 to index
        %get3A_484 = arith.index_cast %get3A_482 : i32 to index
        %get3A_485 = arith.constant 64 : index
        %get3A_486 = tpu.vector_load %arg11[%get3A_483, %get3A_484, %get3A_485] {strides = array<i32>} : memref<32x1x128xi32, #tpu.memory_space<vmem>>, vector<1x1x16xi32>,
        %get3A_487 = vector.shape_cast %get3A_486 : vector<1x1x16xi32> to vector<16xi32>
        %mul3A_488 = arith.constant 15 : i32
        %mul3A_489 = vector.broadcast %mul3A_488 : i32 to vector<16xi32>
        %mul3A_490 = arith.muli %get3A_487, %mul3A_489 : vector<16xi32>
        %add3A_491 = arith.addi %add3A_481, %mul3A_490 : vector<16xi32>
        %swap3A_492 = arith.constant 0 : i32
        %swap3A_493 = arith.index_cast %add3A_335 : i32 to index
        %swap3A_494 = arith.index_cast %swap3A_492 : i32 to index
        %swap3A_495 = arith.constant 64 : index
        %swap3A_496 = tpu.vector_load %arg8[%swap3A_493, %swap3A_494, %swap3A_495] {strides = array<i32>} : memref<128x1x128xi32, #tpu.memory_space<vmem>>, vector<1x1x16xi32>,
        %swap3A_497 = vector.shape_cast %swap3A_496 : vector<1x1x16xi32> to vector<16xi32>
        %swap3A_498 = vector.shape_cast %add3A_491 : vector<16xi32> to vector<1x1x16xi32>
        tpu.vector_store %arg8[%swap3A_493, %swap3A_494, %swap3A_495], %swap3A_498 {strides = array<i32>} : memref<128x1x128xi32, #tpu.memory_space<vmem>>, vector<1x1x16xi32>,
        %get3A_499 = arith.constant 0 : i32
        %get3A_500 = arith.index_cast %add3A_330 : i32 to index
        %get3A_501 = arith.index_cast %get3A_499 : i32 to index
        %get3A_502 = arith.constant 80 : index
        %get3A_503 = tpu.vector_load %arg9[%get3A_500, %get3A_501, %get3A_502] {strides = array<i32>} : memref<32x1x128xi32, #tpu.memory_space<vmem>>, vector<1x1x16xi32>,
        %get3A_504 = vector.shape_cast %get3A_503 : vector<1x1x16xi32> to vector<16xi32>
        %get3A_505 = arith.constant 0 : i32
        %get3A_506 = arith.index_cast %add3A_330 : i32 to index
        %get3A_507 = arith.index_cast %get3A_505 : i32 to index
        %get3A_508 = arith.constant 80 : index
        %get3A_509 = tpu.vector_load %arg10[%get3A_506, %get3A_507, %get3A_508] {strides = array<i32>} : memref<32x1x128xi32, #tpu.memory_space<vmem>>, vector<1x1x16xi32>,
        %get3A_510 = vector.shape_cast %get3A_509 : vector<1x1x16xi32> to vector<16xi32>
        %mul3A_511 = arith.constant 5 : i32
        %mul3A_512 = vector.broadcast %mul3A_511 : i32 to vector<16xi32>
        %mul3A_513 = arith.muli %get3A_510, %mul3A_512 : vector<16xi32>
        %add3A_514 = arith.addi %get3A_504, %mul3A_513 : vector<16xi32>
        %get3A_515 = arith.constant 0 : i32
        %get3A_516 = arith.index_cast %add3A_330 : i32 to index
        %get3A_517 = arith.index_cast %get3A_515 : i32 to index
        %get3A_518 = arith.constant 80 : index
        %get3A_519 = tpu.vector_load %arg11[%get3A_516, %get3A_517, %get3A_518] {strides = array<i32>} : memref<32x1x128xi32, #tpu.memory_space<vmem>>, vector<1x1x16xi32>,
        %get3A_520 = vector.shape_cast %get3A_519 : vector<1x1x16xi32> to vector<16xi32>
        %mul3A_521 = arith.constant 15 : i32
        %mul3A_522 = vector.broadcast %mul3A_521 : i32 to vector<16xi32>
        %mul3A_523 = arith.muli %get3A_520, %mul3A_522 : vector<16xi32>
        %add3A_524 = arith.addi %add3A_514, %mul3A_523 : vector<16xi32>
        %swap3A_525 = arith.constant 0 : i32
        %swap3A_526 = arith.index_cast %add3A_335 : i32 to index
        %swap3A_527 = arith.index_cast %swap3A_525 : i32 to index
        %swap3A_528 = arith.constant 80 : index
        %swap3A_529 = tpu.vector_load %arg8[%swap3A_526, %swap3A_527, %swap3A_528] {strides = array<i32>} : memref<128x1x128xi32, #tpu.memory_space<vmem>>, vector<1x1x16xi32>,
        %swap3A_530 = vector.shape_cast %swap3A_529 : vector<1x1x16xi32> to vector<16xi32>
        %swap3A_531 = vector.shape_cast %add3A_524 : vector<16xi32> to vector<1x1x16xi32>
        tpu.vector_store %arg8[%swap3A_526, %swap3A_527, %swap3A_528], %swap3A_531 {strides = array<i32>} : memref<128x1x128xi32, #tpu.memory_space<vmem>>, vector<1x1x16xi32>,
        %get3A_532 = arith.constant 0 : i32
        %get3A_533 = arith.index_cast %add3A_330 : i32 to index
        %get3A_534 = arith.index_cast %get3A_532 : i32 to index
        %get3A_535 = arith.constant 96 : index
        %get3A_536 = tpu.vector_load %arg9[%get3A_533, %get3A_534, %get3A_535] {strides = array<i32>} : memref<32x1x128xi32, #tpu.memory_space<vmem>>, vector<1x1x16xi32>,
        %get3A_537 = vector.shape_cast %get3A_536 : vector<1x1x16xi32> to vector<16xi32>
        %get3A_538 = arith.constant 0 : i32
        %get3A_539 = arith.index_cast %add3A_330 : i32 to index
        %get3A_540 = arith.index_cast %get3A_538 : i32 to index
        %get3A_541 = arith.constant 96 : index
        %get3A_542 = tpu.vector_load %arg10[%get3A_539, %get3A_540, %get3A_541] {strides = array<i32>} : memref<32x1x128xi32, #tpu.memory_space<vmem>>, vector<1x1x16xi32>,
        %get3A_543 = vector.shape_cast %get3A_542 : vector<1x1x16xi32> to vector<16xi32>
        %mul3A_544 = arith.constant 5 : i32
        %mul3A_545 = vector.broadcast %mul3A_544 : i32 to vector<16xi32>
        %mul3A_546 = arith.muli %get3A_543, %mul3A_545 : vector<16xi32>
        %add3A_547 = arith.addi %get3A_537, %mul3A_546 : vector<16xi32>
        %get3A_548 = arith.constant 0 : i32
        %get3A_549 = arith.index_cast %add3A_330 : i32 to index
        %get3A_550 = arith.index_cast %get3A_548 : i32 to index
        %get3A_551 = arith.constant 96 : index
        %get3A_552 = tpu.vector_load %arg11[%get3A_549, %get3A_550, %get3A_551] {strides = array<i32>} : memref<32x1x128xi32, #tpu.memory_space<vmem>>, vector<1x1x16xi32>,
        %get3A_553 = vector.shape_cast %get3A_552 : vector<1x1x16xi32> to vector<16xi32>
        %mul3A_554 = arith.constant 15 : i32
        %mul3A_555 = vector.broadcast %mul3A_554 : i32 to vector<16xi32>
        %mul3A_556 = arith.muli %get3A_553, %mul3A_555 : vector<16xi32>
        %add3A_557 = arith.addi %add3A_547, %mul3A_556 : vector<16xi32>
        %swap3A_558 = arith.constant 0 : i32
        %swap3A_559 = arith.index_cast %add3A_335 : i32 to index
        %swap3A_560 = arith.index_cast %swap3A_558 : i32 to index
        %swap3A_561 = arith.constant 96 : index
        %swap3A_562 = tpu.vector_load %arg8[%swap3A_559, %swap3A_560, %swap3A_561] {strides = array<i32>} : memref<128x1x128xi32, #tpu.memory_space<vmem>>, vector<1x1x16xi32>,
        %swap3A_563 = vector.shape_cast %swap3A_562 : vector<1x1x16xi32> to vector<16xi32>
        %swap3A_564 = vector.shape_cast %add3A_557 : vector<16xi32> to vector<1x1x16xi32>
        tpu.vector_store %arg8[%swap3A_559, %swap3A_560, %swap3A_561], %swap3A_564 {strides = array<i32>} : memref<128x1x128xi32, #tpu.memory_space<vmem>>, vector<1x1x16xi32>,
        %get3A_565 = arith.constant 0 : i32
        %get3A_566 = arith.index_cast %add3A_330 : i32 to index
        %get3A_567 = arith.index_cast %get3A_565 : i32 to index
        %get3A_568 = arith.constant 112 : index
        %get3A_569 = tpu.vector_load %arg9[%get3A_566, %get3A_567, %get3A_568] {strides = array<i32>} : memref<32x1x128xi32, #tpu.memory_space<vmem>>, vector<1x1x16xi32>,
        %get3A_570 = vector.shape_cast %get3A_569 : vector<1x1x16xi32> to vector<16xi32>
        %get3A_571 = arith.constant 0 : i32
        %get3A_572 = arith.index_cast %add3A_330 : i32 to index
        %get3A_573 = arith.index_cast %get3A_571 : i32 to index
        %get3A_574 = arith.constant 112 : index
        %get3A_575 = tpu.vector_load %arg10[%get3A_572, %get3A_573, %get3A_574] {strides = array<i32>} : memref<32x1x128xi32, #tpu.memory_space<vmem>>, vector<1x1x16xi32>,
        %get3A_576 = vector.shape_cast %get3A_575 : vector<1x1x16xi32> to vector<16xi32>
        %mul3A_577 = arith.constant 5 : i32
        %mul3A_578 = vector.broadcast %mul3A_577 : i32 to vector<16xi32>
        %mul3A_579 = arith.muli %get3A_576, %mul3A_578 : vector<16xi32>
        %add3A_580 = arith.addi %get3A_570, %mul3A_579 : vector<16xi32>
        %get3A_581 = arith.constant 0 : i32
        %get3A_582 = arith.index_cast %add3A_330 : i32 to index
        %get3A_583 = arith.index_cast %get3A_581 : i32 to index
        %get3A_584 = arith.constant 112 : index
        %get3A_585 = tpu.vector_load %arg11[%get3A_582, %get3A_583, %get3A_584] {strides = array<i32>} : memref<32x1x128xi32, #tpu.memory_space<vmem>>, vector<1x1x16xi32>,
        %get3A_586 = vector.shape_cast %get3A_585 : vector<1x1x16xi32> to vector<16xi32>
        %mul3A_587 = arith.constant 15 : i32
        %mul3A_588 = vector.broadcast %mul3A_587 : i32 to vector<16xi32>
        %mul3A_589 = arith.muli %get3A_586, %mul3A_588 : vector<16xi32>
        %add3A_590 = arith.addi %add3A_580, %mul3A_589 : vector<16xi32>
        %swap3A_591 = arith.constant 0 : i32
        %swap3A_592 = arith.index_cast %add3A_335 : i32 to index
        %swap3A_593 = arith.index_cast %swap3A_591 : i32 to index
        %swap3A_594 = arith.constant 112 : index
        %swap3A_595 = tpu.vector_load %arg8[%swap3A_592, %swap3A_593, %swap3A_594] {strides = array<i32>} : memref<128x1x128xi32, #tpu.memory_space<vmem>>, vector<1x1x16xi32>,
        %swap3A_596 = vector.shape_cast %swap3A_595 : vector<1x1x16xi32> to vector<16xi32>
        %swap3A_597 = vector.shape_cast %add3A_590 : vector<16xi32> to vector<1x1x16xi32>
        tpu.vector_store %arg8[%swap3A_592, %swap3A_593, %swap3A_594], %swap3A_597 {strides = array<i32>} : memref<128x1x128xi32, #tpu.memory_space<vmem>>, vector<1x1x16xi32>,
      }
      %scan3A_169 = arith.constant 4 : i32
      %eq3A_170 = arith.constant 7 : i32
      %eq3A_171 = arith.cmpi eq, %scan3A_156, %eq3A_170 : i32
      %convert_element_type3A_172 = arith.extui %eq3A_171 : i1 to i32
      %cond3A_173 = arith.constant 0 : i32
      %cond3A_174 = arith.cmpi ne, %convert_element_type3A_172, %cond3A_173 : i32
      scf.if %cond3A_174 {
        %add3A_327 = arith.constant 96 : i32
        %add3A_328 = arith.addi %mul3A_2, %add3A_327 : i32
        %dma_start3A_329 = arith.constant 0 : i32
        %dma_start3A_330 = arith.constant 0 : i32
        %dma_start3A_331 = tpu.memref_slice %arg3[%add3A_328, %dma_start3A_329, %dma_start3A_330] : memref<4096x1x128xi32, #tpu.memory_space<hbm>> -> memref<32x1x128xi32, #tpu.memory_space<hbm>>
        %dma_start3A_332 = arith.constant 0 : i32
        %dma_start3A_333 = arith.constant 0 : i32
        %dma_start3A_334 = tpu.memref_slice %arg3[%add3A_328, %dma_start3A_332, %dma_start3A_333] : memref<4096x1x128xi32, #tpu.memory_space<hbm>> -> memref<32x1x128xi32, #tpu.memory_space<hbm>>
        tpu.enqueue_dma source(%dma_start3A_334 : memref<32x1x128xi32, #tpu.memory_space<hbm>>) target(%arg9 : memref<32x1x128xi32, #tpu.memory_space<vmem>>) target_semaphore(%arg24 : memref<!tpu.dma_semaphore, #tpu.memory_space<semaphore_mem>>)
        %dma_start3A_335 = arith.constant 0 : i32
        %dma_start3A_336 = arith.constant 0 : i32
        %dma_start3A_337 = tpu.memref_slice %arg4[%add3A_328, %dma_start3A_335, %dma_start3A_336] : memref<4096x1x128xi32, #tpu.memory_space<hbm>> -> memref<32x1x128xi32, #tpu.memory_space<hbm>>
        %dma_start3A_338 = arith.constant 0 : i32
        %dma_start3A_339 = arith.constant 0 : i32
        %dma_start3A_340 = tpu.memref_slice %arg4[%add3A_328, %dma_start3A_338, %dma_start3A_339] : memref<4096x1x128xi32, #tpu.memory_space<hbm>> -> memref<32x1x128xi32, #tpu.memory_space<hbm>>
        tpu.enqueue_dma source(%dma_start3A_340 : memref<32x1x128xi32, #tpu.memory_space<hbm>>) target(%arg10 : memref<32x1x128xi32, #tpu.memory_space<vmem>>) target_semaphore(%arg24 : memref<!tpu.dma_semaphore, #tpu.memory_space<semaphore_mem>>)
        %dma_start3A_341 = arith.constant 0 : i32
        %dma_start3A_342 = arith.constant 0 : i32
        %dma_start3A_343 = tpu.memref_slice %arg5[%add3A_328, %dma_start3A_341, %dma_start3A_342] : memref<4096x1x128xi32, #tpu.memory_space<hbm>> -> memref<32x1x128xi32, #tpu.memory_space<hbm>>
        %dma_start3A_344 = arith.constant 0 : i32
        %dma_start3A_345 = arith.constant 0 : i32
        %dma_start3A_346 = tpu.memref_slice %arg5[%add3A_328, %dma_start3A_344, %dma_start3A_345] : memref<4096x1x128xi32, #tpu.memory_space<hbm>> -> memref<32x1x128xi32, #tpu.memory_space<hbm>>
        tpu.enqueue_dma source(%dma_start3A_346 : memref<32x1x128xi32, #tpu.memory_space<hbm>>) target(%arg11 : memref<32x1x128xi32, #tpu.memory_space<vmem>>) target_semaphore(%arg24 : memref<!tpu.dma_semaphore, #tpu.memory_space<semaphore_mem>>)
      } else {
      }
      %mul3A_175 = arith.constant 4 : i32
      %mul3A_176 = arith.muli %mul3A_175, %add3A_158 : i32
      %add3A_177 = arith.constant 0 : i32
      %add3A_178 = arith.addi %mul3A_176, %add3A_177 : i32
      %dma_wait3A_179 = arith.constant 0 : i32
      %dma_wait3A_180 = arith.constant 0 : i32
      %dma_wait3A_181 = tpu.memref_slice %arg8[%add3A_178, %dma_wait3A_179, %dma_wait3A_180] : memref<128x1x128xi32, #tpu.memory_space<vmem>> -> memref<1x1x128xi32, #tpu.memory_space<vmem>>
      %dma_wait3A_182 = tpu.memref_squeeze %dma_wait3A_181 : memref<1x1x128xi32, #tpu.memory_space<vmem>> -> memref<128xi32, #tpu.memory_space<vmem>>
      %dma_wait3A_183 = arith.constant 0 : i32
      %dma_wait3A_184 = arith.constant 0 : i32
      %dma_wait3A_185 = tpu.memref_slice %arg7[%dma_wait3A_183, %dma_wait3A_184] : memref<48x128xf32, #tpu.memory_space<vmem_shared>> -> memref<48x128xf32, #tpu.memory_space<vmem_shared>>
      tpu.wait_indirect_dma semaphore(%arg16 : memref<!tpu.dma_semaphore, #tpu.memory_space<semaphore_mem>>) src(%dma_wait3A_185 : memref<48x128xf32, #tpu.memory_space<vmem_shared>>) dst(%arg12 : memref<128x128xf32, #tpu.memory_space<vmem>>)
      %add3A_186 = arith.addi %mul3A_2, %add3A_178 : i32
      %mul3A_187 = arith.constant 128 : i32
      %mul3A_188 = arith.muli %add3A_186, %mul3A_187 : i32
      %dma_start3A_189 = arith.constant 0 : i32
      %dma_start3A_190 = tpu.memref_slice %arg6[%mul3A_188, %dma_start3A_189] : memref<524288x128xf32, #tpu.memory_space<hbm>> -> memref<128x128xf32, #tpu.memory_space<hbm>>
      %dma_start3A_191 = arith.constant 0 : i32
      %dma_start3A_192 = tpu.memref_slice %arg6[%mul3A_188, %dma_start3A_191] : memref<524288x128xf32, #tpu.memory_space<hbm>> -> memref<128x128xf32, #tpu.memory_space<hbm>>
      tpu.enqueue_dma source(%arg12 : memref<128x128xf32, #tpu.memory_space<vmem>>) target(%dma_start3A_192 : memref<128x128xf32, #tpu.memory_space<hbm>>) target_semaphore(%arg20 : memref<!tpu.dma_semaphore, #tpu.memory_space<semaphore_mem>>)
      %mul3A_193 = arith.constant 4 : i32
      %mul3A_194 = arith.muli %mul3A_193, %add3A_158 : i32
      %add3A_195 = arith.constant 1 : i32
      %add3A_196 = arith.addi %mul3A_194, %add3A_195 : i32
      %dma_wait3A_197 = arith.constant 0 : i32
      %dma_wait3A_198 = arith.constant 0 : i32
      %dma_wait3A_199 = tpu.memref_slice %arg8[%add3A_196, %dma_wait3A_197, %dma_wait3A_198] : memref<128x1x128xi32, #tpu.memory_space<vmem>> -> memref<1x1x128xi32, #tpu.memory_space<vmem>>
      %dma_wait3A_200 = tpu.memref_squeeze %dma_wait3A_199 : memref<1x1x128xi32, #tpu.memory_space<vmem>> -> memref<128xi32, #tpu.memory_space<vmem>>
      %dma_wait3A_201 = arith.constant 0 : i32
      %dma_wait3A_202 = arith.constant 0 : i32
      %dma_wait3A_203 = tpu.memref_slice %arg7[%dma_wait3A_201, %dma_wait3A_202] : memref<48x128xf32, #tpu.memory_space<vmem_shared>> -> memref<48x128xf32, #tpu.memory_space<vmem_shared>>
      tpu.wait_indirect_dma semaphore(%arg17 : memref<!tpu.dma_semaphore, #tpu.memory_space<semaphore_mem>>) src(%dma_wait3A_203 : memref<48x128xf32, #tpu.memory_space<vmem_shared>>) dst(%arg13 : memref<128x128xf32, #tpu.memory_space<vmem>>)
      %add3A_204 = arith.addi %mul3A_2, %add3A_196 : i32
      %mul3A_205 = arith.constant 128 : i32
      %mul3A_206 = arith.muli %add3A_204, %mul3A_205 : i32
      %dma_start3A_207 = arith.constant 0 : i32
      %dma_start3A_208 = tpu.memref_slice %arg6[%mul3A_206, %dma_start3A_207] : memref<524288x128xf32, #tpu.memory_space<hbm>> -> memref<128x128xf32, #tpu.memory_space<hbm>>
      %dma_start3A_209 = arith.constant 0 : i32
      %dma_start3A_210 = tpu.memref_slice %arg6[%mul3A_206, %dma_start3A_209] : memref<524288x128xf32, #tpu.memory_space<hbm>> -> memref<128x128xf32, #tpu.memory_space<hbm>>
      tpu.enqueue_dma source(%arg13 : memref<128x128xf32, #tpu.memory_space<vmem>>) target(%dma_start3A_210 : memref<128x128xf32, #tpu.memory_space<hbm>>) target_semaphore(%arg21 : memref<!tpu.dma_semaphore, #tpu.memory_space<semaphore_mem>>)
      %mul3A_211 = arith.constant 4 : i32
      %mul3A_212 = arith.muli %mul3A_211, %add3A_158 : i32
      %add3A_213 = arith.constant 2 : i32
      %add3A_214 = arith.addi %mul3A_212, %add3A_213 : i32
      %dma_wait3A_215 = arith.constant 0 : i32
      %dma_wait3A_216 = arith.constant 0 : i32
      %dma_wait3A_217 = tpu.memref_slice %arg8[%add3A_214, %dma_wait3A_215, %dma_wait3A_216] : memref<128x1x128xi32, #tpu.memory_space<vmem>> -> memref<1x1x128xi32, #tpu.memory_space<vmem>>
      %dma_wait3A_218 = tpu.memref_squeeze %dma_wait3A_217 : memref<1x1x128xi32, #tpu.memory_space<vmem>> -> memref<128xi32, #tpu.memory_space<vmem>>
      %dma_wait3A_219 = arith.constant 0 : i32
      %dma_wait3A_220 = arith.constant 0 : i32
      %dma_wait3A_221 = tpu.memref_slice %arg7[%dma_wait3A_219, %dma_wait3A_220] : memref<48x128xf32, #tpu.memory_space<vmem_shared>> -> memref<48x128xf32, #tpu.memory_space<vmem_shared>>
      tpu.wait_indirect_dma semaphore(%arg18 : memref<!tpu.dma_semaphore, #tpu.memory_space<semaphore_mem>>) src(%dma_wait3A_221 : memref<48x128xf32, #tpu.memory_space<vmem_shared>>) dst(%arg14 : memref<128x128xf32, #tpu.memory_space<vmem>>)
      %add3A_222 = arith.addi %mul3A_2, %add3A_214 : i32
      %mul3A_223 = arith.constant 128 : i32
      %mul3A_224 = arith.muli %add3A_222, %mul3A_223 : i32
      %dma_start3A_225 = arith.constant 0 : i32
      %dma_start3A_226 = tpu.memref_slice %arg6[%mul3A_224, %dma_start3A_225] : memref<524288x128xf32, #tpu.memory_space<hbm>> -> memref<128x128xf32, #tpu.memory_space<hbm>>
      %dma_start3A_227 = arith.constant 0 : i32
      %dma_start3A_228 = tpu.memref_slice %arg6[%mul3A_224, %dma_start3A_227] : memref<524288x128xf32, #tpu.memory_space<hbm>> -> memref<128x128xf32, #tpu.memory_space<hbm>>
      tpu.enqueue_dma source(%arg14 : memref<128x128xf32, #tpu.memory_space<vmem>>) target(%dma_start3A_228 : memref<128x128xf32, #tpu.memory_space<hbm>>) target_semaphore(%arg22 : memref<!tpu.dma_semaphore, #tpu.memory_space<semaphore_mem>>)
      %mul3A_229 = arith.constant 4 : i32
      %mul3A_230 = arith.muli %mul3A_229, %add3A_158 : i32
      %add3A_231 = arith.constant 3 : i32
      %add3A_232 = arith.addi %mul3A_230, %add3A_231 : i32
      %dma_wait3A_233 = arith.constant 0 : i32
      %dma_wait3A_234 = arith.constant 0 : i32
      %dma_wait3A_235 = tpu.memref_slice %arg8[%add3A_232, %dma_wait3A_233, %dma_wait3A_234] : memref<128x1x128xi32, #tpu.memory_space<vmem>> -> memref<1x1x128xi32, #tpu.memory_space<vmem>>
      %dma_wait3A_236 = tpu.memref_squeeze %dma_wait3A_235 : memref<1x1x128xi32, #tpu.memory_space<vmem>> -> memref<128xi32, #tpu.memory_space<vmem>>
      %dma_wait3A_237 = arith.constant 0 : i32
      %dma_wait3A_238 = arith.constant 0 : i32
      %dma_wait3A_239 = tpu.memref_slice %arg7[%dma_wait3A_237, %dma_wait3A_238] : memref<48x128xf32, #tpu.memory_space<vmem_shared>> -> memref<48x128xf32, #tpu.memory_space<vmem_shared>>
      tpu.wait_indirect_dma semaphore(%arg19 : memref<!tpu.dma_semaphore, #tpu.memory_space<semaphore_mem>>) src(%dma_wait3A_239 : memref<48x128xf32, #tpu.memory_space<vmem_shared>>) dst(%arg15 : memref<128x128xf32, #tpu.memory_space<vmem>>)
      %add3A_240 = arith.addi %mul3A_2, %add3A_232 : i32
      %mul3A_241 = arith.constant 128 : i32
      %mul3A_242 = arith.muli %add3A_240, %mul3A_241 : i32
      %dma_start3A_243 = arith.constant 0 : i32
      %dma_start3A_244 = tpu.memref_slice %arg6[%mul3A_242, %dma_start3A_243] : memref<524288x128xf32, #tpu.memory_space<hbm>> -> memref<128x128xf32, #tpu.memory_space<hbm>>
      %dma_start3A_245 = arith.constant 0 : i32
      %dma_start3A_246 = tpu.memref_slice %arg6[%mul3A_242, %dma_start3A_245] : memref<524288x128xf32, #tpu.memory_space<hbm>> -> memref<128x128xf32, #tpu.memory_space<hbm>>
      tpu.enqueue_dma source(%arg15 : memref<128x128xf32, #tpu.memory_space<vmem>>) target(%dma_start3A_246 : memref<128x128xf32, #tpu.memory_space<hbm>>) target_semaphore(%arg23 : memref<!tpu.dma_semaphore, #tpu.memory_space<semaphore_mem>>)
      %mul3A_247 = arith.constant 4 : i32
      %mul3A_248 = arith.muli %mul3A_247, %add3A_158 : i32
      %add3A_249 = arith.constant 0 : i32
      %add3A_250 = arith.addi %mul3A_248, %add3A_249 : i32
      %add3A_251 = arith.addi %mul3A_2, %add3A_250 : i32
      %mul3A_252 = arith.constant 128 : i32
      %mul3A_253 = arith.muli %add3A_251, %mul3A_252 : i32
      %dma_wait3A_254 = arith.constant 0 : i32
      %dma_wait3A_255 = tpu.memref_slice %arg6[%mul3A_253, %dma_wait3A_254] : memref<524288x128xf32, #tpu.memory_space<hbm>> -> memref<128x128xf32, #tpu.memory_space<hbm>>
      %dma_wait3A_256 = arith.constant 0 : i32
      %dma_wait3A_257 = tpu.memref_slice %arg6[%mul3A_253, %dma_wait3A_256] : memref<524288x128xf32, #tpu.memory_space<hbm>> -> memref<128x128xf32, #tpu.memory_space<hbm>>
      tpu.wait_dma2 semaphore(%arg20 : memref<!tpu.dma_semaphore, #tpu.memory_space<semaphore_mem>>) src(%arg12 : memref<128x128xf32, #tpu.memory_space<vmem>>) dst(%dma_wait3A_257 : memref<128x128xf32, #tpu.memory_space<hbm>>)
      %add3A_258 = arith.constant 4 : i32
      %add3A_259 = arith.addi %add3A_250, %add3A_258 : i32
      %dma_start3A_260 = arith.constant 0 : i32
      %dma_start3A_261 = arith.constant 0 : i32
      %dma_start3A_262 = tpu.memref_slice %arg8[%add3A_259, %dma_start3A_260, %dma_start3A_261] : memref<128x1x128xi32, #tpu.memory_space<vmem>> -> memref<1x1x128xi32, #tpu.memory_space<vmem>>
      %dma_start3A_263 = tpu.memref_squeeze %dma_start3A_262 : memref<1x1x128xi32, #tpu.memory_space<vmem>> -> memref<128xi32, #tpu.memory_space<vmem>>
      %dma_start3A_264 = arith.constant 0 : i32
      %dma_start3A_265 = arith.constant 0 : i32
      %dma_start3A_266 = tpu.memref_slice %arg7[%dma_start3A_264, %dma_start3A_265] : memref<48x128xf32, #tpu.memory_space<vmem_shared>> -> memref<48x128xf32, #tpu.memory_space<vmem_shared>>
      tpu.enqueue_indirect_dma source(%dma_start3A_266 : memref<48x128xf32, #tpu.memory_space<vmem_shared>>) target(%arg12 : memref<128x128xf32, #tpu.memory_space<vmem>>) offsets(%dma_start3A_263 : memref<128xi32, #tpu.memory_space<vmem>>) semaphore(%arg16 : memref<!tpu.dma_semaphore, #tpu.memory_space<semaphore_mem>>)
      %mul3A_267 = arith.constant 4 : i32
      %mul3A_268 = arith.muli %mul3A_267, %add3A_158 : i32
      %add3A_269 = arith.constant 1 : i32
      %add3A_270 = arith.addi %mul3A_268, %add3A_269 : i32
      %add3A_271 = arith.addi %mul3A_2, %add3A_270 : i32
      %mul3A_272 = arith.constant 128 : i32
      %mul3A_273 = arith.muli %add3A_271, %mul3A_272 : i32
      %dma_wait3A_274 = arith.constant 0 : i32
      %dma_wait3A_275 = tpu.memref_slice %arg6[%mul3A_273, %dma_wait3A_274] : memref<524288x128xf32, #tpu.memory_space<hbm>> -> memref<128x128xf32, #tpu.memory_space<hbm>>
      %dma_wait3A_276 = arith.constant 0 : i32
      %dma_wait3A_277 = tpu.memref_slice %arg6[%mul3A_273, %dma_wait3A_276] : memref<524288x128xf32, #tpu.memory_space<hbm>> -> memref<128x128xf32, #tpu.memory_space<hbm>>
      tpu.wait_dma2 semaphore(%arg21 : memref<!tpu.dma_semaphore, #tpu.memory_space<semaphore_mem>>) src(%arg13 : memref<128x128xf32, #tpu.memory_space<vmem>>) dst(%dma_wait3A_277 : memref<128x128xf32, #tpu.memory_space<hbm>>)
      %add3A_278 = arith.constant 4 : i32
      %add3A_279 = arith.addi %add3A_270, %add3A_278 : i32
      %dma_start3A_280 = arith.constant 0 : i32
      %dma_start3A_281 = arith.constant 0 : i32
      %dma_start3A_282 = tpu.memref_slice %arg8[%add3A_279, %dma_start3A_280, %dma_start3A_281] : memref<128x1x128xi32, #tpu.memory_space<vmem>> -> memref<1x1x128xi32, #tpu.memory_space<vmem>>
      %dma_start3A_283 = tpu.memref_squeeze %dma_start3A_282 : memref<1x1x128xi32, #tpu.memory_space<vmem>> -> memref<128xi32, #tpu.memory_space<vmem>>
      %dma_start3A_284 = arith.constant 0 : i32
      %dma_start3A_285 = arith.constant 0 : i32
      %dma_start3A_286 = tpu.memref_slice %arg7[%dma_start3A_284, %dma_start3A_285] : memref<48x128xf32, #tpu.memory_space<vmem_shared>> -> memref<48x128xf32, #tpu.memory_space<vmem_shared>>
      tpu.enqueue_indirect_dma source(%dma_start3A_286 : memref<48x128xf32, #tpu.memory_space<vmem_shared>>) target(%arg13 : memref<128x128xf32, #tpu.memory_space<vmem>>) offsets(%dma_start3A_283 : memref<128xi32, #tpu.memory_space<vmem>>) semaphore(%arg17 : memref<!tpu.dma_semaphore, #tpu.memory_space<semaphore_mem>>)
      %mul3A_287 = arith.constant 4 : i32
      %mul3A_288 = arith.muli %mul3A_287, %add3A_158 : i32
      %add3A_289 = arith.constant 2 : i32
      %add3A_290 = arith.addi %mul3A_288, %add3A_289 : i32
      %add3A_291 = arith.addi %mul3A_2, %add3A_290 : i32
      %mul3A_292 = arith.constant 128 : i32
      %mul3A_293 = arith.muli %add3A_291, %mul3A_292 : i32
      %dma_wait3A_294 = arith.constant 0 : i32
      %dma_wait3A_295 = tpu.memref_slice %arg6[%mul3A_293, %dma_wait3A_294] : memref<524288x128xf32, #tpu.memory_space<hbm>> -> memref<128x128xf32, #tpu.memory_space<hbm>>
      %dma_wait3A_296 = arith.constant 0 : i32
      %dma_wait3A_297 = tpu.memref_slice %arg6[%mul3A_293, %dma_wait3A_296] : memref<524288x128xf32, #tpu.memory_space<hbm>> -> memref<128x128xf32, #tpu.memory_space<hbm>>
      tpu.wait_dma2 semaphore(%arg22 : memref<!tpu.dma_semaphore, #tpu.memory_space<semaphore_mem>>) src(%arg14 : memref<128x128xf32, #tpu.memory_space<vmem>>) dst(%dma_wait3A_297 : memref<128x128xf32, #tpu.memory_space<hbm>>)
      %add3A_298 = arith.constant 4 : i32
      %add3A_299 = arith.addi %add3A_290, %add3A_298 : i32
      %dma_start3A_300 = arith.constant 0 : i32
      %dma_start3A_301 = arith.constant 0 : i32
      %dma_start3A_302 = tpu.memref_slice %arg8[%add3A_299, %dma_start3A_300, %dma_start3A_301] : memref<128x1x128xi32, #tpu.memory_space<vmem>> -> memref<1x1x128xi32, #tpu.memory_space<vmem>>
      %dma_start3A_303 = tpu.memref_squeeze %dma_start3A_302 : memref<1x1x128xi32, #tpu.memory_space<vmem>> -> memref<128xi32, #tpu.memory_space<vmem>>
      %dma_start3A_304 = arith.constant 0 : i32
      %dma_start3A_305 = arith.constant 0 : i32
      %dma_start3A_306 = tpu.memref_slice %arg7[%dma_start3A_304, %dma_start3A_305] : memref<48x128xf32, #tpu.memory_space<vmem_shared>> -> memref<48x128xf32, #tpu.memory_space<vmem_shared>>
      tpu.enqueue_indirect_dma source(%dma_start3A_306 : memref<48x128xf32, #tpu.memory_space<vmem_shared>>) target(%arg14 : memref<128x128xf32, #tpu.memory_space<vmem>>) offsets(%dma_start3A_303 : memref<128xi32, #tpu.memory_space<vmem>>) semaphore(%arg18 : memref<!tpu.dma_semaphore, #tpu.memory_space<semaphore_mem>>)
      %mul3A_307 = arith.constant 4 : i32
      %mul3A_308 = arith.muli %mul3A_307, %add3A_158 : i32
      %add3A_309 = arith.constant 3 : i32
      %add3A_310 = arith.addi %mul3A_308, %add3A_309 : i32
      %add3A_311 = arith.addi %mul3A_2, %add3A_310 : i32
      %mul3A_312 = arith.constant 128 : i32
      %mul3A_313 = arith.muli %add3A_311, %mul3A_312 : i32
      %dma_wait3A_314 = arith.constant 0 : i32
      %dma_wait3A_315 = tpu.memref_slice %arg6[%mul3A_313, %dma_wait3A_314] : memref<524288x128xf32, #tpu.memory_space<hbm>> -> memref<128x128xf32, #tpu.memory_space<hbm>>
      %dma_wait3A_316 = arith.constant 0 : i32
      %dma_wait3A_317 = tpu.memref_slice %arg6[%mul3A_313, %dma_wait3A_316] : memref<524288x128xf32, #tpu.memory_space<hbm>> -> memref<128x128xf32, #tpu.memory_space<hbm>>
      tpu.wait_dma2 semaphore(%arg23 : memref<!tpu.dma_semaphore, #tpu.memory_space<semaphore_mem>>) src(%arg15 : memref<128x128xf32, #tpu.memory_space<vmem>>) dst(%dma_wait3A_317 : memref<128x128xf32, #tpu.memory_space<hbm>>)
      %add3A_318 = arith.constant 4 : i32
      %add3A_319 = arith.addi %add3A_310, %add3A_318 : i32
      %dma_start3A_320 = arith.constant 0 : i32
      %dma_start3A_321 = arith.constant 0 : i32
      %dma_start3A_322 = tpu.memref_slice %arg8[%add3A_319, %dma_start3A_320, %dma_start3A_321] : memref<128x1x128xi32, #tpu.memory_space<vmem>> -> memref<1x1x128xi32, #tpu.memory_space<vmem>>
      %dma_start3A_323 = tpu.memref_squeeze %dma_start3A_322 : memref<1x1x128xi32, #tpu.memory_space<vmem>> -> memref<128xi32, #tpu.memory_space<vmem>>
      %dma_start3A_324 = arith.constant 0 : i32
      %dma_start3A_325 = arith.constant 0 : i32
      %dma_start3A_326 = tpu.memref_slice %arg7[%dma_start3A_324, %dma_start3A_325] : memref<48x128xf32, #tpu.memory_space<vmem_shared>> -> memref<48x128xf32, #tpu.memory_space<vmem_shared>>
      tpu.enqueue_indirect_dma source(%dma_start3A_326 : memref<48x128xf32, #tpu.memory_space<vmem_shared>>) target(%arg15 : memref<128x128xf32, #tpu.memory_space<vmem>>) offsets(%dma_start3A_323 : memref<128xi32, #tpu.memory_space<vmem>>) semaphore(%arg19 : memref<!tpu.dma_semaphore, #tpu.memory_space<semaphore_mem>>)
    }
    %scan3A_111 = arith.constant 8 : i32
    %scan3A_112 = arith.constant 0 : i32
    %scan3A_113 = arith.constant 0 : i32
    %scan3A_114 = arith.constant 8 : i32
    %scan3A_115 = arith.addi %scan3A_113, %scan3A_114 : i32
    %scan3A_116 = arith.constant 1 : i32
    scf.for %scan3A_156 = %scan3A_113 to %scan3A_115 step %scan3A_116  : i32 {
      %add3A_157 = arith.constant 16 : i32
      %add3A_158 = arith.addi %add3A_157, %scan3A_156 : i32
      %eq3A_159 = arith.constant 0 : i32
      %eq3A_160 = arith.cmpi eq, %scan3A_156, %eq3A_159 : i32
      %convert_element_type3A_161 = arith.extui %eq3A_160 : i1 to i32
      %cond3A_162 = arith.constant 0 : i32
      %cond3A_163 = arith.cmpi ne, %convert_element_type3A_161, %cond3A_162 : i32
      scf.if %cond3A_163 {
        %add3A_322 = arith.constant 96 : i32
        %add3A_323 = arith.addi %mul3A_2, %add3A_322 : i32
        %dma_wait3A_324 = arith.constant 0 : i32
        %dma_wait3A_325 = arith.constant 0 : i32
        %dma_wait3A_326 = tpu.memref_slice %arg3[%add3A_323, %dma_wait3A_324, %dma_wait3A_325] : memref<4096x1x128xi32, #tpu.memory_space<hbm>> -> memref<32x1x128xi32, #tpu.memory_space<hbm>>
        %dma_wait3A_327 = arith.constant 0 : i32
        %dma_wait3A_328 = arith.constant 0 : i32
        %dma_wait3A_329 = tpu.memref_slice %arg3[%add3A_323, %dma_wait3A_327, %dma_wait3A_328] : memref<4096x1x128xi32, #tpu.memory_space<hbm>> -> memref<32x1x128xi32, #tpu.memory_space<hbm>>
        tpu.wait_dma2 semaphore(%arg24 : memref<!tpu.dma_semaphore, #tpu.memory_space<semaphore_mem>>) src(%dma_wait3A_329 : memref<32x1x128xi32, #tpu.memory_space<hbm>>) dst(%arg9 : memref<32x1x128xi32, #tpu.memory_space<vmem>>)
        %dma_wait3A_330 = arith.constant 0 : i32
        %dma_wait3A_331 = arith.constant 0 : i32
        %dma_wait3A_332 = tpu.memref_slice %arg4[%add3A_323, %dma_wait3A_330, %dma_wait3A_331] : memref<4096x1x128xi32, #tpu.memory_space<hbm>> -> memref<32x1x128xi32, #tpu.memory_space<hbm>>
        %dma_wait3A_333 = arith.constant 0 : i32
        %dma_wait3A_334 = arith.constant 0 : i32
        %dma_wait3A_335 = tpu.memref_slice %arg4[%add3A_323, %dma_wait3A_333, %dma_wait3A_334] : memref<4096x1x128xi32, #tpu.memory_space<hbm>> -> memref<32x1x128xi32, #tpu.memory_space<hbm>>
        tpu.wait_dma2 semaphore(%arg24 : memref<!tpu.dma_semaphore, #tpu.memory_space<semaphore_mem>>) src(%dma_wait3A_335 : memref<32x1x128xi32, #tpu.memory_space<hbm>>) dst(%arg10 : memref<32x1x128xi32, #tpu.memory_space<vmem>>)
        %dma_wait3A_336 = arith.constant 0 : i32
        %dma_wait3A_337 = arith.constant 0 : i32
        %dma_wait3A_338 = tpu.memref_slice %arg5[%add3A_323, %dma_wait3A_336, %dma_wait3A_337] : memref<4096x1x128xi32, #tpu.memory_space<hbm>> -> memref<32x1x128xi32, #tpu.memory_space<hbm>>
        %dma_wait3A_339 = arith.constant 0 : i32
        %dma_wait3A_340 = arith.constant 0 : i32
        %dma_wait3A_341 = tpu.memref_slice %arg5[%add3A_323, %dma_wait3A_339, %dma_wait3A_340] : memref<4096x1x128xi32, #tpu.memory_space<hbm>> -> memref<32x1x128xi32, #tpu.memory_space<hbm>>
        tpu.wait_dma2 semaphore(%arg24 : memref<!tpu.dma_semaphore, #tpu.memory_space<semaphore_mem>>) src(%dma_wait3A_341 : memref<32x1x128xi32, #tpu.memory_space<hbm>>) dst(%arg11 : memref<32x1x128xi32, #tpu.memory_space<vmem>>)
      } else {
      }
      %scan3A_164 = arith.constant 0 : i32
      %scan3A_165 = arith.constant 0 : i32
      %scan3A_166 = arith.constant 4 : i32
      %scan3A_167 = arith.addi %scan3A_165, %scan3A_166 : i32
      %scan3A_168 = arith.constant 1 : i32
      scf.for %scan3A_322 = %scan3A_165 to %scan3A_167 step %scan3A_168  : i32 {
        %mul3A_323 = arith.constant 4 : i32
        %mul3A_324 = arith.muli %mul3A_323, %scan3A_156 : i32
        %add3A_325 = arith.addi %mul3A_324, %scan3A_322 : i32
        %mul3A_326 = arith.constant 4 : i32
        %mul3A_327 = arith.muli %mul3A_326, %add3A_158 : i32
        %add3A_328 = arith.constant 32 : i32
        %add3A_329 = arith.addi %mul3A_327, %add3A_328 : i32
        %add3A_330 = arith.addi %add3A_329, %scan3A_322 : i32
        %get3A = arith.constant 0 : i32
        %get3A_331 = arith.index_cast %add3A_325 : i32 to index
        %get3A_332 = arith.index_cast %get3A : i32 to index
        %get3A_333 = arith.constant 0 : index
        %get3A_334 = tpu.vector_load %arg9[%get3A_331, %get3A_332, %get3A_333] {strides = array<i32>} : memref<32x1x128xi32, #tpu.memory_space<vmem>>, vector<1x1x16xi32>,
        %get3A_335 = vector.shape_cast %get3A_334 : vector<1x1x16xi32> to vector<16xi32>
        %get3A_336 = arith.constant 0 : i32
        %get3A_337 = arith.index_cast %add3A_325 : i32 to index
        %get3A_338 = arith.index_cast %get3A_336 : i32 to index
        %get3A_339 = arith.constant 0 : index
        %get3A_340 = tpu.vector_load %arg10[%get3A_337, %get3A_338, %get3A_339] {strides = array<i32>} : memref<32x1x128xi32, #tpu.memory_space<vmem>>, vector<1x1x16xi32>,
        %get3A_341 = vector.shape_cast %get3A_340 : vector<1x1x16xi32> to vector<16xi32>
        %mul3A_342 = arith.constant 5 : i32
        %mul3A_343 = vector.broadcast %mul3A_342 : i32 to vector<16xi32>
        %mul3A_344 = arith.muli %get3A_341, %mul3A_343 : vector<16xi32>
        %add3A_345 = arith.addi %get3A_335, %mul3A_344 : vector<16xi32>
        %get3A_346 = arith.constant 0 : i32
        %get3A_347 = arith.index_cast %add3A_325 : i32 to index
        %get3A_348 = arith.index_cast %get3A_346 : i32 to index
        %get3A_349 = arith.constant 0 : index
        %get3A_350 = tpu.vector_load %arg11[%get3A_347, %get3A_348, %get3A_349] {strides = array<i32>} : memref<32x1x128xi32, #tpu.memory_space<vmem>>, vector<1x1x16xi32>,
        %get3A_351 = vector.shape_cast %get3A_350 : vector<1x1x16xi32> to vector<16xi32>
        %mul3A_352 = arith.constant 15 : i32
        %mul3A_353 = vector.broadcast %mul3A_352 : i32 to vector<16xi32>
        %mul3A_354 = arith.muli %get3A_351, %mul3A_353 : vector<16xi32>
        %add3A_355 = arith.addi %add3A_345, %mul3A_354 : vector<16xi32>
        %swap3A = arith.constant 0 : i32
        %swap3A_356 = arith.index_cast %add3A_330 : i32 to index
        %swap3A_357 = arith.index_cast %swap3A : i32 to index
        %swap3A_358 = arith.constant 0 : index
        %swap3A_359 = tpu.vector_load %arg8[%swap3A_356, %swap3A_357, %swap3A_358] {strides = array<i32>} : memref<128x1x128xi32, #tpu.memory_space<vmem>>, vector<1x1x16xi32>,
        %swap3A_360 = vector.shape_cast %swap3A_359 : vector<1x1x16xi32> to vector<16xi32>
        %swap3A_361 = vector.shape_cast %add3A_355 : vector<16xi32> to vector<1x1x16xi32>
        tpu.vector_store %arg8[%swap3A_356, %swap3A_357, %swap3A_358], %swap3A_361 {strides = array<i32>} : memref<128x1x128xi32, #tpu.memory_space<vmem>>, vector<1x1x16xi32>,
        %get3A_362 = arith.constant 0 : i32
        %get3A_363 = arith.index_cast %add3A_325 : i32 to index
        %get3A_364 = arith.index_cast %get3A_362 : i32 to index
        %get3A_365 = arith.constant 16 : index
        %get3A_366 = tpu.vector_load %arg9[%get3A_363, %get3A_364, %get3A_365] {strides = array<i32>} : memref<32x1x128xi32, #tpu.memory_space<vmem>>, vector<1x1x16xi32>,
        %get3A_367 = vector.shape_cast %get3A_366 : vector<1x1x16xi32> to vector<16xi32>
        %get3A_368 = arith.constant 0 : i32
        %get3A_369 = arith.index_cast %add3A_325 : i32 to index
        %get3A_370 = arith.index_cast %get3A_368 : i32 to index
        %get3A_371 = arith.constant 16 : index
        %get3A_372 = tpu.vector_load %arg10[%get3A_369, %get3A_370, %get3A_371] {strides = array<i32>} : memref<32x1x128xi32, #tpu.memory_space<vmem>>, vector<1x1x16xi32>,
        %get3A_373 = vector.shape_cast %get3A_372 : vector<1x1x16xi32> to vector<16xi32>
        %mul3A_374 = arith.constant 5 : i32
        %mul3A_375 = vector.broadcast %mul3A_374 : i32 to vector<16xi32>
        %mul3A_376 = arith.muli %get3A_373, %mul3A_375 : vector<16xi32>
        %add3A_377 = arith.addi %get3A_367, %mul3A_376 : vector<16xi32>
        %get3A_378 = arith.constant 0 : i32
        %get3A_379 = arith.index_cast %add3A_325 : i32 to index
        %get3A_380 = arith.index_cast %get3A_378 : i32 to index
        %get3A_381 = arith.constant 16 : index
        %get3A_382 = tpu.vector_load %arg11[%get3A_379, %get3A_380, %get3A_381] {strides = array<i32>} : memref<32x1x128xi32, #tpu.memory_space<vmem>>, vector<1x1x16xi32>,
        %get3A_383 = vector.shape_cast %get3A_382 : vector<1x1x16xi32> to vector<16xi32>
        %mul3A_384 = arith.constant 15 : i32
        %mul3A_385 = vector.broadcast %mul3A_384 : i32 to vector<16xi32>
        %mul3A_386 = arith.muli %get3A_383, %mul3A_385 : vector<16xi32>
        %add3A_387 = arith.addi %add3A_377, %mul3A_386 : vector<16xi32>
        %swap3A_388 = arith.constant 0 : i32
        %swap3A_389 = arith.index_cast %add3A_330 : i32 to index
        %swap3A_390 = arith.index_cast %swap3A_388 : i32 to index
        %swap3A_391 = arith.constant 16 : index
        %swap3A_392 = tpu.vector_load %arg8[%swap3A_389, %swap3A_390, %swap3A_391] {strides = array<i32>} : memref<128x1x128xi32, #tpu.memory_space<vmem>>, vector<1x1x16xi32>,
        %swap3A_393 = vector.shape_cast %swap3A_392 : vector<1x1x16xi32> to vector<16xi32>
        %swap3A_394 = vector.shape_cast %add3A_387 : vector<16xi32> to vector<1x1x16xi32>
        tpu.vector_store %arg8[%swap3A_389, %swap3A_390, %swap3A_391], %swap3A_394 {strides = array<i32>} : memref<128x1x128xi32, #tpu.memory_space<vmem>>, vector<1x1x16xi32>,
        %get3A_395 = arith.constant 0 : i32
        %get3A_396 = arith.index_cast %add3A_325 : i32 to index
        %get3A_397 = arith.index_cast %get3A_395 : i32 to index
        %get3A_398 = arith.constant 32 : index
        %get3A_399 = tpu.vector_load %arg9[%get3A_396, %get3A_397, %get3A_398] {strides = array<i32>} : memref<32x1x128xi32, #tpu.memory_space<vmem>>, vector<1x1x16xi32>,
        %get3A_400 = vector.shape_cast %get3A_399 : vector<1x1x16xi32> to vector<16xi32>
        %get3A_401 = arith.constant 0 : i32
        %get3A_402 = arith.index_cast %add3A_325 : i32 to index
        %get3A_403 = arith.index_cast %get3A_401 : i32 to index
        %get3A_404 = arith.constant 32 : index
        %get3A_405 = tpu.vector_load %arg10[%get3A_402, %get3A_403, %get3A_404] {strides = array<i32>} : memref<32x1x128xi32, #tpu.memory_space<vmem>>, vector<1x1x16xi32>,
        %get3A_406 = vector.shape_cast %get3A_405 : vector<1x1x16xi32> to vector<16xi32>
        %mul3A_407 = arith.constant 5 : i32
        %mul3A_408 = vector.broadcast %mul3A_407 : i32 to vector<16xi32>
        %mul3A_409 = arith.muli %get3A_406, %mul3A_408 : vector<16xi32>
        %add3A_410 = arith.addi %get3A_400, %mul3A_409 : vector<16xi32>
        %get3A_411 = arith.constant 0 : i32
        %get3A_412 = arith.index_cast %add3A_325 : i32 to index
        %get3A_413 = arith.index_cast %get3A_411 : i32 to index
        %get3A_414 = arith.constant 32 : index
        %get3A_415 = tpu.vector_load %arg11[%get3A_412, %get3A_413, %get3A_414] {strides = array<i32>} : memref<32x1x128xi32, #tpu.memory_space<vmem>>, vector<1x1x16xi32>,
        %get3A_416 = vector.shape_cast %get3A_415 : vector<1x1x16xi32> to vector<16xi32>
        %mul3A_417 = arith.constant 15 : i32
        %mul3A_418 = vector.broadcast %mul3A_417 : i32 to vector<16xi32>
        %mul3A_419 = arith.muli %get3A_416, %mul3A_418 : vector<16xi32>
        %add3A_420 = arith.addi %add3A_410, %mul3A_419 : vector<16xi32>
        %swap3A_421 = arith.constant 0 : i32
        %swap3A_422 = arith.index_cast %add3A_330 : i32 to index
        %swap3A_423 = arith.index_cast %swap3A_421 : i32 to index
        %swap3A_424 = arith.constant 32 : index
        %swap3A_425 = tpu.vector_load %arg8[%swap3A_422, %swap3A_423, %swap3A_424] {strides = array<i32>} : memref<128x1x128xi32, #tpu.memory_space<vmem>>, vector<1x1x16xi32>,
        %swap3A_426 = vector.shape_cast %swap3A_425 : vector<1x1x16xi32> to vector<16xi32>
        %swap3A_427 = vector.shape_cast %add3A_420 : vector<16xi32> to vector<1x1x16xi32>
        tpu.vector_store %arg8[%swap3A_422, %swap3A_423, %swap3A_424], %swap3A_427 {strides = array<i32>} : memref<128x1x128xi32, #tpu.memory_space<vmem>>, vector<1x1x16xi32>,
        %get3A_428 = arith.constant 0 : i32
        %get3A_429 = arith.index_cast %add3A_325 : i32 to index
        %get3A_430 = arith.index_cast %get3A_428 : i32 to index
        %get3A_431 = arith.constant 48 : index
        %get3A_432 = tpu.vector_load %arg9[%get3A_429, %get3A_430, %get3A_431] {strides = array<i32>} : memref<32x1x128xi32, #tpu.memory_space<vmem>>, vector<1x1x16xi32>,
        %get3A_433 = vector.shape_cast %get3A_432 : vector<1x1x16xi32> to vector<16xi32>
        %get3A_434 = arith.constant 0 : i32
        %get3A_435 = arith.index_cast %add3A_325 : i32 to index
        %get3A_436 = arith.index_cast %get3A_434 : i32 to index
        %get3A_437 = arith.constant 48 : index
        %get3A_438 = tpu.vector_load %arg10[%get3A_435, %get3A_436, %get3A_437] {strides = array<i32>} : memref<32x1x128xi32, #tpu.memory_space<vmem>>, vector<1x1x16xi32>,
        %get3A_439 = vector.shape_cast %get3A_438 : vector<1x1x16xi32> to vector<16xi32>
        %mul3A_440 = arith.constant 5 : i32
        %mul3A_441 = vector.broadcast %mul3A_440 : i32 to vector<16xi32>
        %mul3A_442 = arith.muli %get3A_439, %mul3A_441 : vector<16xi32>
        %add3A_443 = arith.addi %get3A_433, %mul3A_442 : vector<16xi32>
        %get3A_444 = arith.constant 0 : i32
        %get3A_445 = arith.index_cast %add3A_325 : i32 to index
        %get3A_446 = arith.index_cast %get3A_444 : i32 to index
        %get3A_447 = arith.constant 48 : index
        %get3A_448 = tpu.vector_load %arg11[%get3A_445, %get3A_446, %get3A_447] {strides = array<i32>} : memref<32x1x128xi32, #tpu.memory_space<vmem>>, vector<1x1x16xi32>,
        %get3A_449 = vector.shape_cast %get3A_448 : vector<1x1x16xi32> to vector<16xi32>
        %mul3A_450 = arith.constant 15 : i32
        %mul3A_451 = vector.broadcast %mul3A_450 : i32 to vector<16xi32>
        %mul3A_452 = arith.muli %get3A_449, %mul3A_451 : vector<16xi32>
        %add3A_453 = arith.addi %add3A_443, %mul3A_452 : vector<16xi32>
        %swap3A_454 = arith.constant 0 : i32
        %swap3A_455 = arith.index_cast %add3A_330 : i32 to index
        %swap3A_456 = arith.index_cast %swap3A_454 : i32 to index
        %swap3A_457 = arith.constant 48 : index
        %swap3A_458 = tpu.vector_load %arg8[%swap3A_455, %swap3A_456, %swap3A_457] {strides = array<i32>} : memref<128x1x128xi32, #tpu.memory_space<vmem>>, vector<1x1x16xi32>,
        %swap3A_459 = vector.shape_cast %swap3A_458 : vector<1x1x16xi32> to vector<16xi32>
        %swap3A_460 = vector.shape_cast %add3A_453 : vector<16xi32> to vector<1x1x16xi32>
        tpu.vector_store %arg8[%swap3A_455, %swap3A_456, %swap3A_457], %swap3A_460 {strides = array<i32>} : memref<128x1x128xi32, #tpu.memory_space<vmem>>, vector<1x1x16xi32>,
        %get3A_461 = arith.constant 0 : i32
        %get3A_462 = arith.index_cast %add3A_325 : i32 to index
        %get3A_463 = arith.index_cast %get3A_461 : i32 to index
        %get3A_464 = arith.constant 64 : index
        %get3A_465 = tpu.vector_load %arg9[%get3A_462, %get3A_463, %get3A_464] {strides = array<i32>} : memref<32x1x128xi32, #tpu.memory_space<vmem>>, vector<1x1x16xi32>,
        %get3A_466 = vector.shape_cast %get3A_465 : vector<1x1x16xi32> to vector<16xi32>
        %get3A_467 = arith.constant 0 : i32
        %get3A_468 = arith.index_cast %add3A_325 : i32 to index
        %get3A_469 = arith.index_cast %get3A_467 : i32 to index
        %get3A_470 = arith.constant 64 : index
        %get3A_471 = tpu.vector_load %arg10[%get3A_468, %get3A_469, %get3A_470] {strides = array<i32>} : memref<32x1x128xi32, #tpu.memory_space<vmem>>, vector<1x1x16xi32>,
        %get3A_472 = vector.shape_cast %get3A_471 : vector<1x1x16xi32> to vector<16xi32>
        %mul3A_473 = arith.constant 5 : i32
        %mul3A_474 = vector.broadcast %mul3A_473 : i32 to vector<16xi32>
        %mul3A_475 = arith.muli %get3A_472, %mul3A_474 : vector<16xi32>
        %add3A_476 = arith.addi %get3A_466, %mul3A_475 : vector<16xi32>
        %get3A_477 = arith.constant 0 : i32
        %get3A_478 = arith.index_cast %add3A_325 : i32 to index
        %get3A_479 = arith.index_cast %get3A_477 : i32 to index
        %get3A_480 = arith.constant 64 : index
        %get3A_481 = tpu.vector_load %arg11[%get3A_478, %get3A_479, %get3A_480] {strides = array<i32>} : memref<32x1x128xi32, #tpu.memory_space<vmem>>, vector<1x1x16xi32>,
        %get3A_482 = vector.shape_cast %get3A_481 : vector<1x1x16xi32> to vector<16xi32>
        %mul3A_483 = arith.constant 15 : i32
        %mul3A_484 = vector.broadcast %mul3A_483 : i32 to vector<16xi32>
        %mul3A_485 = arith.muli %get3A_482, %mul3A_484 : vector<16xi32>
        %add3A_486 = arith.addi %add3A_476, %mul3A_485 : vector<16xi32>
        %swap3A_487 = arith.constant 0 : i32
        %swap3A_488 = arith.index_cast %add3A_330 : i32 to index
        %swap3A_489 = arith.index_cast %swap3A_487 : i32 to index
        %swap3A_490 = arith.constant 64 : index
        %swap3A_491 = tpu.vector_load %arg8[%swap3A_488, %swap3A_489, %swap3A_490] {strides = array<i32>} : memref<128x1x128xi32, #tpu.memory_space<vmem>>, vector<1x1x16xi32>,
        %swap3A_492 = vector.shape_cast %swap3A_491 : vector<1x1x16xi32> to vector<16xi32>
        %swap3A_493 = vector.shape_cast %add3A_486 : vector<16xi32> to vector<1x1x16xi32>
        tpu.vector_store %arg8[%swap3A_488, %swap3A_489, %swap3A_490], %swap3A_493 {strides = array<i32>} : memref<128x1x128xi32, #tpu.memory_space<vmem>>, vector<1x1x16xi32>,
        %get3A_494 = arith.constant 0 : i32
        %get3A_495 = arith.index_cast %add3A_325 : i32 to index
        %get3A_496 = arith.index_cast %get3A_494 : i32 to index
        %get3A_497 = arith.constant 80 : index
        %get3A_498 = tpu.vector_load %arg9[%get3A_495, %get3A_496, %get3A_497] {strides = array<i32>} : memref<32x1x128xi32, #tpu.memory_space<vmem>>, vector<1x1x16xi32>,
        %get3A_499 = vector.shape_cast %get3A_498 : vector<1x1x16xi32> to vector<16xi32>
        %get3A_500 = arith.constant 0 : i32
        %get3A_501 = arith.index_cast %add3A_325 : i32 to index
        %get3A_502 = arith.index_cast %get3A_500 : i32 to index
        %get3A_503 = arith.constant 80 : index
        %get3A_504 = tpu.vector_load %arg10[%get3A_501, %get3A_502, %get3A_503] {strides = array<i32>} : memref<32x1x128xi32, #tpu.memory_space<vmem>>, vector<1x1x16xi32>,
        %get3A_505 = vector.shape_cast %get3A_504 : vector<1x1x16xi32> to vector<16xi32>
        %mul3A_506 = arith.constant 5 : i32
        %mul3A_507 = vector.broadcast %mul3A_506 : i32 to vector<16xi32>
        %mul3A_508 = arith.muli %get3A_505, %mul3A_507 : vector<16xi32>
        %add3A_509 = arith.addi %get3A_499, %mul3A_508 : vector<16xi32>
        %get3A_510 = arith.constant 0 : i32
        %get3A_511 = arith.index_cast %add3A_325 : i32 to index
        %get3A_512 = arith.index_cast %get3A_510 : i32 to index
        %get3A_513 = arith.constant 80 : index
        %get3A_514 = tpu.vector_load %arg11[%get3A_511, %get3A_512, %get3A_513] {strides = array<i32>} : memref<32x1x128xi32, #tpu.memory_space<vmem>>, vector<1x1x16xi32>,
        %get3A_515 = vector.shape_cast %get3A_514 : vector<1x1x16xi32> to vector<16xi32>
        %mul3A_516 = arith.constant 15 : i32
        %mul3A_517 = vector.broadcast %mul3A_516 : i32 to vector<16xi32>
        %mul3A_518 = arith.muli %get3A_515, %mul3A_517 : vector<16xi32>
        %add3A_519 = arith.addi %add3A_509, %mul3A_518 : vector<16xi32>
        %swap3A_520 = arith.constant 0 : i32
        %swap3A_521 = arith.index_cast %add3A_330 : i32 to index
        %swap3A_522 = arith.index_cast %swap3A_520 : i32 to index
        %swap3A_523 = arith.constant 80 : index
        %swap3A_524 = tpu.vector_load %arg8[%swap3A_521, %swap3A_522, %swap3A_523] {strides = array<i32>} : memref<128x1x128xi32, #tpu.memory_space<vmem>>, vector<1x1x16xi32>,
        %swap3A_525 = vector.shape_cast %swap3A_524 : vector<1x1x16xi32> to vector<16xi32>
        %swap3A_526 = vector.shape_cast %add3A_519 : vector<16xi32> to vector<1x1x16xi32>
        tpu.vector_store %arg8[%swap3A_521, %swap3A_522, %swap3A_523], %swap3A_526 {strides = array<i32>} : memref<128x1x128xi32, #tpu.memory_space<vmem>>, vector<1x1x16xi32>,
        %get3A_527 = arith.constant 0 : i32
        %get3A_528 = arith.index_cast %add3A_325 : i32 to index
        %get3A_529 = arith.index_cast %get3A_527 : i32 to index
        %get3A_530 = arith.constant 96 : index
        %get3A_531 = tpu.vector_load %arg9[%get3A_528, %get3A_529, %get3A_530] {strides = array<i32>} : memref<32x1x128xi32, #tpu.memory_space<vmem>>, vector<1x1x16xi32>,
        %get3A_532 = vector.shape_cast %get3A_531 : vector<1x1x16xi32> to vector<16xi32>
        %get3A_533 = arith.constant 0 : i32
        %get3A_534 = arith.index_cast %add3A_325 : i32 to index
        %get3A_535 = arith.index_cast %get3A_533 : i32 to index
        %get3A_536 = arith.constant 96 : index
        %get3A_537 = tpu.vector_load %arg10[%get3A_534, %get3A_535, %get3A_536] {strides = array<i32>} : memref<32x1x128xi32, #tpu.memory_space<vmem>>, vector<1x1x16xi32>,
        %get3A_538 = vector.shape_cast %get3A_537 : vector<1x1x16xi32> to vector<16xi32>
        %mul3A_539 = arith.constant 5 : i32
        %mul3A_540 = vector.broadcast %mul3A_539 : i32 to vector<16xi32>
        %mul3A_541 = arith.muli %get3A_538, %mul3A_540 : vector<16xi32>
        %add3A_542 = arith.addi %get3A_532, %mul3A_541 : vector<16xi32>
        %get3A_543 = arith.constant 0 : i32
        %get3A_544 = arith.index_cast %add3A_325 : i32 to index
        %get3A_545 = arith.index_cast %get3A_543 : i32 to index
        %get3A_546 = arith.constant 96 : index
        %get3A_547 = tpu.vector_load %arg11[%get3A_544, %get3A_545, %get3A_546] {strides = array<i32>} : memref<32x1x128xi32, #tpu.memory_space<vmem>>, vector<1x1x16xi32>,
        %get3A_548 = vector.shape_cast %get3A_547 : vector<1x1x16xi32> to vector<16xi32>
        %mul3A_549 = arith.constant 15 : i32
        %mul3A_550 = vector.broadcast %mul3A_549 : i32 to vector<16xi32>
        %mul3A_551 = arith.muli %get3A_548, %mul3A_550 : vector<16xi32>
        %add3A_552 = arith.addi %add3A_542, %mul3A_551 : vector<16xi32>
        %swap3A_553 = arith.constant 0 : i32
        %swap3A_554 = arith.index_cast %add3A_330 : i32 to index
        %swap3A_555 = arith.index_cast %swap3A_553 : i32 to index
        %swap3A_556 = arith.constant 96 : index
        %swap3A_557 = tpu.vector_load %arg8[%swap3A_554, %swap3A_555, %swap3A_556] {strides = array<i32>} : memref<128x1x128xi32, #tpu.memory_space<vmem>>, vector<1x1x16xi32>,
        %swap3A_558 = vector.shape_cast %swap3A_557 : vector<1x1x16xi32> to vector<16xi32>
        %swap3A_559 = vector.shape_cast %add3A_552 : vector<16xi32> to vector<1x1x16xi32>
        tpu.vector_store %arg8[%swap3A_554, %swap3A_555, %swap3A_556], %swap3A_559 {strides = array<i32>} : memref<128x1x128xi32, #tpu.memory_space<vmem>>, vector<1x1x16xi32>,
        %get3A_560 = arith.constant 0 : i32
        %get3A_561 = arith.index_cast %add3A_325 : i32 to index
        %get3A_562 = arith.index_cast %get3A_560 : i32 to index
        %get3A_563 = arith.constant 112 : index
        %get3A_564 = tpu.vector_load %arg9[%get3A_561, %get3A_562, %get3A_563] {strides = array<i32>} : memref<32x1x128xi32, #tpu.memory_space<vmem>>, vector<1x1x16xi32>,
        %get3A_565 = vector.shape_cast %get3A_564 : vector<1x1x16xi32> to vector<16xi32>
        %get3A_566 = arith.constant 0 : i32
        %get3A_567 = arith.index_cast %add3A_325 : i32 to index
        %get3A_568 = arith.index_cast %get3A_566 : i32 to index
        %get3A_569 = arith.constant 112 : index
        %get3A_570 = tpu.vector_load %arg10[%get3A_567, %get3A_568, %get3A_569] {strides = array<i32>} : memref<32x1x128xi32, #tpu.memory_space<vmem>>, vector<1x1x16xi32>,
        %get3A_571 = vector.shape_cast %get3A_570 : vector<1x1x16xi32> to vector<16xi32>
        %mul3A_572 = arith.constant 5 : i32
        %mul3A_573 = vector.broadcast %mul3A_572 : i32 to vector<16xi32>
        %mul3A_574 = arith.muli %get3A_571, %mul3A_573 : vector<16xi32>
        %add3A_575 = arith.addi %get3A_565, %mul3A_574 : vector<16xi32>
        %get3A_576 = arith.constant 0 : i32
        %get3A_577 = arith.index_cast %add3A_325 : i32 to index
        %get3A_578 = arith.index_cast %get3A_576 : i32 to index
        %get3A_579 = arith.constant 112 : index
        %get3A_580 = tpu.vector_load %arg11[%get3A_577, %get3A_578, %get3A_579] {strides = array<i32>} : memref<32x1x128xi32, #tpu.memory_space<vmem>>, vector<1x1x16xi32>,
        %get3A_581 = vector.shape_cast %get3A_580 : vector<1x1x16xi32> to vector<16xi32>
        %mul3A_582 = arith.constant 15 : i32
        %mul3A_583 = vector.broadcast %mul3A_582 : i32 to vector<16xi32>
        %mul3A_584 = arith.muli %get3A_581, %mul3A_583 : vector<16xi32>
        %add3A_585 = arith.addi %add3A_575, %mul3A_584 : vector<16xi32>
        %swap3A_586 = arith.constant 0 : i32
        %swap3A_587 = arith.index_cast %add3A_330 : i32 to index
        %swap3A_588 = arith.index_cast %swap3A_586 : i32 to index
        %swap3A_589 = arith.constant 112 : index
        %swap3A_590 = tpu.vector_load %arg8[%swap3A_587, %swap3A_588, %swap3A_589] {strides = array<i32>} : memref<128x1x128xi32, #tpu.memory_space<vmem>>, vector<1x1x16xi32>,
        %swap3A_591 = vector.shape_cast %swap3A_590 : vector<1x1x16xi32> to vector<16xi32>
        %swap3A_592 = vector.shape_cast %add3A_585 : vector<16xi32> to vector<1x1x16xi32>
        tpu.vector_store %arg8[%swap3A_587, %swap3A_588, %swap3A_589], %swap3A_592 {strides = array<i32>} : memref<128x1x128xi32, #tpu.memory_space<vmem>>, vector<1x1x16xi32>,
      }
      %scan3A_169 = arith.constant 4 : i32
      %mul3A_170 = arith.constant 4 : i32
      %mul3A_171 = arith.muli %mul3A_170, %add3A_158 : i32
      %add3A_172 = arith.constant 0 : i32
      %add3A_173 = arith.addi %mul3A_171, %add3A_172 : i32
      %dma_wait3A_174 = arith.constant 0 : i32
      %dma_wait3A_175 = arith.constant 0 : i32
      %dma_wait3A_176 = tpu.memref_slice %arg8[%add3A_173, %dma_wait3A_174, %dma_wait3A_175] : memref<128x1x128xi32, #tpu.memory_space<vmem>> -> memref<1x1x128xi32, #tpu.memory_space<vmem>>
      %dma_wait3A_177 = tpu.memref_squeeze %dma_wait3A_176 : memref<1x1x128xi32, #tpu.memory_space<vmem>> -> memref<128xi32, #tpu.memory_space<vmem>>
      %dma_wait3A_178 = arith.constant 0 : i32
      %dma_wait3A_179 = arith.constant 0 : i32
      %dma_wait3A_180 = tpu.memref_slice %arg7[%dma_wait3A_178, %dma_wait3A_179] : memref<48x128xf32, #tpu.memory_space<vmem_shared>> -> memref<48x128xf32, #tpu.memory_space<vmem_shared>>
      tpu.wait_indirect_dma semaphore(%arg16 : memref<!tpu.dma_semaphore, #tpu.memory_space<semaphore_mem>>) src(%dma_wait3A_180 : memref<48x128xf32, #tpu.memory_space<vmem_shared>>) dst(%arg12 : memref<128x128xf32, #tpu.memory_space<vmem>>)
      %add3A_181 = arith.addi %mul3A_2, %add3A_173 : i32
      %mul3A_182 = arith.constant 128 : i32
      %mul3A_183 = arith.muli %add3A_181, %mul3A_182 : i32
      %dma_start3A_184 = arith.constant 0 : i32
      %dma_start3A_185 = tpu.memref_slice %arg6[%mul3A_183, %dma_start3A_184] : memref<524288x128xf32, #tpu.memory_space<hbm>> -> memref<128x128xf32, #tpu.memory_space<hbm>>
      %dma_start3A_186 = arith.constant 0 : i32
      %dma_start3A_187 = tpu.memref_slice %arg6[%mul3A_183, %dma_start3A_186] : memref<524288x128xf32, #tpu.memory_space<hbm>> -> memref<128x128xf32, #tpu.memory_space<hbm>>
      tpu.enqueue_dma source(%arg12 : memref<128x128xf32, #tpu.memory_space<vmem>>) target(%dma_start3A_187 : memref<128x128xf32, #tpu.memory_space<hbm>>) target_semaphore(%arg20 : memref<!tpu.dma_semaphore, #tpu.memory_space<semaphore_mem>>)
      %mul3A_188 = arith.constant 4 : i32
      %mul3A_189 = arith.muli %mul3A_188, %add3A_158 : i32
      %add3A_190 = arith.constant 1 : i32
      %add3A_191 = arith.addi %mul3A_189, %add3A_190 : i32
      %dma_wait3A_192 = arith.constant 0 : i32
      %dma_wait3A_193 = arith.constant 0 : i32
      %dma_wait3A_194 = tpu.memref_slice %arg8[%add3A_191, %dma_wait3A_192, %dma_wait3A_193] : memref<128x1x128xi32, #tpu.memory_space<vmem>> -> memref<1x1x128xi32, #tpu.memory_space<vmem>>
      %dma_wait3A_195 = tpu.memref_squeeze %dma_wait3A_194 : memref<1x1x128xi32, #tpu.memory_space<vmem>> -> memref<128xi32, #tpu.memory_space<vmem>>
      %dma_wait3A_196 = arith.constant 0 : i32
      %dma_wait3A_197 = arith.constant 0 : i32
      %dma_wait3A_198 = tpu.memref_slice %arg7[%dma_wait3A_196, %dma_wait3A_197] : memref<48x128xf32, #tpu.memory_space<vmem_shared>> -> memref<48x128xf32, #tpu.memory_space<vmem_shared>>
      tpu.wait_indirect_dma semaphore(%arg17 : memref<!tpu.dma_semaphore, #tpu.memory_space<semaphore_mem>>) src(%dma_wait3A_198 : memref<48x128xf32, #tpu.memory_space<vmem_shared>>) dst(%arg13 : memref<128x128xf32, #tpu.memory_space<vmem>>)
      %add3A_199 = arith.addi %mul3A_2, %add3A_191 : i32
      %mul3A_200 = arith.constant 128 : i32
      %mul3A_201 = arith.muli %add3A_199, %mul3A_200 : i32
      %dma_start3A_202 = arith.constant 0 : i32
      %dma_start3A_203 = tpu.memref_slice %arg6[%mul3A_201, %dma_start3A_202] : memref<524288x128xf32, #tpu.memory_space<hbm>> -> memref<128x128xf32, #tpu.memory_space<hbm>>
      %dma_start3A_204 = arith.constant 0 : i32
      %dma_start3A_205 = tpu.memref_slice %arg6[%mul3A_201, %dma_start3A_204] : memref<524288x128xf32, #tpu.memory_space<hbm>> -> memref<128x128xf32, #tpu.memory_space<hbm>>
      tpu.enqueue_dma source(%arg13 : memref<128x128xf32, #tpu.memory_space<vmem>>) target(%dma_start3A_205 : memref<128x128xf32, #tpu.memory_space<hbm>>) target_semaphore(%arg21 : memref<!tpu.dma_semaphore, #tpu.memory_space<semaphore_mem>>)
      %mul3A_206 = arith.constant 4 : i32
      %mul3A_207 = arith.muli %mul3A_206, %add3A_158 : i32
      %add3A_208 = arith.constant 2 : i32
      %add3A_209 = arith.addi %mul3A_207, %add3A_208 : i32
      %dma_wait3A_210 = arith.constant 0 : i32
      %dma_wait3A_211 = arith.constant 0 : i32
      %dma_wait3A_212 = tpu.memref_slice %arg8[%add3A_209, %dma_wait3A_210, %dma_wait3A_211] : memref<128x1x128xi32, #tpu.memory_space<vmem>> -> memref<1x1x128xi32, #tpu.memory_space<vmem>>
      %dma_wait3A_213 = tpu.memref_squeeze %dma_wait3A_212 : memref<1x1x128xi32, #tpu.memory_space<vmem>> -> memref<128xi32, #tpu.memory_space<vmem>>
      %dma_wait3A_214 = arith.constant 0 : i32
      %dma_wait3A_215 = arith.constant 0 : i32
      %dma_wait3A_216 = tpu.memref_slice %arg7[%dma_wait3A_214, %dma_wait3A_215] : memref<48x128xf32, #tpu.memory_space<vmem_shared>> -> memref<48x128xf32, #tpu.memory_space<vmem_shared>>
      tpu.wait_indirect_dma semaphore(%arg18 : memref<!tpu.dma_semaphore, #tpu.memory_space<semaphore_mem>>) src(%dma_wait3A_216 : memref<48x128xf32, #tpu.memory_space<vmem_shared>>) dst(%arg14 : memref<128x128xf32, #tpu.memory_space<vmem>>)
      %add3A_217 = arith.addi %mul3A_2, %add3A_209 : i32
      %mul3A_218 = arith.constant 128 : i32
      %mul3A_219 = arith.muli %add3A_217, %mul3A_218 : i32
      %dma_start3A_220 = arith.constant 0 : i32
      %dma_start3A_221 = tpu.memref_slice %arg6[%mul3A_219, %dma_start3A_220] : memref<524288x128xf32, #tpu.memory_space<hbm>> -> memref<128x128xf32, #tpu.memory_space<hbm>>
      %dma_start3A_222 = arith.constant 0 : i32
      %dma_start3A_223 = tpu.memref_slice %arg6[%mul3A_219, %dma_start3A_222] : memref<524288x128xf32, #tpu.memory_space<hbm>> -> memref<128x128xf32, #tpu.memory_space<hbm>>
      tpu.enqueue_dma source(%arg14 : memref<128x128xf32, #tpu.memory_space<vmem>>) target(%dma_start3A_223 : memref<128x128xf32, #tpu.memory_space<hbm>>) target_semaphore(%arg22 : memref<!tpu.dma_semaphore, #tpu.memory_space<semaphore_mem>>)
      %mul3A_224 = arith.constant 4 : i32
      %mul3A_225 = arith.muli %mul3A_224, %add3A_158 : i32
      %add3A_226 = arith.constant 3 : i32
      %add3A_227 = arith.addi %mul3A_225, %add3A_226 : i32
      %dma_wait3A_228 = arith.constant 0 : i32
      %dma_wait3A_229 = arith.constant 0 : i32
      %dma_wait3A_230 = tpu.memref_slice %arg8[%add3A_227, %dma_wait3A_228, %dma_wait3A_229] : memref<128x1x128xi32, #tpu.memory_space<vmem>> -> memref<1x1x128xi32, #tpu.memory_space<vmem>>
      %dma_wait3A_231 = tpu.memref_squeeze %dma_wait3A_230 : memref<1x1x128xi32, #tpu.memory_space<vmem>> -> memref<128xi32, #tpu.memory_space<vmem>>
      %dma_wait3A_232 = arith.constant 0 : i32
      %dma_wait3A_233 = arith.constant 0 : i32
      %dma_wait3A_234 = tpu.memref_slice %arg7[%dma_wait3A_232, %dma_wait3A_233] : memref<48x128xf32, #tpu.memory_space<vmem_shared>> -> memref<48x128xf32, #tpu.memory_space<vmem_shared>>
      tpu.wait_indirect_dma semaphore(%arg19 : memref<!tpu.dma_semaphore, #tpu.memory_space<semaphore_mem>>) src(%dma_wait3A_234 : memref<48x128xf32, #tpu.memory_space<vmem_shared>>) dst(%arg15 : memref<128x128xf32, #tpu.memory_space<vmem>>)
      %add3A_235 = arith.addi %mul3A_2, %add3A_227 : i32
      %mul3A_236 = arith.constant 128 : i32
      %mul3A_237 = arith.muli %add3A_235, %mul3A_236 : i32
      %dma_start3A_238 = arith.constant 0 : i32
      %dma_start3A_239 = tpu.memref_slice %arg6[%mul3A_237, %dma_start3A_238] : memref<524288x128xf32, #tpu.memory_space<hbm>> -> memref<128x128xf32, #tpu.memory_space<hbm>>
      %dma_start3A_240 = arith.constant 0 : i32
      %dma_start3A_241 = tpu.memref_slice %arg6[%mul3A_237, %dma_start3A_240] : memref<524288x128xf32, #tpu.memory_space<hbm>> -> memref<128x128xf32, #tpu.memory_space<hbm>>
      tpu.enqueue_dma source(%arg15 : memref<128x128xf32, #tpu.memory_space<vmem>>) target(%dma_start3A_241 : memref<128x128xf32, #tpu.memory_space<hbm>>) target_semaphore(%arg23 : memref<!tpu.dma_semaphore, #tpu.memory_space<semaphore_mem>>)
      %mul3A_242 = arith.constant 4 : i32
      %mul3A_243 = arith.muli %mul3A_242, %add3A_158 : i32
      %add3A_244 = arith.constant 0 : i32
      %add3A_245 = arith.addi %mul3A_243, %add3A_244 : i32
      %add3A_246 = arith.addi %mul3A_2, %add3A_245 : i32
      %mul3A_247 = arith.constant 128 : i32
      %mul3A_248 = arith.muli %add3A_246, %mul3A_247 : i32
      %dma_wait3A_249 = arith.constant 0 : i32
      %dma_wait3A_250 = tpu.memref_slice %arg6[%mul3A_248, %dma_wait3A_249] : memref<524288x128xf32, #tpu.memory_space<hbm>> -> memref<128x128xf32, #tpu.memory_space<hbm>>
      %dma_wait3A_251 = arith.constant 0 : i32
      %dma_wait3A_252 = tpu.memref_slice %arg6[%mul3A_248, %dma_wait3A_251] : memref<524288x128xf32, #tpu.memory_space<hbm>> -> memref<128x128xf32, #tpu.memory_space<hbm>>
      tpu.wait_dma2 semaphore(%arg20 : memref<!tpu.dma_semaphore, #tpu.memory_space<semaphore_mem>>) src(%arg12 : memref<128x128xf32, #tpu.memory_space<vmem>>) dst(%dma_wait3A_252 : memref<128x128xf32, #tpu.memory_space<hbm>>)
      %add3A_253 = arith.constant 4 : i32
      %add3A_254 = arith.addi %add3A_245, %add3A_253 : i32
      %dma_start3A_255 = arith.constant 0 : i32
      %dma_start3A_256 = arith.constant 0 : i32
      %dma_start3A_257 = tpu.memref_slice %arg8[%add3A_254, %dma_start3A_255, %dma_start3A_256] : memref<128x1x128xi32, #tpu.memory_space<vmem>> -> memref<1x1x128xi32, #tpu.memory_space<vmem>>
      %dma_start3A_258 = tpu.memref_squeeze %dma_start3A_257 : memref<1x1x128xi32, #tpu.memory_space<vmem>> -> memref<128xi32, #tpu.memory_space<vmem>>
      %dma_start3A_259 = arith.constant 0 : i32
      %dma_start3A_260 = arith.constant 0 : i32
      %dma_start3A_261 = tpu.memref_slice %arg7[%dma_start3A_259, %dma_start3A_260] : memref<48x128xf32, #tpu.memory_space<vmem_shared>> -> memref<48x128xf32, #tpu.memory_space<vmem_shared>>
      tpu.enqueue_indirect_dma source(%dma_start3A_261 : memref<48x128xf32, #tpu.memory_space<vmem_shared>>) target(%arg12 : memref<128x128xf32, #tpu.memory_space<vmem>>) offsets(%dma_start3A_258 : memref<128xi32, #tpu.memory_space<vmem>>) semaphore(%arg16 : memref<!tpu.dma_semaphore, #tpu.memory_space<semaphore_mem>>)
      %mul3A_262 = arith.constant 4 : i32
      %mul3A_263 = arith.muli %mul3A_262, %add3A_158 : i32
      %add3A_264 = arith.constant 1 : i32
      %add3A_265 = arith.addi %mul3A_263, %add3A_264 : i32
      %add3A_266 = arith.addi %mul3A_2, %add3A_265 : i32
      %mul3A_267 = arith.constant 128 : i32
      %mul3A_268 = arith.muli %add3A_266, %mul3A_267 : i32
      %dma_wait3A_269 = arith.constant 0 : i32
      %dma_wait3A_270 = tpu.memref_slice %arg6[%mul3A_268, %dma_wait3A_269] : memref<524288x128xf32, #tpu.memory_space<hbm>> -> memref<128x128xf32, #tpu.memory_space<hbm>>
      %dma_wait3A_271 = arith.constant 0 : i32
      %dma_wait3A_272 = tpu.memref_slice %arg6[%mul3A_268, %dma_wait3A_271] : memref<524288x128xf32, #tpu.memory_space<hbm>> -> memref<128x128xf32, #tpu.memory_space<hbm>>
      tpu.wait_dma2 semaphore(%arg21 : memref<!tpu.dma_semaphore, #tpu.memory_space<semaphore_mem>>) src(%arg13 : memref<128x128xf32, #tpu.memory_space<vmem>>) dst(%dma_wait3A_272 : memref<128x128xf32, #tpu.memory_space<hbm>>)
      %add3A_273 = arith.constant 4 : i32
      %add3A_274 = arith.addi %add3A_265, %add3A_273 : i32
      %dma_start3A_275 = arith.constant 0 : i32
      %dma_start3A_276 = arith.constant 0 : i32
      %dma_start3A_277 = tpu.memref_slice %arg8[%add3A_274, %dma_start3A_275, %dma_start3A_276] : memref<128x1x128xi32, #tpu.memory_space<vmem>> -> memref<1x1x128xi32, #tpu.memory_space<vmem>>
      %dma_start3A_278 = tpu.memref_squeeze %dma_start3A_277 : memref<1x1x128xi32, #tpu.memory_space<vmem>> -> memref<128xi32, #tpu.memory_space<vmem>>
      %dma_start3A_279 = arith.constant 0 : i32
      %dma_start3A_280 = arith.constant 0 : i32
      %dma_start3A_281 = tpu.memref_slice %arg7[%dma_start3A_279, %dma_start3A_280] : memref<48x128xf32, #tpu.memory_space<vmem_shared>> -> memref<48x128xf32, #tpu.memory_space<vmem_shared>>
      tpu.enqueue_indirect_dma source(%dma_start3A_281 : memref<48x128xf32, #tpu.memory_space<vmem_shared>>) target(%arg13 : memref<128x128xf32, #tpu.memory_space<vmem>>) offsets(%dma_start3A_278 : memref<128xi32, #tpu.memory_space<vmem>>) semaphore(%arg17 : memref<!tpu.dma_semaphore, #tpu.memory_space<semaphore_mem>>)
      %mul3A_282 = arith.constant 4 : i32
      %mul3A_283 = arith.muli %mul3A_282, %add3A_158 : i32
      %add3A_284 = arith.constant 2 : i32
      %add3A_285 = arith.addi %mul3A_283, %add3A_284 : i32
      %add3A_286 = arith.addi %mul3A_2, %add3A_285 : i32
      %mul3A_287 = arith.constant 128 : i32
      %mul3A_288 = arith.muli %add3A_286, %mul3A_287 : i32
      %dma_wait3A_289 = arith.constant 0 : i32
      %dma_wait3A_290 = tpu.memref_slice %arg6[%mul3A_288, %dma_wait3A_289] : memref<524288x128xf32, #tpu.memory_space<hbm>> -> memref<128x128xf32, #tpu.memory_space<hbm>>
      %dma_wait3A_291 = arith.constant 0 : i32
      %dma_wait3A_292 = tpu.memref_slice %arg6[%mul3A_288, %dma_wait3A_291] : memref<524288x128xf32, #tpu.memory_space<hbm>> -> memref<128x128xf32, #tpu.memory_space<hbm>>
      tpu.wait_dma2 semaphore(%arg22 : memref<!tpu.dma_semaphore, #tpu.memory_space<semaphore_mem>>) src(%arg14 : memref<128x128xf32, #tpu.memory_space<vmem>>) dst(%dma_wait3A_292 : memref<128x128xf32, #tpu.memory_space<hbm>>)
      %add3A_293 = arith.constant 4 : i32
      %add3A_294 = arith.addi %add3A_285, %add3A_293 : i32
      %dma_start3A_295 = arith.constant 0 : i32
      %dma_start3A_296 = arith.constant 0 : i32
      %dma_start3A_297 = tpu.memref_slice %arg8[%add3A_294, %dma_start3A_295, %dma_start3A_296] : memref<128x1x128xi32, #tpu.memory_space<vmem>> -> memref<1x1x128xi32, #tpu.memory_space<vmem>>
      %dma_start3A_298 = tpu.memref_squeeze %dma_start3A_297 : memref<1x1x128xi32, #tpu.memory_space<vmem>> -> memref<128xi32, #tpu.memory_space<vmem>>
      %dma_start3A_299 = arith.constant 0 : i32
      %dma_start3A_300 = arith.constant 0 : i32
      %dma_start3A_301 = tpu.memref_slice %arg7[%dma_start3A_299, %dma_start3A_300] : memref<48x128xf32, #tpu.memory_space<vmem_shared>> -> memref<48x128xf32, #tpu.memory_space<vmem_shared>>
      tpu.enqueue_indirect_dma source(%dma_start3A_301 : memref<48x128xf32, #tpu.memory_space<vmem_shared>>) target(%arg14 : memref<128x128xf32, #tpu.memory_space<vmem>>) offsets(%dma_start3A_298 : memref<128xi32, #tpu.memory_space<vmem>>) semaphore(%arg18 : memref<!tpu.dma_semaphore, #tpu.memory_space<semaphore_mem>>)
      %mul3A_302 = arith.constant 4 : i32
      %mul3A_303 = arith.muli %mul3A_302, %add3A_158 : i32
      %add3A_304 = arith.constant 3 : i32
      %add3A_305 = arith.addi %mul3A_303, %add3A_304 : i32
      %add3A_306 = arith.addi %mul3A_2, %add3A_305 : i32
      %mul3A_307 = arith.constant 128 : i32
      %mul3A_308 = arith.muli %add3A_306, %mul3A_307 : i32
      %dma_wait3A_309 = arith.constant 0 : i32
      %dma_wait3A_310 = tpu.memref_slice %arg6[%mul3A_308, %dma_wait3A_309] : memref<524288x128xf32, #tpu.memory_space<hbm>> -> memref<128x128xf32, #tpu.memory_space<hbm>>
      %dma_wait3A_311 = arith.constant 0 : i32
      %dma_wait3A_312 = tpu.memref_slice %arg6[%mul3A_308, %dma_wait3A_311] : memref<524288x128xf32, #tpu.memory_space<hbm>> -> memref<128x128xf32, #tpu.memory_space<hbm>>
      tpu.wait_dma2 semaphore(%arg23 : memref<!tpu.dma_semaphore, #tpu.memory_space<semaphore_mem>>) src(%arg15 : memref<128x128xf32, #tpu.memory_space<vmem>>) dst(%dma_wait3A_312 : memref<128x128xf32, #tpu.memory_space<hbm>>)
      %add3A_313 = arith.constant 4 : i32
      %add3A_314 = arith.addi %add3A_305, %add3A_313 : i32
      %dma_start3A_315 = arith.constant 0 : i32
      %dma_start3A_316 = arith.constant 0 : i32
      %dma_start3A_317 = tpu.memref_slice %arg8[%add3A_314, %dma_start3A_315, %dma_start3A_316] : memref<128x1x128xi32, #tpu.memory_space<vmem>> -> memref<1x1x128xi32, #tpu.memory_space<vmem>>
      %dma_start3A_318 = tpu.memref_squeeze %dma_start3A_317 : memref<1x1x128xi32, #tpu.memory_space<vmem>> -> memref<128xi32, #tpu.memory_space<vmem>>
      %dma_start3A_319 = arith.constant 0 : i32
      %dma_start3A_320 = arith.constant 0 : i32
      %dma_start3A_321 = tpu.memref_slice %arg7[%dma_start3A_319, %dma_start3A_320] : memref<48x128xf32, #tpu.memory_space<vmem_shared>> -> memref<48x128xf32, #tpu.memory_space<vmem_shared>>
      tpu.enqueue_indirect_dma source(%dma_start3A_321 : memref<48x128xf32, #tpu.memory_space<vmem_shared>>) target(%arg15 : memref<128x128xf32, #tpu.memory_space<vmem>>) offsets(%dma_start3A_318 : memref<128xi32, #tpu.memory_space<vmem>>) semaphore(%arg19 : memref<!tpu.dma_semaphore, #tpu.memory_space<semaphore_mem>>)
    }
    %scan3A_117 = arith.constant 8 : i32
    %scan3A_118 = arith.constant 0 : i32
    %scan3A_119 = arith.constant 0 : i32
    %scan3A_120 = arith.constant 8 : i32
    %scan3A_121 = arith.addi %scan3A_119, %scan3A_120 : i32
    %scan3A_122 = arith.constant 1 : i32
    scf.for %scan3A_156 = %scan3A_119 to %scan3A_121 step %scan3A_122  : i32 {
      %add3A_157 = arith.constant 24 : i32
      %add3A_158 = arith.addi %add3A_157, %scan3A_156 : i32
      %mul3A_159 = arith.constant 4 : i32
      %mul3A_160 = arith.muli %mul3A_159, %add3A_158 : i32
      %add3A_161 = arith.constant 0 : i32
      %add3A_162 = arith.addi %mul3A_160, %add3A_161 : i32
      %dma_wait3A_163 = arith.constant 0 : i32
      %dma_wait3A_164 = arith.constant 0 : i32
      %dma_wait3A_165 = tpu.memref_slice %arg8[%add3A_162, %dma_wait3A_163, %dma_wait3A_164] : memref<128x1x128xi32, #tpu.memory_space<vmem>> -> memref<1x1x128xi32, #tpu.memory_space<vmem>>
      %dma_wait3A_166 = tpu.memref_squeeze %dma_wait3A_165 : memref<1x1x128xi32, #tpu.memory_space<vmem>> -> memref<128xi32, #tpu.memory_space<vmem>>
      %dma_wait3A_167 = arith.constant 0 : i32
      %dma_wait3A_168 = arith.constant 0 : i32
      %dma_wait3A_169 = tpu.memref_slice %arg7[%dma_wait3A_167, %dma_wait3A_168] : memref<48x128xf32, #tpu.memory_space<vmem_shared>> -> memref<48x128xf32, #tpu.memory_space<vmem_shared>>
      tpu.wait_indirect_dma semaphore(%arg16 : memref<!tpu.dma_semaphore, #tpu.memory_space<semaphore_mem>>) src(%dma_wait3A_169 : memref<48x128xf32, #tpu.memory_space<vmem_shared>>) dst(%arg12 : memref<128x128xf32, #tpu.memory_space<vmem>>)
      %add3A_170 = arith.addi %mul3A_2, %add3A_162 : i32
      %mul3A_171 = arith.constant 128 : i32
      %mul3A_172 = arith.muli %add3A_170, %mul3A_171 : i32
      %dma_start3A_173 = arith.constant 0 : i32
      %dma_start3A_174 = tpu.memref_slice %arg6[%mul3A_172, %dma_start3A_173] : memref<524288x128xf32, #tpu.memory_space<hbm>> -> memref<128x128xf32, #tpu.memory_space<hbm>>
      %dma_start3A_175 = arith.constant 0 : i32
      %dma_start3A_176 = tpu.memref_slice %arg6[%mul3A_172, %dma_start3A_175] : memref<524288x128xf32, #tpu.memory_space<hbm>> -> memref<128x128xf32, #tpu.memory_space<hbm>>
      tpu.enqueue_dma source(%arg12 : memref<128x128xf32, #tpu.memory_space<vmem>>) target(%dma_start3A_176 : memref<128x128xf32, #tpu.memory_space<hbm>>) target_semaphore(%arg20 : memref<!tpu.dma_semaphore, #tpu.memory_space<semaphore_mem>>)
      %mul3A_177 = arith.constant 4 : i32
      %mul3A_178 = arith.muli %mul3A_177, %add3A_158 : i32
      %add3A_179 = arith.constant 1 : i32
      %add3A_180 = arith.addi %mul3A_178, %add3A_179 : i32
      %dma_wait3A_181 = arith.constant 0 : i32
      %dma_wait3A_182 = arith.constant 0 : i32
      %dma_wait3A_183 = tpu.memref_slice %arg8[%add3A_180, %dma_wait3A_181, %dma_wait3A_182] : memref<128x1x128xi32, #tpu.memory_space<vmem>> -> memref<1x1x128xi32, #tpu.memory_space<vmem>>
      %dma_wait3A_184 = tpu.memref_squeeze %dma_wait3A_183 : memref<1x1x128xi32, #tpu.memory_space<vmem>> -> memref<128xi32, #tpu.memory_space<vmem>>
      %dma_wait3A_185 = arith.constant 0 : i32
      %dma_wait3A_186 = arith.constant 0 : i32
      %dma_wait3A_187 = tpu.memref_slice %arg7[%dma_wait3A_185, %dma_wait3A_186] : memref<48x128xf32, #tpu.memory_space<vmem_shared>> -> memref<48x128xf32, #tpu.memory_space<vmem_shared>>
      tpu.wait_indirect_dma semaphore(%arg17 : memref<!tpu.dma_semaphore, #tpu.memory_space<semaphore_mem>>) src(%dma_wait3A_187 : memref<48x128xf32, #tpu.memory_space<vmem_shared>>) dst(%arg13 : memref<128x128xf32, #tpu.memory_space<vmem>>)
      %add3A_188 = arith.addi %mul3A_2, %add3A_180 : i32
      %mul3A_189 = arith.constant 128 : i32
      %mul3A_190 = arith.muli %add3A_188, %mul3A_189 : i32
      %dma_start3A_191 = arith.constant 0 : i32
      %dma_start3A_192 = tpu.memref_slice %arg6[%mul3A_190, %dma_start3A_191] : memref<524288x128xf32, #tpu.memory_space<hbm>> -> memref<128x128xf32, #tpu.memory_space<hbm>>
      %dma_start3A_193 = arith.constant 0 : i32
      %dma_start3A_194 = tpu.memref_slice %arg6[%mul3A_190, %dma_start3A_193] : memref<524288x128xf32, #tpu.memory_space<hbm>> -> memref<128x128xf32, #tpu.memory_space<hbm>>
      tpu.enqueue_dma source(%arg13 : memref<128x128xf32, #tpu.memory_space<vmem>>) target(%dma_start3A_194 : memref<128x128xf32, #tpu.memory_space<hbm>>) target_semaphore(%arg21 : memref<!tpu.dma_semaphore, #tpu.memory_space<semaphore_mem>>)
      %mul3A_195 = arith.constant 4 : i32
      %mul3A_196 = arith.muli %mul3A_195, %add3A_158 : i32
      %add3A_197 = arith.constant 2 : i32
      %add3A_198 = arith.addi %mul3A_196, %add3A_197 : i32
      %dma_wait3A_199 = arith.constant 0 : i32
      %dma_wait3A_200 = arith.constant 0 : i32
      %dma_wait3A_201 = tpu.memref_slice %arg8[%add3A_198, %dma_wait3A_199, %dma_wait3A_200] : memref<128x1x128xi32, #tpu.memory_space<vmem>> -> memref<1x1x128xi32, #tpu.memory_space<vmem>>
      %dma_wait3A_202 = tpu.memref_squeeze %dma_wait3A_201 : memref<1x1x128xi32, #tpu.memory_space<vmem>> -> memref<128xi32, #tpu.memory_space<vmem>>
      %dma_wait3A_203 = arith.constant 0 : i32
      %dma_wait3A_204 = arith.constant 0 : i32
      %dma_wait3A_205 = tpu.memref_slice %arg7[%dma_wait3A_203, %dma_wait3A_204] : memref<48x128xf32, #tpu.memory_space<vmem_shared>> -> memref<48x128xf32, #tpu.memory_space<vmem_shared>>
      tpu.wait_indirect_dma semaphore(%arg18 : memref<!tpu.dma_semaphore, #tpu.memory_space<semaphore_mem>>) src(%dma_wait3A_205 : memref<48x128xf32, #tpu.memory_space<vmem_shared>>) dst(%arg14 : memref<128x128xf32, #tpu.memory_space<vmem>>)
      %add3A_206 = arith.addi %mul3A_2, %add3A_198 : i32
      %mul3A_207 = arith.constant 128 : i32
      %mul3A_208 = arith.muli %add3A_206, %mul3A_207 : i32
      %dma_start3A_209 = arith.constant 0 : i32
      %dma_start3A_210 = tpu.memref_slice %arg6[%mul3A_208, %dma_start3A_209] : memref<524288x128xf32, #tpu.memory_space<hbm>> -> memref<128x128xf32, #tpu.memory_space<hbm>>
      %dma_start3A_211 = arith.constant 0 : i32
      %dma_start3A_212 = tpu.memref_slice %arg6[%mul3A_208, %dma_start3A_211] : memref<524288x128xf32, #tpu.memory_space<hbm>> -> memref<128x128xf32, #tpu.memory_space<hbm>>
      tpu.enqueue_dma source(%arg14 : memref<128x128xf32, #tpu.memory_space<vmem>>) target(%dma_start3A_212 : memref<128x128xf32, #tpu.memory_space<hbm>>) target_semaphore(%arg22 : memref<!tpu.dma_semaphore, #tpu.memory_space<semaphore_mem>>)
      %mul3A_213 = arith.constant 4 : i32
      %mul3A_214 = arith.muli %mul3A_213, %add3A_158 : i32
      %add3A_215 = arith.constant 3 : i32
      %add3A_216 = arith.addi %mul3A_214, %add3A_215 : i32
      %dma_wait3A_217 = arith.constant 0 : i32
      %dma_wait3A_218 = arith.constant 0 : i32
      %dma_wait3A_219 = tpu.memref_slice %arg8[%add3A_216, %dma_wait3A_217, %dma_wait3A_218] : memref<128x1x128xi32, #tpu.memory_space<vmem>> -> memref<1x1x128xi32, #tpu.memory_space<vmem>>
      %dma_wait3A_220 = tpu.memref_squeeze %dma_wait3A_219 : memref<1x1x128xi32, #tpu.memory_space<vmem>> -> memref<128xi32, #tpu.memory_space<vmem>>
      %dma_wait3A_221 = arith.constant 0 : i32
      %dma_wait3A_222 = arith.constant 0 : i32
      %dma_wait3A_223 = tpu.memref_slice %arg7[%dma_wait3A_221, %dma_wait3A_222] : memref<48x128xf32, #tpu.memory_space<vmem_shared>> -> memref<48x128xf32, #tpu.memory_space<vmem_shared>>
      tpu.wait_indirect_dma semaphore(%arg19 : memref<!tpu.dma_semaphore, #tpu.memory_space<semaphore_mem>>) src(%dma_wait3A_223 : memref<48x128xf32, #tpu.memory_space<vmem_shared>>) dst(%arg15 : memref<128x128xf32, #tpu.memory_space<vmem>>)
      %add3A_224 = arith.addi %mul3A_2, %add3A_216 : i32
      %mul3A_225 = arith.constant 128 : i32
      %mul3A_226 = arith.muli %add3A_224, %mul3A_225 : i32
      %dma_start3A_227 = arith.constant 0 : i32
      %dma_start3A_228 = tpu.memref_slice %arg6[%mul3A_226, %dma_start3A_227] : memref<524288x128xf32, #tpu.memory_space<hbm>> -> memref<128x128xf32, #tpu.memory_space<hbm>>
      %dma_start3A_229 = arith.constant 0 : i32
      %dma_start3A_230 = tpu.memref_slice %arg6[%mul3A_226, %dma_start3A_229] : memref<524288x128xf32, #tpu.memory_space<hbm>> -> memref<128x128xf32, #tpu.memory_space<hbm>>
      tpu.enqueue_dma source(%arg15 : memref<128x128xf32, #tpu.memory_space<vmem>>) target(%dma_start3A_230 : memref<128x128xf32, #tpu.memory_space<hbm>>) target_semaphore(%arg23 : memref<!tpu.dma_semaphore, #tpu.memory_space<semaphore_mem>>)
      %lt3A = arith.constant 7 : i32
      %lt3A_231 = arith.cmpi slt, %scan3A_156, %lt3A : i32
      %convert_element_type3A_232 = arith.extui %lt3A_231 : i1 to i32
      %cond3A_233 = arith.constant 0 : i32
      %cond3A_234 = arith.cmpi ne, %convert_element_type3A_232, %cond3A_233 : i32
      scf.if %cond3A_234 {
        %mul3A_235 = arith.constant 4 : i32
        %mul3A_236 = arith.muli %mul3A_235, %add3A_158 : i32
        %add3A_237 = arith.constant 0 : i32
        %add3A_238 = arith.addi %mul3A_236, %add3A_237 : i32
        %add3A_239 = arith.addi %mul3A_2, %add3A_238 : i32
        %mul3A_240 = arith.constant 128 : i32
        %mul3A_241 = arith.muli %add3A_239, %mul3A_240 : i32
        %dma_wait3A_242 = arith.constant 0 : i32
        %dma_wait3A_243 = tpu.memref_slice %arg6[%mul3A_241, %dma_wait3A_242] : memref<524288x128xf32, #tpu.memory_space<hbm>> -> memref<128x128xf32, #tpu.memory_space<hbm>>
        %dma_wait3A_244 = arith.constant 0 : i32
        %dma_wait3A_245 = tpu.memref_slice %arg6[%mul3A_241, %dma_wait3A_244] : memref<524288x128xf32, #tpu.memory_space<hbm>> -> memref<128x128xf32, #tpu.memory_space<hbm>>
        tpu.wait_dma2 semaphore(%arg20 : memref<!tpu.dma_semaphore, #tpu.memory_space<semaphore_mem>>) src(%arg12 : memref<128x128xf32, #tpu.memory_space<vmem>>) dst(%dma_wait3A_245 : memref<128x128xf32, #tpu.memory_space<hbm>>)
        %add3A_246 = arith.constant 4 : i32
        %add3A_247 = arith.addi %add3A_238, %add3A_246 : i32
        %dma_start3A_248 = arith.constant 0 : i32
        %dma_start3A_249 = arith.constant 0 : i32
        %dma_start3A_250 = tpu.memref_slice %arg8[%add3A_247, %dma_start3A_248, %dma_start3A_249] : memref<128x1x128xi32, #tpu.memory_space<vmem>> -> memref<1x1x128xi32, #tpu.memory_space<vmem>>
        %dma_start3A_251 = tpu.memref_squeeze %dma_start3A_250 : memref<1x1x128xi32, #tpu.memory_space<vmem>> -> memref<128xi32, #tpu.memory_space<vmem>>
        %dma_start3A_252 = arith.constant 0 : i32
        %dma_start3A_253 = arith.constant 0 : i32
        %dma_start3A_254 = tpu.memref_slice %arg7[%dma_start3A_252, %dma_start3A_253] : memref<48x128xf32, #tpu.memory_space<vmem_shared>> -> memref<48x128xf32, #tpu.memory_space<vmem_shared>>
        tpu.enqueue_indirect_dma source(%dma_start3A_254 : memref<48x128xf32, #tpu.memory_space<vmem_shared>>) target(%arg12 : memref<128x128xf32, #tpu.memory_space<vmem>>) offsets(%dma_start3A_251 : memref<128xi32, #tpu.memory_space<vmem>>) semaphore(%arg16 : memref<!tpu.dma_semaphore, #tpu.memory_space<semaphore_mem>>)
        %mul3A_255 = arith.constant 4 : i32
        %mul3A_256 = arith.muli %mul3A_255, %add3A_158 : i32
        %add3A_257 = arith.constant 1 : i32
        %add3A_258 = arith.addi %mul3A_256, %add3A_257 : i32
        %add3A_259 = arith.addi %mul3A_2, %add3A_258 : i32
        %mul3A_260 = arith.constant 128 : i32
        %mul3A_261 = arith.muli %add3A_259, %mul3A_260 : i32
        %dma_wait3A_262 = arith.constant 0 : i32
        %dma_wait3A_263 = tpu.memref_slice %arg6[%mul3A_261, %dma_wait3A_262] : memref<524288x128xf32, #tpu.memory_space<hbm>> -> memref<128x128xf32, #tpu.memory_space<hbm>>
        %dma_wait3A_264 = arith.constant 0 : i32
        %dma_wait3A_265 = tpu.memref_slice %arg6[%mul3A_261, %dma_wait3A_264] : memref<524288x128xf32, #tpu.memory_space<hbm>> -> memref<128x128xf32, #tpu.memory_space<hbm>>
        tpu.wait_dma2 semaphore(%arg21 : memref<!tpu.dma_semaphore, #tpu.memory_space<semaphore_mem>>) src(%arg13 : memref<128x128xf32, #tpu.memory_space<vmem>>) dst(%dma_wait3A_265 : memref<128x128xf32, #tpu.memory_space<hbm>>)
        %add3A_266 = arith.constant 4 : i32
        %add3A_267 = arith.addi %add3A_258, %add3A_266 : i32
        %dma_start3A_268 = arith.constant 0 : i32
        %dma_start3A_269 = arith.constant 0 : i32
        %dma_start3A_270 = tpu.memref_slice %arg8[%add3A_267, %dma_start3A_268, %dma_start3A_269] : memref<128x1x128xi32, #tpu.memory_space<vmem>> -> memref<1x1x128xi32, #tpu.memory_space<vmem>>
        %dma_start3A_271 = tpu.memref_squeeze %dma_start3A_270 : memref<1x1x128xi32, #tpu.memory_space<vmem>> -> memref<128xi32, #tpu.memory_space<vmem>>
        %dma_start3A_272 = arith.constant 0 : i32
        %dma_start3A_273 = arith.constant 0 : i32
        %dma_start3A_274 = tpu.memref_slice %arg7[%dma_start3A_272, %dma_start3A_273] : memref<48x128xf32, #tpu.memory_space<vmem_shared>> -> memref<48x128xf32, #tpu.memory_space<vmem_shared>>
        tpu.enqueue_indirect_dma source(%dma_start3A_274 : memref<48x128xf32, #tpu.memory_space<vmem_shared>>) target(%arg13 : memref<128x128xf32, #tpu.memory_space<vmem>>) offsets(%dma_start3A_271 : memref<128xi32, #tpu.memory_space<vmem>>) semaphore(%arg17 : memref<!tpu.dma_semaphore, #tpu.memory_space<semaphore_mem>>)
        %mul3A_275 = arith.constant 4 : i32
        %mul3A_276 = arith.muli %mul3A_275, %add3A_158 : i32
        %add3A_277 = arith.constant 2 : i32
        %add3A_278 = arith.addi %mul3A_276, %add3A_277 : i32
        %add3A_279 = arith.addi %mul3A_2, %add3A_278 : i32
        %mul3A_280 = arith.constant 128 : i32
        %mul3A_281 = arith.muli %add3A_279, %mul3A_280 : i32
        %dma_wait3A_282 = arith.constant 0 : i32
        %dma_wait3A_283 = tpu.memref_slice %arg6[%mul3A_281, %dma_wait3A_282] : memref<524288x128xf32, #tpu.memory_space<hbm>> -> memref<128x128xf32, #tpu.memory_space<hbm>>
        %dma_wait3A_284 = arith.constant 0 : i32
        %dma_wait3A_285 = tpu.memref_slice %arg6[%mul3A_281, %dma_wait3A_284] : memref<524288x128xf32, #tpu.memory_space<hbm>> -> memref<128x128xf32, #tpu.memory_space<hbm>>
        tpu.wait_dma2 semaphore(%arg22 : memref<!tpu.dma_semaphore, #tpu.memory_space<semaphore_mem>>) src(%arg14 : memref<128x128xf32, #tpu.memory_space<vmem>>) dst(%dma_wait3A_285 : memref<128x128xf32, #tpu.memory_space<hbm>>)
        %add3A_286 = arith.constant 4 : i32
        %add3A_287 = arith.addi %add3A_278, %add3A_286 : i32
        %dma_start3A_288 = arith.constant 0 : i32
        %dma_start3A_289 = arith.constant 0 : i32
        %dma_start3A_290 = tpu.memref_slice %arg8[%add3A_287, %dma_start3A_288, %dma_start3A_289] : memref<128x1x128xi32, #tpu.memory_space<vmem>> -> memref<1x1x128xi32, #tpu.memory_space<vmem>>
        %dma_start3A_291 = tpu.memref_squeeze %dma_start3A_290 : memref<1x1x128xi32, #tpu.memory_space<vmem>> -> memref<128xi32, #tpu.memory_space<vmem>>
        %dma_start3A_292 = arith.constant 0 : i32
        %dma_start3A_293 = arith.constant 0 : i32
        %dma_start3A_294 = tpu.memref_slice %arg7[%dma_start3A_292, %dma_start3A_293] : memref<48x128xf32, #tpu.memory_space<vmem_shared>> -> memref<48x128xf32, #tpu.memory_space<vmem_shared>>
        tpu.enqueue_indirect_dma source(%dma_start3A_294 : memref<48x128xf32, #tpu.memory_space<vmem_shared>>) target(%arg14 : memref<128x128xf32, #tpu.memory_space<vmem>>) offsets(%dma_start3A_291 : memref<128xi32, #tpu.memory_space<vmem>>) semaphore(%arg18 : memref<!tpu.dma_semaphore, #tpu.memory_space<semaphore_mem>>)
        %mul3A_295 = arith.constant 4 : i32
        %mul3A_296 = arith.muli %mul3A_295, %add3A_158 : i32
        %add3A_297 = arith.constant 3 : i32
        %add3A_298 = arith.addi %mul3A_296, %add3A_297 : i32
        %add3A_299 = arith.addi %mul3A_2, %add3A_298 : i32
        %mul3A_300 = arith.constant 128 : i32
        %mul3A_301 = arith.muli %add3A_299, %mul3A_300 : i32
        %dma_wait3A_302 = arith.constant 0 : i32
        %dma_wait3A_303 = tpu.memref_slice %arg6[%mul3A_301, %dma_wait3A_302] : memref<524288x128xf32, #tpu.memory_space<hbm>> -> memref<128x128xf32, #tpu.memory_space<hbm>>
        %dma_wait3A_304 = arith.constant 0 : i32
        %dma_wait3A_305 = tpu.memref_slice %arg6[%mul3A_301, %dma_wait3A_304] : memref<524288x128xf32, #tpu.memory_space<hbm>> -> memref<128x128xf32, #tpu.memory_space<hbm>>
        tpu.wait_dma2 semaphore(%arg23 : memref<!tpu.dma_semaphore, #tpu.memory_space<semaphore_mem>>) src(%arg15 : memref<128x128xf32, #tpu.memory_space<vmem>>) dst(%dma_wait3A_305 : memref<128x128xf32, #tpu.memory_space<hbm>>)
        %add3A_306 = arith.constant 4 : i32
        %add3A_307 = arith.addi %add3A_298, %add3A_306 : i32
        %dma_start3A_308 = arith.constant 0 : i32
        %dma_start3A_309 = arith.constant 0 : i32
        %dma_start3A_310 = tpu.memref_slice %arg8[%add3A_307, %dma_start3A_308, %dma_start3A_309] : memref<128x1x128xi32, #tpu.memory_space<vmem>> -> memref<1x1x128xi32, #tpu.memory_space<vmem>>
        %dma_start3A_311 = tpu.memref_squeeze %dma_start3A_310 : memref<1x1x128xi32, #tpu.memory_space<vmem>> -> memref<128xi32, #tpu.memory_space<vmem>>
        %dma_start3A_312 = arith.constant 0 : i32
        %dma_start3A_313 = arith.constant 0 : i32
        %dma_start3A_314 = tpu.memref_slice %arg7[%dma_start3A_312, %dma_start3A_313] : memref<48x128xf32, #tpu.memory_space<vmem_shared>> -> memref<48x128xf32, #tpu.memory_space<vmem_shared>>
        tpu.enqueue_indirect_dma source(%dma_start3A_314 : memref<48x128xf32, #tpu.memory_space<vmem_shared>>) target(%arg15 : memref<128x128xf32, #tpu.memory_space<vmem>>) offsets(%dma_start3A_311 : memref<128xi32, #tpu.memory_space<vmem>>) semaphore(%arg19 : memref<!tpu.dma_semaphore, #tpu.memory_space<semaphore_mem>>)
      } else {
      }
    }
    %scan3A_123 = arith.constant 8 : i32
    %add3A_124 = arith.constant 124 : i32
    %add3A_125 = arith.addi %mul3A_2, %add3A_124 : i32
    %mul3A_126 = arith.constant 128 : i32
    %mul3A_127 = arith.muli %add3A_125, %mul3A_126 : i32
    %dma_wait3A_128 = arith.constant 0 : i32
    %dma_wait3A_129 = tpu.memref_slice %arg6[%mul3A_127, %dma_wait3A_128] : memref<524288x128xf32, #tpu.memory_space<hbm>> -> memref<128x128xf32, #tpu.memory_space<hbm>>
    %dma_wait3A_130 = arith.constant 0 : i32
    %dma_wait3A_131 = tpu.memref_slice %arg6[%mul3A_127, %dma_wait3A_130] : memref<524288x128xf32, #tpu.memory_space<hbm>> -> memref<128x128xf32, #tpu.memory_space<hbm>>
    tpu.wait_dma2 semaphore(%arg20 : memref<!tpu.dma_semaphore, #tpu.memory_space<semaphore_mem>>) src(%arg12 : memref<128x128xf32, #tpu.memory_space<vmem>>) dst(%dma_wait3A_131 : memref<128x128xf32, #tpu.memory_space<hbm>>)
    %add3A_132 = arith.constant 125 : i32
    %add3A_133 = arith.addi %mul3A_2, %add3A_132 : i32
    %mul3A_134 = arith.constant 128 : i32
    %mul3A_135 = arith.muli %add3A_133, %mul3A_134 : i32
    %dma_wait3A_136 = arith.constant 0 : i32
    %dma_wait3A_137 = tpu.memref_slice %arg6[%mul3A_135, %dma_wait3A_136] : memref<524288x128xf32, #tpu.memory_space<hbm>> -> memref<128x128xf32, #tpu.memory_space<hbm>>
    %dma_wait3A_138 = arith.constant 0 : i32
    %dma_wait3A_139 = tpu.memref_slice %arg6[%mul3A_135, %dma_wait3A_138] : memref<524288x128xf32, #tpu.memory_space<hbm>> -> memref<128x128xf32, #tpu.memory_space<hbm>>
    tpu.wait_dma2 semaphore(%arg21 : memref<!tpu.dma_semaphore, #tpu.memory_space<semaphore_mem>>) src(%arg13 : memref<128x128xf32, #tpu.memory_space<vmem>>) dst(%dma_wait3A_139 : memref<128x128xf32, #tpu.memory_space<hbm>>)
    %add3A_140 = arith.constant 126 : i32
    %add3A_141 = arith.addi %mul3A_2, %add3A_140 : i32
    %mul3A_142 = arith.constant 128 : i32
    %mul3A_143 = arith.muli %add3A_141, %mul3A_142 : i32
    %dma_wait3A_144 = arith.constant 0 : i32
    %dma_wait3A_145 = tpu.memref_slice %arg6[%mul3A_143, %dma_wait3A_144] : memref<524288x128xf32, #tpu.memory_space<hbm>> -> memref<128x128xf32, #tpu.memory_space<hbm>>
    %dma_wait3A_146 = arith.constant 0 : i32
    %dma_wait3A_147 = tpu.memref_slice %arg6[%mul3A_143, %dma_wait3A_146] : memref<524288x128xf32, #tpu.memory_space<hbm>> -> memref<128x128xf32, #tpu.memory_space<hbm>>
    tpu.wait_dma2 semaphore(%arg22 : memref<!tpu.dma_semaphore, #tpu.memory_space<semaphore_mem>>) src(%arg14 : memref<128x128xf32, #tpu.memory_space<vmem>>) dst(%dma_wait3A_147 : memref<128x128xf32, #tpu.memory_space<hbm>>)
    %add3A_148 = arith.constant 127 : i32
    %add3A_149 = arith.addi %mul3A_2, %add3A_148 : i32
    %mul3A_150 = arith.constant 128 : i32
    %mul3A_151 = arith.muli %add3A_149, %mul3A_150 : i32
    %dma_wait3A_152 = arith.constant 0 : i32
    %dma_wait3A_153 = tpu.memref_slice %arg6[%mul3A_151, %dma_wait3A_152] : memref<524288x128xf32, #tpu.memory_space<hbm>> -> memref<128x128xf32, #tpu.memory_space<hbm>>
    %dma_wait3A_154 = arith.constant 0 : i32
    %dma_wait3A_155 = tpu.memref_slice %arg6[%mul3A_151, %dma_wait3A_154] : memref<524288x128xf32, #tpu.memory_space<hbm>> -> memref<128x128xf32, #tpu.memory_space<hbm>>
    tpu.wait_dma2 semaphore(%arg23 : memref<!tpu.dma_semaphore, #tpu.memory_space<semaphore_mem>>) src(%arg15 : memref<128x128xf32, #tpu.memory_space<vmem>>) dst(%dma_wait3A_155 : memref<128x128xf32, #tpu.memory_space<hbm>>)
    return
  }
}

module attributes {stable_mosaic.version = 14 : i64} {
  func.func @_tab_body(%arg0: memref<5x128xf32, #tpu.memory_space<vmem>>, %arg1: memref<3x128xf32, #tpu.memory_space<vmem>>, %arg2: memref<3x128xf32, #tpu.memory_space<vmem>>, %arg3: memref<48x128xf32, #tpu.memory_space<vmem>>) attributes {dimension_semantics = [], scalar_prefetch = 0 : i64, scratch_operands = 0 : i64, tpu.core_type = #tpu.core_type<tc>} {
    %iota3A = tpu.iota {dimensions = array<i32: 0>} : vector<48x128xi32>
    %jit3A = arith.constant 5 : i32
    %eq3A = arith.constant 0 : i32
    %eq3A_0 = arith.cmpi eq, %jit3A, %eq3A : i32
    %jit3A_1 = arith.constant 1 : i32
    %select_n3A = arith.select %eq3A_0, %jit3A_1, %jit3A : i32
    %rem3A = vector.broadcast %select_n3A : i32 to vector<48x128xi32>
    %rem3A_2 = arith.remsi %iota3A, %rem3A : vector<48x128xi32>
    %ne3A = arith.constant 0 : i32
    %ne3A_3 = vector.broadcast %ne3A : i32 to vector<48x128xi32>
    %ne3A_4 = arith.cmpi ne, %rem3A_2, %ne3A_3 : vector<48x128xi32>
    %lt3A = arith.constant 0 : i32
    %lt3A_5 = vector.broadcast %lt3A : i32 to vector<48x128xi32>
    %lt3A_6 = arith.cmpi slt, %rem3A_2, %lt3A_5 : vector<48x128xi32>
    %lt3A_7 = arith.constant 0 : i32
    %lt3A_8 = arith.cmpi slt, %select_n3A, %lt3A_7 : i32
    %ne3A_9 = vector.broadcast %lt3A_8 : i1 to vector<48x128xi1>
    %ne3A_10 = vector.broadcast %ne3A_9 : vector<48x128xi1> to vector<48x128xi1>
    %ne3A_11 = arith.xori %lt3A_6, %ne3A_10 : vector<48x128xi1>
    %and3A = arith.andi %ne3A_11, %ne3A_4 : vector<48x128xi1>
    %add3A = vector.broadcast %select_n3A : i32 to vector<48x128xi32>
    %add3A_12 = arith.addi %rem3A_2, %add3A : vector<48x128xi32>
    %select_n3A_13 = arith.select %and3A, %add3A_12, %rem3A_2 : vector<48x128xi1>, vector<48x128xi32>
    %jit3A_14 = arith.constant 5 : i32
    %div3A = vector.broadcast %jit3A_14 : i32 to vector<48x128xi32>
    %div3A_15 = arith.divsi %iota3A, %div3A : vector<48x128xi32>
    %sign3A = arith.constant 0 : i32
    %sign3A_16 = vector.broadcast %sign3A : i32 to vector<48x128xi32>
    %sign3A_17 = arith.cmpi sgt, %iota3A, %sign3A_16 : vector<48x128xi32>
    %sign3A_18 = arith.extui %sign3A_17 : vector<48x128xi1> to vector<48x128xi32>
    %sign3A_19 = arith.constant 0 : i32
    %sign3A_20 = vector.broadcast %sign3A_19 : i32 to vector<48x128xi32>
    %sign3A_21 = arith.cmpi slt, %iota3A, %sign3A_20 : vector<48x128xi32>
    %sign3A_22 = arith.extui %sign3A_21 : vector<48x128xi1> to vector<48x128xi32>
    %sign3A_23 = arith.subi %sign3A_18, %sign3A_22 : vector<48x128xi32>
    %sign3A_24 = arith.constant 0 : i32
    %sign3A_25 = arith.cmpi sgt, %jit3A_14, %sign3A_24 : i32
    %sign3A_26 = arith.extui %sign3A_25 : i1 to i32
    %sign3A_27 = arith.constant 0 : i32
    %sign3A_28 = arith.cmpi slt, %jit3A_14, %sign3A_27 : i32
    %sign3A_29 = arith.extui %sign3A_28 : i1 to i32
    %sign3A_30 = arith.subi %sign3A_26, %sign3A_29 : i32
    %ne3A_31 = vector.broadcast %sign3A_30 : i32 to vector<48x128xi32>
    %ne3A_32 = arith.cmpi ne, %sign3A_23, %ne3A_31 : vector<48x128xi32>
    %rem3A_33 = vector.broadcast %jit3A_14 : i32 to vector<48x128xi32>
    %rem3A_34 = arith.remsi %iota3A, %rem3A_33 : vector<48x128xi32>
    %ne3A_35 = arith.constant 0 : i32
    %ne3A_36 = vector.broadcast %ne3A_35 : i32 to vector<48x128xi32>
    %ne3A_37 = arith.cmpi ne, %rem3A_34, %ne3A_36 : vector<48x128xi32>
    %and3A_38 = arith.andi %ne3A_32, %ne3A_37 : vector<48x128xi1>
    %sub3A = arith.constant 1 : i32
    %sub3A_39 = vector.broadcast %sub3A : i32 to vector<48x128xi32>
    %sub3A_40 = arith.subi %div3A_15, %sub3A_39 : vector<48x128xi32>
    %select_n3A_41 = arith.select %and3A_38, %sub3A_40, %div3A_15 : vector<48x128xi1>, vector<48x128xi32>
    %jit3A_42 = arith.constant 3 : i32
    %eq3A_43 = arith.constant 0 : i32
    %eq3A_44 = arith.cmpi eq, %jit3A_42, %eq3A_43 : i32
    %jit3A_45 = arith.constant 1 : i32
    %select_n3A_46 = arith.select %eq3A_44, %jit3A_45, %jit3A_42 : i32
    %rem3A_47 = vector.broadcast %select_n3A_46 : i32 to vector<48x128xi32>
    %rem3A_48 = arith.remsi %select_n3A_41, %rem3A_47 : vector<48x128xi32>
    %ne3A_49 = arith.constant 0 : i32
    %ne3A_50 = vector.broadcast %ne3A_49 : i32 to vector<48x128xi32>
    %ne3A_51 = arith.cmpi ne, %rem3A_48, %ne3A_50 : vector<48x128xi32>
    %lt3A_52 = arith.constant 0 : i32
    %lt3A_53 = vector.broadcast %lt3A_52 : i32 to vector<48x128xi32>
    %lt3A_54 = arith.cmpi slt, %rem3A_48, %lt3A_53 : vector<48x128xi32>
    %lt3A_55 = arith.constant 0 : i32
    %lt3A_56 = arith.cmpi slt, %select_n3A_46, %lt3A_55 : i32
    %ne3A_57 = vector.broadcast %lt3A_56 : i1 to vector<48x128xi1>
    %ne3A_58 = vector.broadcast %ne3A_57 : vector<48x128xi1> to vector<48x128xi1>
    %ne3A_59 = arith.xori %lt3A_54, %ne3A_58 : vector<48x128xi1>
    %and3A_60 = arith.andi %ne3A_59, %ne3A_51 : vector<48x128xi1>
    %add3A_61 = vector.broadcast %select_n3A_46 : i32 to vector<48x128xi32>
    %add3A_62 = arith.addi %rem3A_48, %add3A_61 : vector<48x128xi32>
    %select_n3A_63 = arith.select %and3A_60, %add3A_62, %rem3A_48 : vector<48x128xi1>, vector<48x128xi32>
    %jit3A_64 = arith.constant 15 : i32
    %div3A_65 = vector.broadcast %jit3A_64 : i32 to vector<48x128xi32>
    %div3A_66 = arith.divsi %iota3A, %div3A_65 : vector<48x128xi32>
    %sign3A_67 = arith.constant 0 : i32
    %sign3A_68 = vector.broadcast %sign3A_67 : i32 to vector<48x128xi32>
    %sign3A_69 = arith.cmpi sgt, %iota3A, %sign3A_68 : vector<48x128xi32>
    %sign3A_70 = arith.extui %sign3A_69 : vector<48x128xi1> to vector<48x128xi32>
    %sign3A_71 = arith.constant 0 : i32
    %sign3A_72 = vector.broadcast %sign3A_71 : i32 to vector<48x128xi32>
    %sign3A_73 = arith.cmpi slt, %iota3A, %sign3A_72 : vector<48x128xi32>
    %sign3A_74 = arith.extui %sign3A_73 : vector<48x128xi1> to vector<48x128xi32>
    %sign3A_75 = arith.subi %sign3A_70, %sign3A_74 : vector<48x128xi32>
    %sign3A_76 = arith.constant 0 : i32
    %sign3A_77 = arith.cmpi sgt, %jit3A_64, %sign3A_76 : i32
    %sign3A_78 = arith.extui %sign3A_77 : i1 to i32
    %sign3A_79 = arith.constant 0 : i32
    %sign3A_80 = arith.cmpi slt, %jit3A_64, %sign3A_79 : i32
    %sign3A_81 = arith.extui %sign3A_80 : i1 to i32
    %sign3A_82 = arith.subi %sign3A_78, %sign3A_81 : i32
    %ne3A_83 = vector.broadcast %sign3A_82 : i32 to vector<48x128xi32>
    %ne3A_84 = arith.cmpi ne, %sign3A_75, %ne3A_83 : vector<48x128xi32>
    %rem3A_85 = vector.broadcast %jit3A_64 : i32 to vector<48x128xi32>
    %rem3A_86 = arith.remsi %iota3A, %rem3A_85 : vector<48x128xi32>
    %ne3A_87 = arith.constant 0 : i32
    %ne3A_88 = vector.broadcast %ne3A_87 : i32 to vector<48x128xi32>
    %ne3A_89 = arith.cmpi ne, %rem3A_86, %ne3A_88 : vector<48x128xi32>
    %and3A_90 = arith.andi %ne3A_84, %ne3A_89 : vector<48x128xi1>
    %sub3A_91 = arith.constant 1 : i32
    %sub3A_92 = vector.broadcast %sub3A_91 : i32 to vector<48x128xi32>
    %sub3A_93 = arith.subi %div3A_66, %sub3A_92 : vector<48x128xi32>
    %select_n3A_94 = arith.select %and3A_90, %sub3A_93, %div3A_66 : vector<48x128xi1>, vector<48x128xi32>
    %broadcast_in_dim3A = arith.constant 0.000000e+00 : f32
    %broadcast_in_dim3A_95 = vector.broadcast %broadcast_in_dim3A : f32 to vector<48x128xf32>
    %eq3A_96 = arith.constant 0 : i32
    %eq3A_97 = vector.broadcast %eq3A_96 : i32 to vector<48x128xi32>
    %eq3A_98 = arith.cmpi eq, %select_n3A_13, %eq3A_97 : vector<48x128xi32>
    %get3A = arith.constant 0 : index
    %get3A_99 = arith.constant 0 : index
    %get3A_100 = vector.load %arg0[%get3A, %get3A_99] : memref<5x128xf32, #tpu.memory_space<vmem>>, vector<1x128xf32>
    %get3A_101 = vector.shape_cast %get3A_100 : vector<1x128xf32> to vector<128xf32>
    %broadcast_in_dim3A_102 = vector.shape_cast %get3A_101 : vector<128xf32> to vector<1x128xf32>
    %jit3A_103 = arith.constant 0.000000e+00 : f32
    %broadcast_in_dim3A_104 = vector.shape_cast %broadcast_in_dim3A_102 : vector<1x128xf32> to vector<1x128xf32>
    %broadcast_in_dim3A_105 = vector.broadcast %broadcast_in_dim3A_104 : vector<1x128xf32> to vector<48x128xf32>
    %broadcast_in_dim3A_106 = vector.broadcast %jit3A_103 : f32 to vector<48x128xf32>
    %select_n3A_107 = arith.select %eq3A_98, %broadcast_in_dim3A_105, %broadcast_in_dim3A_106 : vector<48x128xi1>, vector<48x128xf32>
    %add3A_108 = arith.addf %broadcast_in_dim3A_95, %select_n3A_107 : vector<48x128xf32>
    %eq3A_109 = arith.constant 1 : i32
    %eq3A_110 = vector.broadcast %eq3A_109 : i32 to vector<48x128xi32>
    %eq3A_111 = arith.cmpi eq, %select_n3A_13, %eq3A_110 : vector<48x128xi32>
    %get3A_112 = arith.constant 1 : index
    %get3A_113 = arith.constant 0 : index
    %get3A_114 = vector.load %arg0[%get3A_112, %get3A_113] : memref<5x128xf32, #tpu.memory_space<vmem>>, vector<1x128xf32>
    %get3A_115 = vector.shape_cast %get3A_114 : vector<1x128xf32> to vector<128xf32>
    %broadcast_in_dim3A_116 = vector.shape_cast %get3A_115 : vector<128xf32> to vector<1x128xf32>
    %jit3A_117 = arith.constant 0.000000e+00 : f32
    %broadcast_in_dim3A_118 = vector.shape_cast %broadcast_in_dim3A_116 : vector<1x128xf32> to vector<1x128xf32>
    %broadcast_in_dim3A_119 = vector.broadcast %broadcast_in_dim3A_118 : vector<1x128xf32> to vector<48x128xf32>
    %broadcast_in_dim3A_120 = vector.broadcast %jit3A_117 : f32 to vector<48x128xf32>
    %select_n3A_121 = arith.select %eq3A_111, %broadcast_in_dim3A_119, %broadcast_in_dim3A_120 : vector<48x128xi1>, vector<48x128xf32>
    %add3A_122 = arith.addf %add3A_108, %select_n3A_121 : vector<48x128xf32>
    %eq3A_123 = arith.constant 2 : i32
    %eq3A_124 = vector.broadcast %eq3A_123 : i32 to vector<48x128xi32>
    %eq3A_125 = arith.cmpi eq, %select_n3A_13, %eq3A_124 : vector<48x128xi32>
    %get3A_126 = arith.constant 2 : index
    %get3A_127 = arith.constant 0 : index
    %get3A_128 = vector.load %arg0[%get3A_126, %get3A_127] : memref<5x128xf32, #tpu.memory_space<vmem>>, vector<1x128xf32>
    %get3A_129 = vector.shape_cast %get3A_128 : vector<1x128xf32> to vector<128xf32>
    %broadcast_in_dim3A_130 = vector.shape_cast %get3A_129 : vector<128xf32> to vector<1x128xf32>
    %jit3A_131 = arith.constant 0.000000e+00 : f32
    %broadcast_in_dim3A_132 = vector.shape_cast %broadcast_in_dim3A_130 : vector<1x128xf32> to vector<1x128xf32>
    %broadcast_in_dim3A_133 = vector.broadcast %broadcast_in_dim3A_132 : vector<1x128xf32> to vector<48x128xf32>
    %broadcast_in_dim3A_134 = vector.broadcast %jit3A_131 : f32 to vector<48x128xf32>
    %select_n3A_135 = arith.select %eq3A_125, %broadcast_in_dim3A_133, %broadcast_in_dim3A_134 : vector<48x128xi1>, vector<48x128xf32>
    %add3A_136 = arith.addf %add3A_122, %select_n3A_135 : vector<48x128xf32>
    %eq3A_137 = arith.constant 3 : i32
    %eq3A_138 = vector.broadcast %eq3A_137 : i32 to vector<48x128xi32>
    %eq3A_139 = arith.cmpi eq, %select_n3A_13, %eq3A_138 : vector<48x128xi32>
    %get3A_140 = arith.constant 3 : index
    %get3A_141 = arith.constant 0 : index
    %get3A_142 = vector.load %arg0[%get3A_140, %get3A_141] : memref<5x128xf32, #tpu.memory_space<vmem>>, vector<1x128xf32>
    %get3A_143 = vector.shape_cast %get3A_142 : vector<1x128xf32> to vector<128xf32>
    %broadcast_in_dim3A_144 = vector.shape_cast %get3A_143 : vector<128xf32> to vector<1x128xf32>
    %jit3A_145 = arith.constant 0.000000e+00 : f32
    %broadcast_in_dim3A_146 = vector.shape_cast %broadcast_in_dim3A_144 : vector<1x128xf32> to vector<1x128xf32>
    %broadcast_in_dim3A_147 = vector.broadcast %broadcast_in_dim3A_146 : vector<1x128xf32> to vector<48x128xf32>
    %broadcast_in_dim3A_148 = vector.broadcast %jit3A_145 : f32 to vector<48x128xf32>
    %select_n3A_149 = arith.select %eq3A_139, %broadcast_in_dim3A_147, %broadcast_in_dim3A_148 : vector<48x128xi1>, vector<48x128xf32>
    %add3A_150 = arith.addf %add3A_136, %select_n3A_149 : vector<48x128xf32>
    %eq3A_151 = arith.constant 4 : i32
    %eq3A_152 = vector.broadcast %eq3A_151 : i32 to vector<48x128xi32>
    %eq3A_153 = arith.cmpi eq, %select_n3A_13, %eq3A_152 : vector<48x128xi32>
    %get3A_154 = arith.constant 4 : index
    %get3A_155 = arith.constant 0 : index
    %get3A_156 = vector.load %arg0[%get3A_154, %get3A_155] : memref<5x128xf32, #tpu.memory_space<vmem>>, vector<1x128xf32>
    %get3A_157 = vector.shape_cast %get3A_156 : vector<1x128xf32> to vector<128xf32>
    %broadcast_in_dim3A_158 = vector.shape_cast %get3A_157 : vector<128xf32> to vector<1x128xf32>
    %jit3A_159 = arith.constant 0.000000e+00 : f32
    %broadcast_in_dim3A_160 = vector.shape_cast %broadcast_in_dim3A_158 : vector<1x128xf32> to vector<1x128xf32>
    %broadcast_in_dim3A_161 = vector.broadcast %broadcast_in_dim3A_160 : vector<1x128xf32> to vector<48x128xf32>
    %broadcast_in_dim3A_162 = vector.broadcast %jit3A_159 : f32 to vector<48x128xf32>
    %select_n3A_163 = arith.select %eq3A_153, %broadcast_in_dim3A_161, %broadcast_in_dim3A_162 : vector<48x128xi1>, vector<48x128xf32>
    %add3A_164 = arith.addf %add3A_150, %select_n3A_163 : vector<48x128xf32>
    %eq3A_165 = arith.constant 0 : i32
    %eq3A_166 = vector.broadcast %eq3A_165 : i32 to vector<48x128xi32>
    %eq3A_167 = arith.cmpi eq, %select_n3A_63, %eq3A_166 : vector<48x128xi32>
    %get3A_168 = arith.constant 0 : index
    %get3A_169 = arith.constant 0 : index
    %get3A_170 = vector.load %arg1[%get3A_168, %get3A_169] : memref<3x128xf32, #tpu.memory_space<vmem>>, vector<1x128xf32>
    %get3A_171 = vector.shape_cast %get3A_170 : vector<1x128xf32> to vector<128xf32>
    %broadcast_in_dim3A_172 = vector.shape_cast %get3A_171 : vector<128xf32> to vector<1x128xf32>
    %jit3A_173 = arith.constant 0.000000e+00 : f32
    %broadcast_in_dim3A_174 = vector.shape_cast %broadcast_in_dim3A_172 : vector<1x128xf32> to vector<1x128xf32>
    %broadcast_in_dim3A_175 = vector.broadcast %broadcast_in_dim3A_174 : vector<1x128xf32> to vector<48x128xf32>
    %broadcast_in_dim3A_176 = vector.broadcast %jit3A_173 : f32 to vector<48x128xf32>
    %select_n3A_177 = arith.select %eq3A_167, %broadcast_in_dim3A_175, %broadcast_in_dim3A_176 : vector<48x128xi1>, vector<48x128xf32>
    %add3A_178 = arith.addf %add3A_164, %select_n3A_177 : vector<48x128xf32>
    %eq3A_179 = arith.constant 1 : i32
    %eq3A_180 = vector.broadcast %eq3A_179 : i32 to vector<48x128xi32>
    %eq3A_181 = arith.cmpi eq, %select_n3A_63, %eq3A_180 : vector<48x128xi32>
    %get3A_182 = arith.constant 1 : index
    %get3A_183 = arith.constant 0 : index
    %get3A_184 = vector.load %arg1[%get3A_182, %get3A_183] : memref<3x128xf32, #tpu.memory_space<vmem>>, vector<1x128xf32>
    %get3A_185 = vector.shape_cast %get3A_184 : vector<1x128xf32> to vector<128xf32>
    %broadcast_in_dim3A_186 = vector.shape_cast %get3A_185 : vector<128xf32> to vector<1x128xf32>
    %jit3A_187 = arith.constant 0.000000e+00 : f32
    %broadcast_in_dim3A_188 = vector.shape_cast %broadcast_in_dim3A_186 : vector<1x128xf32> to vector<1x128xf32>
    %broadcast_in_dim3A_189 = vector.broadcast %broadcast_in_dim3A_188 : vector<1x128xf32> to vector<48x128xf32>
    %broadcast_in_dim3A_190 = vector.broadcast %jit3A_187 : f32 to vector<48x128xf32>
    %select_n3A_191 = arith.select %eq3A_181, %broadcast_in_dim3A_189, %broadcast_in_dim3A_190 : vector<48x128xi1>, vector<48x128xf32>
    %add3A_192 = arith.addf %add3A_178, %select_n3A_191 : vector<48x128xf32>
    %eq3A_193 = arith.constant 2 : i32
    %eq3A_194 = vector.broadcast %eq3A_193 : i32 to vector<48x128xi32>
    %eq3A_195 = arith.cmpi eq, %select_n3A_63, %eq3A_194 : vector<48x128xi32>
    %get3A_196 = arith.constant 2 : index
    %get3A_197 = arith.constant 0 : index
    %get3A_198 = vector.load %arg1[%get3A_196, %get3A_197] : memref<3x128xf32, #tpu.memory_space<vmem>>, vector<1x128xf32>
    %get3A_199 = vector.shape_cast %get3A_198 : vector<1x128xf32> to vector<128xf32>
    %broadcast_in_dim3A_200 = vector.shape_cast %get3A_199 : vector<128xf32> to vector<1x128xf32>
    %jit3A_201 = arith.constant 0.000000e+00 : f32
    %broadcast_in_dim3A_202 = vector.shape_cast %broadcast_in_dim3A_200 : vector<1x128xf32> to vector<1x128xf32>
    %broadcast_in_dim3A_203 = vector.broadcast %broadcast_in_dim3A_202 : vector<1x128xf32> to vector<48x128xf32>
    %broadcast_in_dim3A_204 = vector.broadcast %jit3A_201 : f32 to vector<48x128xf32>
    %select_n3A_205 = arith.select %eq3A_195, %broadcast_in_dim3A_203, %broadcast_in_dim3A_204 : vector<48x128xi1>, vector<48x128xf32>
    %add3A_206 = arith.addf %add3A_192, %select_n3A_205 : vector<48x128xf32>
    %eq3A_207 = arith.constant 0 : i32
    %eq3A_208 = vector.broadcast %eq3A_207 : i32 to vector<48x128xi32>
    %eq3A_209 = arith.cmpi eq, %select_n3A_94, %eq3A_208 : vector<48x128xi32>
    %get3A_210 = arith.constant 0 : index
    %get3A_211 = arith.constant 0 : index
    %get3A_212 = vector.load %arg2[%get3A_210, %get3A_211] : memref<3x128xf32, #tpu.memory_space<vmem>>, vector<1x128xf32>
    %get3A_213 = vector.shape_cast %get3A_212 : vector<1x128xf32> to vector<128xf32>
    %broadcast_in_dim3A_214 = vector.shape_cast %get3A_213 : vector<128xf32> to vector<1x128xf32>
    %jit3A_215 = arith.constant 0.000000e+00 : f32
    %broadcast_in_dim3A_216 = vector.shape_cast %broadcast_in_dim3A_214 : vector<1x128xf32> to vector<1x128xf32>
    %broadcast_in_dim3A_217 = vector.broadcast %broadcast_in_dim3A_216 : vector<1x128xf32> to vector<48x128xf32>
    %broadcast_in_dim3A_218 = vector.broadcast %jit3A_215 : f32 to vector<48x128xf32>
    %select_n3A_219 = arith.select %eq3A_209, %broadcast_in_dim3A_217, %broadcast_in_dim3A_218 : vector<48x128xi1>, vector<48x128xf32>
    %add3A_220 = arith.addf %add3A_206, %select_n3A_219 : vector<48x128xf32>
    %eq3A_221 = arith.constant 1 : i32
    %eq3A_222 = vector.broadcast %eq3A_221 : i32 to vector<48x128xi32>
    %eq3A_223 = arith.cmpi eq, %select_n3A_94, %eq3A_222 : vector<48x128xi32>
    %get3A_224 = arith.constant 1 : index
    %get3A_225 = arith.constant 0 : index
    %get3A_226 = vector.load %arg2[%get3A_224, %get3A_225] : memref<3x128xf32, #tpu.memory_space<vmem>>, vector<1x128xf32>
    %get3A_227 = vector.shape_cast %get3A_226 : vector<1x128xf32> to vector<128xf32>
    %broadcast_in_dim3A_228 = vector.shape_cast %get3A_227 : vector<128xf32> to vector<1x128xf32>
    %jit3A_229 = arith.constant 0.000000e+00 : f32
    %broadcast_in_dim3A_230 = vector.shape_cast %broadcast_in_dim3A_228 : vector<1x128xf32> to vector<1x128xf32>
    %broadcast_in_dim3A_231 = vector.broadcast %broadcast_in_dim3A_230 : vector<1x128xf32> to vector<48x128xf32>
    %broadcast_in_dim3A_232 = vector.broadcast %jit3A_229 : f32 to vector<48x128xf32>
    %select_n3A_233 = arith.select %eq3A_223, %broadcast_in_dim3A_231, %broadcast_in_dim3A_232 : vector<48x128xi1>, vector<48x128xf32>
    %add3A_234 = arith.addf %add3A_220, %select_n3A_233 : vector<48x128xf32>
    %eq3A_235 = arith.constant 2 : i32
    %eq3A_236 = vector.broadcast %eq3A_235 : i32 to vector<48x128xi32>
    %eq3A_237 = arith.cmpi eq, %select_n3A_94, %eq3A_236 : vector<48x128xi32>
    %get3A_238 = arith.constant 2 : index
    %get3A_239 = arith.constant 0 : index
    %get3A_240 = vector.load %arg2[%get3A_238, %get3A_239] : memref<3x128xf32, #tpu.memory_space<vmem>>, vector<1x128xf32>
    %get3A_241 = vector.shape_cast %get3A_240 : vector<1x128xf32> to vector<128xf32>
    %broadcast_in_dim3A_242 = vector.shape_cast %get3A_241 : vector<128xf32> to vector<1x128xf32>
    %jit3A_243 = arith.constant 0.000000e+00 : f32
    %broadcast_in_dim3A_244 = vector.shape_cast %broadcast_in_dim3A_242 : vector<1x128xf32> to vector<1x128xf32>
    %broadcast_in_dim3A_245 = vector.broadcast %broadcast_in_dim3A_244 : vector<1x128xf32> to vector<48x128xf32>
    %broadcast_in_dim3A_246 = vector.broadcast %jit3A_243 : f32 to vector<48x128xf32>
    %select_n3A_247 = arith.select %eq3A_237, %broadcast_in_dim3A_245, %broadcast_in_dim3A_246 : vector<48x128xi1>, vector<48x128xf32>
    %add3A_248 = arith.addf %add3A_234, %select_n3A_247 : vector<48x128xf32>
    %swap3A = arith.constant 0 : index
    %swap3A_249 = arith.constant 0 : index
    %swap3A_250 = vector.load %arg3[%swap3A, %swap3A_249] : memref<48x128xf32, #tpu.memory_space<vmem>>, vector<48x128xf32>
    tpu.vector_store %arg3[%swap3A, %swap3A_249], %add3A_248 {strides = array<i32>} : memref<48x128xf32, #tpu.memory_space<vmem>>, vector<48x128xf32>,
    return
  }
}

module attributes {stable_mosaic.version = 14 : i64} {
  func.func @_tc_body(%arg0: i32, %arg1: memref<16x128xi32, #tpu.memory_space<vmem>>, %arg2: memref<16x128xi32, #tpu.memory_space<vmem>>, %arg3: memref<16x128xi32, #tpu.memory_space<vmem>>, %arg4: memref<48x128xf32, #tpu.memory_space<vmem>>, %arg5: memref<16x128x128xf32, #tpu.memory_space<vmem>>) attributes {dimension_semantics = [#tpu.dimension_semantics<arbitrary>], iteration_bounds = array<i64: 144>, scalar_prefetch = 0 : i64, scratch_operands = 0 : i64, tpu.core_type = #tpu.core_type<tc>, window_params = [{transform_indices = @transform_0, window_bounds = array<i64: 16, 128>}, {transform_indices = @transform_1, window_bounds = array<i64: 16, 128>}, {transform_indices = @transform_2, window_bounds = array<i64: 16, 128>}, {pipeline_mode = #tpu.pipeline_mode<synchronous>, transform_indices = @transform_3, window_bounds = array<i64: 48, 128>}, {transform_indices = @transform_4, window_bounds = array<i64: 16, 128, 128>}]} {
    %get3A = arith.constant 0 : index
    %get3A_0 = arith.constant 0 : index
    %get3A_1 = vector.load %arg1[%get3A, %get3A_0] : memref<16x128xi32, #tpu.memory_space<vmem>>, vector<16x128xi32>
    %get3A_2 = arith.constant 0 : index
    %get3A_3 = arith.constant 0 : index
    %get3A_4 = vector.load %arg2[%get3A_2, %get3A_3] : memref<16x128xi32, #tpu.memory_space<vmem>>, vector<16x128xi32>
    %mul3A = arith.constant 5 : i32
    %mul3A_5 = vector.broadcast %mul3A : i32 to vector<16x128xi32>
    %mul3A_6 = arith.muli %get3A_4, %mul3A_5 : vector<16x128xi32>
    %add3A = arith.addi %get3A_1, %mul3A_6 : vector<16x128xi32>
    %get3A_7 = arith.constant 0 : index
    %get3A_8 = arith.constant 0 : index
    %get3A_9 = vector.load %arg3[%get3A_7, %get3A_8] : memref<16x128xi32, #tpu.memory_space<vmem>>, vector<16x128xi32>
    %mul3A_10 = arith.constant 15 : i32
    %mul3A_11 = vector.broadcast %mul3A_10 : i32 to vector<16x128xi32>
    %mul3A_12 = arith.muli %get3A_9, %mul3A_11 : vector<16x128xi32>
    %add3A_13 = arith.addi %add3A, %mul3A_12 : vector<16x128xi32>
    %iota3A = tpu.iota {dimensions = array<i32: 1>} : vector<1x48x1xi32>
    %broadcast_in_dim3A = vector.shape_cast %add3A_13 : vector<16x128xi32> to vector<16x1x128xi32>
    %eq3A = vector.broadcast %broadcast_in_dim3A : vector<16x1x128xi32> to vector<16x48x128xi32>
    %eq3A_14 = vector.broadcast %iota3A : vector<1x48x1xi32> to vector<16x48x128xi32>
    %eq3A_15 = arith.cmpi eq, %eq3A, %eq3A_14 : vector<16x48x128xi32>
    %convert_element_type3A = arith.extui %eq3A_15 : vector<16x48x128xi1> to vector<16x48x128xi32>
    %convert_element_type3A_16 = arith.sitofp %convert_element_type3A : vector<16x48x128xi32> to vector<16x48x128xf32>
    %get3A_17 = arith.constant 0 : index
    %get3A_18 = arith.constant 0 : index
    %get3A_19 = vector.load %arg4[%get3A_17, %get3A_18] : memref<48x128xf32, #tpu.memory_space<vmem>>, vector<48x128xf32>
    %broadcast_in_dim3A_20 = vector.shape_cast %get3A_19 : vector<48x128xf32> to vector<1x48x128xf32>
    %broadcast_in_dim3A_21 = vector.shape_cast %broadcast_in_dim3A_20 : vector<1x48x128xf32> to vector<1x48x128xf32>
    %broadcast_in_dim3A_22 = vector.broadcast %broadcast_in_dim3A_21 : vector<1x48x128xf32> to vector<16x48x128xf32>
    %dot_general3A = arith.constant dense<0.000000e+00> : vector<16x128x128xf32>
    %dot_general3A_23 = tpu.matmul %convert_element_type3A_16, %broadcast_in_dim3A_22, %dot_general3A {dimension_numbers = #tpu.dot_dimension_numbers<[1], [1], [2], [2], [0, 0, 0, 2, 1, 2], [0], [0]>, transpose_lhs_hint = false} : vector<16x48x128xf32>, vector<16x48x128xf32>, vector<16x128x128xf32> -> vector<16x128x128xf32>
    %swap3A = arith.constant 0 : index
    %swap3A_24 = arith.constant 0 : index
    %swap3A_25 = arith.constant 0 : index
    %swap3A_26 = vector.load %arg5[%swap3A, %swap3A_24, %swap3A_25] : memref<16x128x128xf32, #tpu.memory_space<vmem>>, vector<16x128x128xf32>
    tpu.vector_store %arg5[%swap3A, %swap3A_24, %swap3A_25], %dot_general3A_23 {strides = array<i32>} : memref<16x128x128xf32, #tpu.memory_space<vmem>>, vector<16x128x128xf32>,
    return
  }
  func.func @transform_0(%arg0: i32) -> (i32, i32) {
    %c0_i32 = arith.constant 0 : i32
    %c0_i32_0 = arith.constant 0 : i32
    return %arg0, %c0_i32 : i32, i32
  }
  func.func @transform_1(%arg0: i32) -> (i32, i32) {
    %c0_i32 = arith.constant 0 : i32
    %c0_i32_0 = arith.constant 0 : i32
    return %arg0, %c0_i32 : i32, i32
  }
  func.func @transform_2(%arg0: i32) -> (i32, i32) {
    %c0_i32 = arith.constant 0 : i32
    %c0_i32_0 = arith.constant 0 : i32
    return %arg0, %c0_i32 : i32, i32
  }
  func.func @transform_3(%arg0: i32) -> (i32, i32) {
    %c0_i32 = arith.constant 0 : i32
    %c0_i32_0 = arith.constant 0 : i32
    %c0_i32_1 = arith.constant 0 : i32
    return %c0_i32, %c0_i32_0 : i32, i32
  }
  func.func @transform_4(%arg0: i32) -> (i32, i32, i32) {
    %c0_i32 = arith.constant 0 : i32
    %c0_i32_0 = arith.constant 0 : i32
    %c0_i32_1 = arith.constant 0 : i32
    return %arg0, %c0_i32, %c0_i32_0 : i32, i32, i32
  }
}

</mosaic_0001>

<sc_bundles>
// kernel: kernel.5.cloned.1.call-start
scs
__scs_entry_jumppad:
0x0: {  	(pc) =	sbr.rel $0x88, $3  }
0x1: {  	(tag) =	ssettag $0x0;
	lr =	simm.s32 $0x1  }
0x2: {  	[smem:$0x3F9B] =	sst lr;
	_ =	strace $0xD0000000  }
0x3: {  	_ = 	snop  }
0x4: {  	_ = 	snop  }
0x5: {  	_ = 	snop  }
0x6: {  	_ = 	snop  }
0x7: {  	_ = 	snop  }
__scs_overlays_trampoline_lowered:
0x8: {  	[smem:$0x3FAA] =	sst s0  }
0x9: {  	[smem:$0x3FAB] =	sst s1  }
0xa: {  	[smem:$0x3FAC] =	sst s2  }
0xb: {  	[smem:$0x3FAD] =	sst s3  }
0xc: {  	[smem:$0x3FAE] =	sst s4  }
0xd: {  	[smem:$0x3FAF] =	sst s5  }
0xe: {  	[smem:$0x3FB0] =	sst s6  }
0xf: {  	[smem:$0x3FB1] =	sst s7  }
0x10: {  	[smem:$0x3FB2] =	sst s8  }
0x11: {  	[smem:$0x3FB3] =	sst s9;
	s0 =	simm.s32 @!p0 $0x0  }
0x12: {  	s1 =	sld [smem:$0x3F99];
	s0 =	simm.s32 @p0 $0x1  }
0x13: {  	[smem:$0x3FB4] =	sst s0;
	s0 =	simm.s32 @!p1 $0x0  }
0x14: {  	s2 =	sld [smem:$0x3F98];
	s0 =	simm.s32 @p1 $0x1  }
0x15: {  	[smem:$0x3FB5] =	sst s0;
	s0 =	simm.s32 @!p2 $0x0  }
0x16: {  	s3 =	sld [smem:$0x3FDB];
	s0 =	simm.s32 @p2 $0x1  }
0x17: {  	s4 =	simm.s32 $0x1BF5;
	[smem:$0x3FB7] =	sst s0  }
0x18: {  	s0 =	sld [smem:$0x3F9A];
	_ =	swait.ge [sflag:s4], $0x0  }
0x19: {  	s7 =	sld [smem:$0x3F9B]  }
0x1a: {  	s8 =	sadd.s32 $0xFFFFE003, lr  }
0x1b: {  	s9 =	sadd.s32 $0xFFFFFEF7, lr;
	s5 =	simm.s32 $0xFFFFFFFF;
	p2 =	slt.u32 s8, $0xFFFFF086  }
0x1c: {  	p1 =	slt.u32 s9, $0xF7A;
	s5 =	simm.s32 @!p2 $0x0  }
0x1d: {  	s5 =	simm.s32 @p1 $0x1;
	p0 =	seq.s32 s7, s2  }
0x1e: {  	s7 =	smul.u32 @!p0 $0xF7A, s2;
	p2 =	seq.s32 @!p0 s5, $0x0  }
0x1f: {  	s9 =	smul.u32 $0xF7A, s1;
	s8 =	simm.s32 @!p0 $0x1BF5;
	p2 =	por !p2, p0  }
0x20: {  	[sflag:s8] =	ssyncset.s32 @!p0 $0xFFFFF086;
	s6 =	sadd.s32 @!p0 s3, s7;
	s7 =	simm.s32 @!p0 $0x108  }
0x21: {  	s3 =	sadd.s32 s3, s9;
	s6 =	sadd.s32 @!p0 $0x88, s6;
	s7 =	simm.s32 @p2 $0x1082  }
0x22: {  	[simem:s7], [sflag:s8] =	dma.local @!p0 [hbm:s6], $0xF7A  }
0x23: {  	s9 =	sor.u32 $0xD0000000, s2;
	s6 =	simm.s32 $0x108;
	_ =	swait.ge @!p0 [sflag:s8], $0x0  }
0x24: {  	s3 =	sadd.s32 $0x88, s3;
	s6 =	simm.s32 @!p1 $0x1082;
	[sflag:s4] =	ssyncset.s32 $0xFFFFF086  }
0x25: {  	[simem:s6], [sflag:s4] =	dma.local [hbm:s3], $0xF7A  }
0x26: {  	[smem:$0x3F9B] =	sst s1;
	(tag) =	ssettag s2;
	_ =	strace s9  }
0x27: {  	s1 =	sld [smem:$0x3FAB]  }
0x28: {  	s2 =	sld [smem:$0x3FAC]  }
0x29: {  	s4 =	sld [smem:$0x3FAE]  }
0x2a: {  	p0 =	seq.s32 s5, $0x0;
	s5 =	sld [smem:$0x3FAF]  }
0x2b: {  	s6 =	sld [smem:$0x3FB0]  }
0x2c: {  	s7 =	sld [smem:$0x3FB1]  }
0x2d: {  	s3 =	simm.s32 $0x108;
	s8 =	sld [smem:$0x3FB2]  }
0x2e: {  	s3 =	simm.s32 @!p0 $0x1082;
	s9 =	sld [smem:$0x3FB3]  }
0x2f: {  	lr =	sadd.s32 s0, s3;
	s0 =	sld [smem:$0x3FAA]  }
0x30: {  	s3 =	sld [smem:$0x3FAD]  }
0x31: {  	[smem:$0x3FB6] =	sst s10  }
0x32: {  	s10 =	sld [smem:$0x3FB4];
	_ =	sdelay $0x3  }
0x33: {  	p0 =	seq.s32 s10, $0x1;
	s10 =	sld [smem:$0x3FB6];
	_ =	sdelay $0x3  }
0x34: {  	[smem:$0x3FB6] =	sst s10  }
0x35: {  	s10 =	sld [smem:$0x3FB5];
	_ =	sdelay $0x3  }
0x36: {  	p1 =	seq.s32 s10, $0x1;
	s10 =	sld [smem:$0x3FB6];
	_ =	sdelay $0x3  }
0x37: {  	[smem:$0x3FB6] =	sst s10  }
0x38: {  	s10 =	sld [smem:$0x3FB7]  }
0x39: {  	_ = 	snop;
	(pc) =	sbr.ind lr, $3  }
0x3a: {  	_ = 	snop  }
0x3b: {  	_ = 	snop  }
0x3c: {  	p2 =	seq.s32 s10, $0x1;
	s10 =	sld [smem:$0x3FB6]  }
0x3d: {  	_ =	shalt  }
0x3e: {  	_ =	shalt  }
0x3f: {  	_ =	shalt  }
0x40: {  	_ =	shalt  }
0x41: {  	_ =	shalt  }
0x42: {  	_ =	shalt  }
0x43: {  	_ =	shalt  }
0x44: {  	_ =	shalt  }
0x45: {  	_ =	shalt  }
0x46: {  	_ =	shalt  }
0x47: {  	_ =	shalt  }
0x48: {  	_ =	shalt  }
0x49: {  	_ =	shalt  }
0x4a: {  	_ =	shalt  }
0x4b: {  	_ =	shalt  }
0x4c: {  	_ =	shalt  }
0x4d: {  	_ =	shalt  }
0x4e: {  	_ =	shalt  }
0x4f: {  	_ =	shalt  }
0x50: {  	_ =	shalt  }
0x51: {  	_ =	shalt  }
0x52: {  	_ =	shalt  }
0x53: {  	_ =	shalt  }
0x54: {  	_ =	shalt  }
0x55: {  	_ =	shalt  }
0x56: {  	_ =	shalt  }
0x57: {  	_ =	shalt  }
0x58: {  	_ =	shalt  }
0x59: {  	_ =	shalt  }
0x5a: {  	_ =	shalt  }
0x5b: {  	_ =	shalt  }
0x5c: {  	_ =	shalt  }
0x5d: {  	_ =	shalt  }
0x5e: {  	_ =	shalt  }
0x5f: {  	_ =	shalt  }
0x60: {  	_ =	shalt  }
0x61: {  	_ =	shalt  }
0x62: {  	_ =	shalt  }
0x63: {  	_ =	shalt  }
0x64: {  	_ =	shalt  }
0x65: {  	_ =	shalt  }
0x66: {  	_ =	shalt  }
0x67: {  	_ =	shalt  }
0x68: {  	_ =	shalt  }
0x69: {  	_ =	shalt  }
0x6a: {  	_ =	shalt  }
0x6b: {  	_ =	shalt  }
0x6c: {  	_ =	shalt  }
0x6d: {  	_ =	shalt  }
0x6e: {  	_ =	shalt  }
0x6f: {  	_ =	shalt  }
0x70: {  	_ =	shalt  }
0x71: {  	_ =	shalt  }
0x72: {  	_ =	shalt  }
0x73: {  	_ =	shalt  }
0x74: {  	_ =	shalt  }
0x75: {  	_ =	shalt  }
0x76: {  	_ =	shalt  }
0x77: {  	_ =	shalt  }
0x78: {  	_ =	shalt  }
0x79: {  	_ =	shalt  }
0x7a: {  	_ =	shalt  }
0x7b: {  	_ =	shalt  }
0x7c: {  	_ =	shalt  }
0x7d: {  	_ =	shalt  }
0x7e: {  	_ =	shalt  }
0x7f: {  	_ =	shalt  }
0x80: {  	_ =	shalt  }
0x81: {  	_ =	shalt  }
0x82: {  	_ =	shalt  }
0x83: {  	_ =	shalt  }
0x84: {  	_ =	shalt  }
0x85: {  	_ =	shalt  }
0x86: {  	_ =	shalt  }
0x87: {  	_ =	shalt  }
.Lfunc_end0:
.L_simem_size_0:
called_computation_lowered:
.L_overlay_start_0:
0x88: {  	s2 =	sld [smem:$0x3FD9]  }
0x89: {  	s3 =	sld [smem:$0x3FFE];
	_ =	sdelay $0x1  }
0x8a: {  	s1 =	srdreg.scid  }
0x8b: {  	s0 =	sand.u32 $0x1, s1  }
0x8c: {  	s16 =	sshll.u32 s0, $0xA;
	s2 =	sadd.s32 s3, s2  }
0x8d: {  	s2 =	sadd.s32 s2, s16  }
0x8e: {  	[smem:$0x3FC2] =	sst s2  }
0x8f: {  	_ = 	snop  }
0x90: {  	(tm) =	ssettm $0x1  }
0x91: {  	s17 =	sld [smem:$0x3FFB];
	_ =	sdelay $0x3  }
0x92: {  	_ =	strace s17  }
0x93: {  	s2 =	sld [smem:$0x3FFC];
	_ =	sdelay $0x3  }
0x94: {  	_ =	strace s2  }
0x95: {  	s2 =	sld [smem:$0x3FFD];
	_ =	sdelay $0x3  }
0x96: {  	_ =	strace s2  }
0x97: {  	_ =	strace $0x8FFFFFFF  }
0x98: {  	s18 =	sld [smem:$0x3FDB];
	_ =	sdelay $0x1  }
0x99: {  	s19 =	simm.s32 $_scs_section_size  }
0x9a: {  	s4 =	simm.s32 $_size__tile_overlayer_lowered;
	s5 =	simm.s32 $_tile_overlayer_lowered  }
0x9b: {  	s22 =	simm.s32 $0x1BFF;
	s21 =	sshll.u32 s5, $0x1;
	s2 =	sadd.s32 s19, s18  }
0x9c: {  	s6 =	simm.s32 $0x0;
	s20 =	sshll.u32 s4, $0x1;
	s4 =	sadd.s32 s21, s2  }
0x9d: {  	[timem:s6], [sflag:s22] =	dma.local [hbm:s4], s20  }
0x9e: {  	_ =	swait.ge [sflag:s22], s20  }
0x9f: {  	s3 =	ssub.s32 $0x0, s20;
	[sflag:s22] =	ssyncset.done $0x0  }
0xa0: {  	[sflag:s22] =	ssyncadd.s32 s3;
	_ =	sdelay $0x1  }
0xa1: {  	s23 =	simm.s32 $0x1B8B  }
0xa2: {  	_ =	swait.ge [sflag:s23], $0x1  }
0xa3: {  	[sflag:s23] =	ssyncset.done $0x0  }
0xa4: {  	s25 =	simm.s32 $0x1B8E;
	s24 =	sld [smem:$0x3FFE];
	[sflag:s23] =	ssyncadd.s32 $0xFFFFFFFF  }
0xa5: {  	s26 =	simm.s32 $execute0_lowered;
	[smem:$0x3FD2] =	sst s25  }
0xa6: {  	s4 =	sshll.u32 s26, $0x1;
	_ =	strace $0x80000046;
	[dreg:$0x1] =	wrdreg $0xFFFFFFFF  }
0xa7: {  	s28 =	simm.s32 $_size_execute0_lowered;
	s2 =	sadd.s32 s2, s4;
	[dreg:$0x0] =	wrdreg $0x0  }
0xa8: {  	s4 =	sshll.u32 s28, $0x1;
	[dreg:$0x2] =	wrdreg s2  }
0xa9: {  	[dreg:$0x3] =	wrdreg s4  }
0xaa: {  	[dreg:$0x4] =	wrdreg $0xC0  }
0xab: {  	_ =	task [dreg:s6], $0x5FFFF  }
0xac: {  	[dreg:$0x1] =	wrdreg $0xFFFFFFFF  }
0xad: {  	[dreg:$0x0] =	wrdreg $0x60  }
0xae: {  	[dreg:$0x2] =	wrdreg s24  }
0xaf: {  	[dreg:$0x3] =	wrdreg $0x0  }
0xb0: {  	[dreg:$0x4] =	wrdreg $0x9  }
0xb1: {  	_ =	task.clear_ibuf [dreg:s6], $0x5FFFF;
	_ =	strace $0x90000046  }
0xb2: {  	s29 =	simm.s32 $0x9;
	_ =	strace $0x80000048  }
0xb3: {  	_ =	swait.ge [sflag:s29], $0x1  }
0xb4: {  	[sflag:s29] =	ssyncadd.s32 $0xFFFFFFFF  }
0xb5: {  	_ =	strace $0x90000048  }
0xb6: {  	_ =	sfence  }
0xb7: {  	s30 =	sld [smem:$0x0];
	_ =	sdelay $0x2  }
0xb8: {  	s31 =	sshll.u32 s1, $0xD;
	s1 =	sshrl.u32 s1, $0x2  }
0xb9: {  	s3 =	sand.u32 $0x4000, s31;
	s1 =	sadd.s32 s1, s30  }
0xba: {  	s0 =	sor.u32 s3, s0;
	s1 =	sshll.u32 s1, $0x11  }
0xbb: {  	s0 =	sor.u32 s1, s0  }
0xbc: {  	s0 =	sadd.s32 $0x8F2B, s0  }
0xbd: {  	[sflag:s0] =	ssyncadd.remote.s32 $0x1  }
0xbe: {  	_ =	sfence.sel $0xFFFF  }
0xbf: {  	[dreg:$0x0] =	wrdreg $0xFFFFFFFF;
	(pc) =	sbr.abs _section_cstart, $3  }
0xc0: {  	[dreg:$0x1] =	wrdreg $0xFFFFFFFF  }
0xc1: {  	_ =	task.clear_ibuf [dreg:s6], $0x2FFFF;
	_ =	strace $0x9FFFFFFF  }
0xc2: {  	(tm) =	ssettm $0x7FFFFFFF  }
0xc3: {  	_ =	shalt  }
tec
execute0_lowered:
.L_overlay_start_1:
0x0: {  	(tag) =	ssettag $0x1  }
0x1: {  	s0 =	rddreg [dreg:$0x0]  }
0x2: {  	s1 =	rddreg [dreg:$0x1];
	s2 =	simm.s32 $0x0;
	s3 =	srdreg.scid  }
0x3: {  	s6 =	stileid.u32;
	s29 =	simm.s32 $0x80;
	s31 =	simm.s32 $0x7180  }
0x4: {  	s30 =	simm.s32 $0xB180;
	[smem:$0x7FF] =	sst s2;
	s4 =	sadd.s32 $0x63800, s0  }
0x5: {  	s3 =	sand.u32 $0x1, s3;
	s7 =	sadd.s32 $0x1800, s0;
	s26 =	sshll.u32 s6, $0x8  }
0x6: {  	s8 =	sadd.s32 $0x2A800, s0;
	s10 =	sadd.s32 $0x53800, s0;
	p0 =	sne.s32 s6, $0x0  }
0x7: {  	_ =	strace $0x80000047;
	[dreg:$0x3] =	wrdreg s4;
	s5 =	sshll.u32 s3, $0x7  }
0x8: {  	s9 =	ssub.s32 $0x2, s3;
	s3 =	sshll.u32 s3, $0x12;
	s4 =	sor.u32 s5, s26  }
0x9: {  	s11 =	sshrl.u32 s9, $0x1;
	s5 =	sadd.s32 $0x63C00, s0;
	s12 =	sshll.u32 s4, $0x4  }
0xa: {  	s28 =	ssub.s32 s9, s11;
	s22 =	sshll.u32 s4, $0xB;
	s11 =	sadd.s32 s7, s12  }
0xb: {  	s13 =	sadd.s32 s8, s12;
	s14 =	sadd.s32 s10, s12;
	[dreg:$0x4] =	wrdreg s11  }
0xc: {  	s15 =	sor.u32 $0x200, s12;
	s18 =	sor.u32 $0x400, s12;
	[dreg:$0x5] =	wrdreg s13  }
0xd: {  	s21 =	sor.u32 $0x600, s12;
	s0 =	smax.u32 s28, $0x1;
	[dreg:$0x6] =	wrdreg s14  }
0xe: {  	s23 =	sadd.s32 s22, s5;
	s16 =	sadd.s32 s7, s15;
	[dreg:$0xd] =	wrdreg s0  }
0xf: {  	s28 =	sshll.u32 s6, $0x13;
	s17 =	sadd.s32 s8, s15;
	[dreg:$0x7] =	wrdreg s16  }
0x10: {  	s6 =	simm.s32 $0x1;
	s9 =	sadd.s32 s10, s15;
	[dreg:$0x8] =	wrdreg s17  }
0x11: {  	s12 =	simm.s32 $0x0;
	s19 =	sadd.s32 s8, s18;
	[dreg:$0x9] =	wrdreg s9  }
0x12: {  	s14 =	sadd.s32 s7, s18;
	s20 =	sadd.s32 s10, s18;
	[dreg:$0xb] =	wrdreg s19  }
0x13: {  	s15 =	sadd.s32 s7, s21;
	s24 =	sadd.s32 $0x3E000, s23;
	[dreg:$0xc] =	wrdreg s20  }
0x14: {  	s25 =	sadd.s32 $0x3E800, s23;
	s26 =	sadd.s32 $0x3F000, s23;
	[dreg:$0xe] =	wrdreg s24  }
0x15: {  	s7 =	sadd.s32 $0x3F800, s23;
	s0 =	sadd.s32 s28, s5;
	[dreg:$0xf] =	wrdreg s25  }
0x16: {  	s18 =	simm.s32 $0x4180;
	s16 =	sadd.s32 s8, s21;
	[dreg:$0x10] =	wrdreg s26  }
0x17: {  	s17 =	sadd.s32 s10, s21;
	[dreg:$0x11] =	wrdreg s7;
	s23 =	sadd.s32 s3, s0  }
0x18: {  	s20 =	simm.s32 $0x5180;
	s21 =	simm.s32 $0x6180;
	s0 =	simm.s32 $0xF180  }
0x19: {  	s3 =	simm.s32 $0x13180;
	s7 =	simm.s32 $0x2;
	s8 =	simm.s32 $0x3  }
0x1a: {  	s24 =	simm.s32 $0x4;
	s25 =	simm.s32 $0x5;
	s9 =	simm.s32 $0x6  }
0x1b: {  	s26 =	simm.s32 $0x7;
	s10 =	simm.s32 $0x8;
	[dreg:$0xa] =	wrdreg s14  }
.LBB2_1:
0x1c: {  	[dreg:$0x12] =	wrdreg s12  }
0x1d: {  	s11 =	sshrl.u32 @!p0 s1, $0x3;
	s12 =	simm.s32 @!p0 $0x1C0A;
	s13 =	rddreg [dreg:$0x3]  }
0x1e: {  	[spmem:s11], [sflag:s12] =	dma.local @!p0 [hbm:s13], $0x300  }
0x1f: {  	s11 =	simm.s32 @!p0 $0xA  }
0x20: {  	_ =	swait.ge @!p0 [sflag:s11], $0x300  }
0x21: {  	[sflag:s11] =	ssyncset.done @!p0 $0x0  }
0x22: {  	[sflag:s11] =	ssyncadd.s32 @!p0 $0xFFFFFD00  }
0x23: {  	[bflag:$0x0] =	sbarrier.arrive $0xFFFF  }
0x24: {  	s13 =	rddreg [dreg:$0x4]  }
0x25: {  	[tilespmem:s18], [sflag:$0x9] =	stream.linear.gather [hbm4b:s13+s2], $0x1000, $0x38;
	[tilespmem:$0x17180] =	vst v63  }
0x26: {  	s19 =	rddreg [dreg:$0x5]  }
0x27: {  	[tilespmem:s20], [sflag:$0x9] =	stream.linear.gather [hbm4b:s19+s2], $0x1000, $0x38;
	[tilespmem:$0x17180] =	vst v63  }
0x28: {  	s28 =	simm.s32 $0x9;
	s22 =	rddreg [dreg:$0x6]  }
0x29: {  	[tilespmem:s21], [sflag:$0x9] =	stream.linear.gather [hbm4b:s22+s2], $0x1000, $0x38;
	[tilespmem:$0x17180] =	vst v63  }
0x2a: {  	_ =	swait.ge [sflag:s28], $0x1000  }
0x2b: {  	[sflag:s28] =	ssyncset.done $0x0  }
0x2c: {  	[sflag:s28] =	ssyncadd.s32 $0xFFFFF000  }
0x2d: {  	_ =	swait.ge [sflag:s28], $0x1000  }
0x2e: {  	[sflag:s28] =	ssyncset.done $0x0  }
0x2f: {  	[sflag:s28] =	ssyncadd.s32 $0xFFFFF000  }
0x30: {  	_ =	swait.ge [sflag:s28], $0x1000  }
0x31: {  	[sflag:s28] =	ssyncset.done $0x0  }
0x32: {  	s11 =	simm.s32 $0x0;
	[sflag:s28] =	ssyncadd.s32 $0xFFFFF000  }
0x33: {  	v0 =	vld [tilespmem:s11+$0x51F0]  }
0x34: {  	v1 =	vld [tilespmem:s11+$0x61F0]  }
0x35: {  	v2 =	vld [tilespmem:s11+$0x41F0]  }
0x36: {  	v3 =	vld [tilespmem:s11+$0x5180]  }
0x37: {  	v4 =	vld [tilespmem:s11+$0x5190]  }
0x38: {  	v5 =	vld [tilespmem:s11+$0x51A0]  }
0x39: {  	v6 =	vld [tilespmem:s11+$0x51B0]  }
0x3a: {  	v7 =	vld [tilespmem:s11+$0x51C0]  }
0x3b: {  	v8 =	vld [tilespmem:s11+$0x51D0]  }
0x3c: {  	v9 =	vld [tilespmem:s11+$0x51E0]  }
0x3d: {  	v10 =	vld [tilespmem:s11+$0x6180]  }
0x3e: {  	v11 =	vld [tilespmem:s11+$0x6190]  }
0x3f: {  	v13 =	vld [tilespmem:s11+$0x61A0]  }
0x40: {  	v17 =	vld [tilespmem:s11+$0x61C0]  }
0x41: {  	v18 =	vld [tilespmem:s11+$0x61D0]  }
0x42: {  	v19 =	vld [tilespmem:s11+$0x61E0]  }
0x43: {  	v23 =	vld [tilespmem:s11+$0x4190]  }
0x44: {  	v20 =	vld [tilespmem:s11+$0x4180];
	v0 =	vmul.u32 $0x5, v0;
	v1 =	vmul.u32 $0xF, v1;
	v21 =	vmul.u32 $0x5, v3  }
0x45: {  	v16 =	vld [tilespmem:s11+$0x61B0];
	v22 =	vmul.u32 $0x5, v4;
	v4 =	vmul.u32 $0x5, v5;
	v3 =	vmul.u32 $0x5, v6  }
0x46: {  	v15 =	vld [tilespmem:s11+$0x41A0];
	v24 =	vmul.u32 $0xF, v10;
	v14 =	vmul.u32 $0xF, v11;
	v6 =	vmul.u32 $0xF, v18  }
0x47: {  	v12 =	vld [tilespmem:s11+$0x41B0];
	v5 =	vmul.u32 $0xF, v19;
	v0 =	vadd.s32 v2, v0;
	v2 =	vmul.u32 $0x5, v7  }
0x48: {  	v11 =	vld [tilespmem:s11+$0x41C0];
	v7 =	vmul.u32 $0xF, v17;
	v17 =	vadd.s32 v23, v22;
	v0 =	vadd.s32 v1, v0  }
0x49: {  	v10 =	vld [tilespmem:s11+$0x41D0];
	[tilespmem:s11+$0x1F0] =	vst v0;
	v0 =	vmul.u32 $0x5, v9;
	v9 =	vmul.u32 $0xF, v13;
	v13 =	vadd.s32 v20, v21  }
0x4a: {  	s12 =	simm.s32 $0x80;
	s13 =	simm.s32 $0x400;
	v1 =	vmul.u32 $0x5, v8;
	v8 =	vmul.u32 $0xF, v16;
	v16 =	vadd.s32 v24, v13;
	v13 =	vld [tilespmem:s11+$0x41E0]  }
.LBB2_2:
0x4b: {  	p1 =	sne.s32 s13, $0x3E00;
	v18 =	vld [tilespmem:s12+$0x51F0];
	[tilespmem:s11+$0x180] =	vst v16;
	v14 =	vadd.s32 v14, v17;
	v4 =	vadd.s32 v15, v4  }
0x4c: {  	v15 =	vld [tilespmem:s12+$0x61F0];
	[tilespmem:s11+$0x190] =	vst v14;
	v4 =	vadd.s32 v9, v4;
	v3 =	vadd.s32 v12, v3  }
0x4d: {  	v9 =	vld [tilespmem:s12+$0x41F0];
	[tilespmem:s11+$0x1A0] =	vst v4;
	v3 =	vadd.s32 v8, v3;
	v2 =	vadd.s32 v11, v2  }
0x4e: {  	v4 =	vld [tilespmem:s12+$0x5180];
	[tilespmem:s11+$0x1B0] =	vst v3;
	v2 =	vadd.s32 v7, v2;
	v1 =	vadd.s32 v10, v1  }
0x4f: {  	v3 =	vld [tilespmem:s12+$0x5190];
	[tilespmem:s11+$0x1C0] =	vst v2;
	v1 =	vadd.s32 v6, v1;
	v0 =	vadd.s32 v13, v0  }
0x50: {  	v2 =	vld [tilespmem:s12+$0x51A0];
	v6 =	vmul.u32 $0x5, v18;
	[tilespmem:s11+$0x1D0] =	vst v1;
	v0 =	vadd.s32 v5, v0  }
0x51: {  	v1 =	vld [tilespmem:s12+$0x51B0];
	v5 =	vmul.u32 $0xF, v15;
	[tilespmem:s11+$0x1E0] =	vst v0;
	s11 =	smov.u32 s12  }
0x52: {  	v0 =	vld [tilespmem:s11+$0x51C0];
	v6 =	vadd.s32 v9, v6  }
0x53: {  	v10 =	vmul.u32 $0x5, v4;
	v7 =	vld [tilespmem:s11+$0x51D0];
	v4 =	vadd.s32 v5, v6  }
0x54: {  	v13 =	vmul.u32 $0x5, v3;
	v5 =	vld [tilespmem:s11+$0x51E0];
	[tilespmem:s11+$0x1F0] =	vst v4  }
0x55: {  	v6 =	vld [tilespmem:s11+$0x6180];
	v4 =	vmul.u32 $0x5, v2  }
0x56: {  	v8 =	vld [tilespmem:s11+$0x6190];
	v3 =	vmul.u32 $0x5, v1  }
0x57: {  	v9 =	vld [tilespmem:s11+$0x61A0];
	v2 =	vmul.u32 $0x5, v0  }
0x58: {  	v11 =	vld [tilespmem:s11+$0x61B0];
	v1 =	vmul.u32 $0x5, v7  }
0x59: {  	v7 =	vld [tilespmem:s11+$0x61C0];
	v0 =	vmul.u32 $0x5, v5  }
0x5a: {  	v16 =	vmul.u32 $0xF, v6;
	v5 =	vld [tilespmem:s11+$0x61D0]  }
0x5b: {  	v14 =	vmul.u32 $0xF, v8;
	v17 =	vld [tilespmem:s11+$0x61E0]  }
0x5c: {  	v18 =	vld [tilespmem:s11+$0x4180];
	v9 =	vmul.u32 $0xF, v9  }
0x5d: {  	v19 =	vld [tilespmem:s11+$0x4190];
	v8 =	vmul.u32 $0xF, v11  }
.Ltmp0:
0x5e: {  	v15 =	vld [tilespmem:s11+$0x41A0];
	v7 =	vmul.u32 $0xF, v7;
	(pc) =	sbr.rel @p1 .LBB2_2-.Ltmp0, $4  }
0x5f: {  	v12 =	vld [tilespmem:s11+$0x41B0];
	v6 =	vmul.u32 $0xF, v5  }
0x60: {  	v11 =	vld [tilespmem:s11+$0x41C0];
	v5 =	vmul.u32 $0xF, v17  }
0x61: {  	v17 =	vadd.s32 v18, v10;
	v10 =	vld [tilespmem:s11+$0x41D0]  }
0x62: {  	s12 =	sshra.s32 s13, $0x2;
	s13 =	sadd.s32 $0x200, s13;
	v16 =	vadd.s32 v16, v17;
	v17 =	vadd.s32 v19, v13;
	v13 =	vld [tilespmem:s11+$0x41E0]  }
0x63: {  	v18 =	vld [tilespmem:s12+$0x51F0];
	[tilespmem:s11+$0x180] =	vst v16;
	v14 =	vadd.s32 v14, v17;
	v4 =	vadd.s32 v15, v4  }
0x64: {  	v16 =	vld [tilespmem:s12+$0x61F0];
	[tilespmem:s11+$0x190] =	vst v14;
	v4 =	vadd.s32 v9, v4;
	v3 =	vadd.s32 v12, v3  }
0x65: {  	v33 =	vld [tilespmem:s12+$0x41F0];
	[tilespmem:s11+$0x1A0] =	vst v4;
	v3 =	vadd.s32 v8, v3;
	v2 =	vadd.s32 v11, v2  }
0x66: {  	v4 =	vld [tilespmem:s12+$0x5180];
	[tilespmem:s11+$0x1B0] =	vst v3;
	v2 =	vadd.s32 v7, v2;
	v1 =	vadd.s32 v10, v1  }
0x67: {  	v3 =	vld [tilespmem:s12+$0x5190];
	[tilespmem:s11+$0x1C0] =	vst v2;
	v1 =	vadd.s32 v6, v1;
	v0 =	vadd.s32 v13, v0  }
0x68: {  	v2 =	vld [tilespmem:s12+$0x51A0];
	[tilespmem:s11+$0x1D0] =	vst v1;
	v0 =	vadd.s32 v5, v0  }
0x69: {  	v1 =	vld [tilespmem:s12+$0x51B0];
	[tilespmem:s11+$0x1E0] =	vst v0  }
0x6a: {  	v36 =	vld [tilespmem:s12+$0x51C0]  }
0x6b: {  	v37 =	vld [tilespmem:s12+$0x51D0]  }
0x6c: {  	v38 =	vld [tilespmem:s12+$0x51E0]  }
0x6d: {  	v39 =	vld [tilespmem:s12+$0x6180]  }
0x6e: {  	v40 =	vld [tilespmem:s12+$0x6190]  }
0x6f: {  	v41 =	vld [tilespmem:s12+$0x61A0]  }
0x70: {  	v42 =	vld [tilespmem:s12+$0x61B0]  }
0x71: {  	v43 =	vld [tilespmem:s12+$0x61C0]  }
0x72: {  	v44 =	vld [tilespmem:s12+$0x61D0]  }
0x73: {  	v34 =	vmul.u32 $0x5, v18;
	v45 =	vld [tilespmem:s12+$0x61E0]  }
0x74: {  	v35 =	vmul.u32 $0xF, v16;
	v14 =	vld [tilespmem:s12+$0x4180]  }
0x75: {  	v5 =	vadd.s32 v33, v34;
	v46 =	vld [tilespmem:s12+$0x4190]  }
0x76: {  	v47 =	vld [tilespmem:s12+$0x41A0];
	v0 =	vadd.s32 v35, v5;
	v4 =	vmul.u32 $0x5, v4  }
0x77: {  	v48 =	vld [tilespmem:s12+$0x41B0];
	v3 =	vmul.u32 $0x5, v3;
	v2 =	vmul.u32 $0x5, v2;
	v1 =	vmul.u32 $0x5, v1  }
0x78: {  	v49 =	vld [tilespmem:s12+$0x41C0];
	[tilespmem:s12+$0x1F0] =	vst v0;
	v6 =	vmul.u32 $0x5, v36;
	v7 =	vmul.u32 $0x5, v37;
	v0 =	vmul.u32 $0xF, v39  }
0x79: {  	v50 =	vld [tilespmem:s12+$0x41D0];
	v5 =	vmul.u32 $0x5, v38;
	v8 =	vmul.u32 $0xF, v40;
	v4 =	vadd.s32 v14, v4  }
0x7a: {  	v51 =	vld [tilespmem:s12+$0x41E0];
	v9 =	vmul.u32 $0xF, v41;
	v3 =	vadd.s32 v46, v3;
	v0 =	vadd.s32 v0, v4  }
0x7b: {  	v10 =	vmul.u32 $0xF, v42;
	v2 =	vadd.s32 v47, v2;
	v52 =	vadd.s32 v8, v3;
	[tilespmem:s12+$0x180] =	vst v0  }
0x7c: {  	v53 =	vmul.u32 $0xF, v43;
	v1 =	vadd.s32 v48, v1;
	v54 =	vadd.s32 v9, v2;
	[tilespmem:s12+$0x190] =	vst v52  }
0x7d: {  	v55 =	vmul.u32 $0xF, v44;
	v56 =	vadd.s32 v10, v1;
	v57 =	vadd.s32 v49, v6;
	[tilespmem:s12+$0x1A0] =	vst v54  }
0x7e: {  	v58 =	vmul.u32 $0xF, v45;
	v60 =	vadd.s32 v50, v7;
	[tilespmem:s12+$0x1B0] =	vst v56;
	v59 =	vadd.s32 v53, v57  }
0x7f: {  	v62 =	vadd.s32 v51, v5;
	v61 =	vadd.s32 v55, v60;
	[tilespmem:s12+$0x1C0] =	vst v59  }
0x80: {  	v63 =	vadd.s32 v58, v62;
	[tilespmem:s12+$0x1D0] =	vst v61  }
0x81: {  	s19 =	simm.s32 $0x0;
	s22 =	rddreg [dreg:$0x7];
	[tilespmem:s12+$0x1E0] =	vst v63  }
0x82: {  	[tilespmem:s18], [sflag:$0x9] =	stream.linear.gather [hbm4b:s22+s19], $0x1000, $0x38;
	[tilespmem:$0x17180] =	vst v63  }
0x83: {  	s12 =	rddreg [dreg:$0x8]  }
0x84: {  	[tilespmem:s20], [sflag:$0x9] =	stream.linear.gather [hbm4b:s12+s19], $0x1000, $0x38;
	[tilespmem:$0x17180] =	vst v63  }
0x85: {  	s13 =	rddreg [dreg:$0x9]  }
0x86: {  	[tilespmem:s21], [sflag:$0x9] =	stream.linear.gather [hbm4b:s13+s19], $0x1000, $0x38;
	[tilespmem:$0x17180] =	vst v63  }
0x87: {  	s18 =	simm.s32 $0x180  }
0x88: {  	[tilespmem:s31], [sflag:$0x1] =	stream.indirect.gather [spmem:s1], $0x80, s18, s29, $0xb8;
	[tilespmem:$0x17180] =	vst v63  }
0x89: {  	s20 =	simm.s32 $0x200  }
0x8a: {  	[tilespmem:s30], [sflag:$0x2] =	stream.indirect.gather [spmem:s1], $0x80, s20, s29, $0xb8;
	[tilespmem:$0x17180] =	vst v63  }
0x8b: {  	s21 =	simm.s32 $0x280  }
0x8c: {  	[tilespmem:s0], [sflag:$0x3] =	stream.indirect.gather [spmem:s1], $0x80, s21, s29, $0xb8;
	[tilespmem:$0x17180] =	vst v63  }
0x8d: {  	s28 =	simm.s32 $0x41C0;
	s22 =	simm.s32 $0x300  }
0x8e: {  	[tilespmem:s3], [sflag:$0x4] =	stream.indirect.gather [spmem:s1], $0x80, s22, s29, $0xb8;
	[tilespmem:$0x17180] =	vst v63  }
0x8f: {  	s20 =	simm.s32 $0x11F0;
	s21 =	simm.s32 $0x51C0;
	s22 =	simm.s32 $0x61F0  }
.LBB2_4:
0x90: {  	p1 =	sne.s32 s19, $0x0  }
0x91: {  	s11 =	simm.s32 @!p1 $0x9  }
0x92: {  	_ =	swait.ge @!p1 [sflag:s11], $0x1000  }
0x93: {  	[sflag:s11] =	ssyncset.done @!p1 $0x0  }
0x94: {  	[sflag:s11] =	ssyncadd.s32 @!p1 $0xFFFFF000  }
0x95: {  	_ =	swait.ge @!p1 [sflag:s11], $0x1000  }
0x96: {  	v0 =	vmov s21;
	[sflag:s11] =	ssyncset.done @!p1 $0x0  }
0x97: {  	v1 =	vmov s22;
	[sflag:s11] =	ssyncadd.s32 @!p1 $0xFFFFF000  }
0x98: {  	v2 =	vmov s28;
	_ =	swait.ge @!p1 [sflag:s11], $0x1000  }
0x99: {  	[sflag:s11] =	ssyncset.done @!p1 $0x0  }
0x9a: {  	[sflag:s11] =	ssyncadd.s32 @!p1 $0xFFFFF000;
	s11 =	simm.s32 $0x0  }
0x9b: {  	v4 =	vld.idx.msk [tilespmem:v0+s11+$0xFFFFFFC0 ss:$0x1], $0xffff  }
0x9c: {  	v5 =	vld.idx.msk [tilespmem:v1+s11+$0xFFFFFF90 ss:$0x1], $0xffff  }
0x9d: {  	v6 =	vld.idx.msk [tilespmem:v2+s11+$0xFFFFFFC0 ss:$0x1], $0xffff;
	_ =	sdelay $0x1  }
0x9e: {  	v3 =	vmov s20  }
0x9f: {  	v4 =	vmul.u32 $0x5, v4  }
0xa0: {  	v5 =	vmul.u32 $0xF, v5  }
0xa1: {  	v4 =	vadd.s32 v6, v4  }
0xa2: {  	v4 =	vadd.s32 v5, v4  }
0xa3: {  	[tilespmem:v3+s11+$0xFFFFFF90 ss:$0x1] =	vst.idx.msk $0xffff, v4  }
0xa4: {  	v4 =	vld.idx.msk [tilespmem:v0+s11+$0xFFFFFFD0 ss:$0x1], $0xffff  }
0xa5: {  	v5 =	vld.idx.msk [tilespmem:v1+s11+$0xFFFFFFA0 ss:$0x1], $0xffff  }
0xa6: {  	v6 =	vld.idx.msk [tilespmem:v2+s11+$0xFFFFFFD0 ss:$0x1], $0xffff;
	_ =	sdelay $0x2  }
0xa7: {  	v4 =	vmul.u32 $0x5, v4  }
0xa8: {  	v5 =	vmul.u32 $0xF, v5  }
0xa9: {  	v4 =	vadd.s32 v6, v4  }
0xaa: {  	v4 =	vadd.s32 v5, v4  }
0xab: {  	[tilespmem:v3+s11+$0xFFFFFFA0 ss:$0x1] =	vst.idx.msk $0xffff, v4  }
0xac: {  	v4 =	vld.idx.msk [tilespmem:v0+s11+$0xFFFFFFE0 ss:$0x1], $0xffff  }
0xad: {  	v5 =	vld.idx.msk [tilespmem:v1+s11+$0xFFFFFFB0 ss:$0x1], $0xffff  }
0xae: {  	v6 =	vld.idx.msk [tilespmem:v2+s11+$0xFFFFFFE0 ss:$0x1], $0xffff;
	_ =	sdelay $0x2  }
0xaf: {  	v4 =	vmul.u32 $0x5, v4  }
0xb0: {  	v5 =	vmul.u32 $0xF, v5  }
0xb1: {  	v4 =	vadd.s32 v6, v4  }
0xb2: {  	v4 =	vadd.s32 v5, v4  }
0xb3: {  	[tilespmem:v3+s11+$0xFFFFFFB0 ss:$0x1] =	vst.idx.msk $0xffff, v4  }
0xb4: {  	v4 =	vld.idx.msk [tilespmem:v0+s11+$0xFFFFFFF0 ss:$0x1], $0xffff  }
0xb5: {  	v5 =	vld.idx.msk [tilespmem:v1+s11+$0xFFFFFFC0 ss:$0x1], $0xffff  }
0xb6: {  	v6 =	vld.idx.msk [tilespmem:v2+s11+$0xFFFFFFF0 ss:$0x1], $0xffff;
	_ =	sdelay $0x2  }
0xb7: {  	v4 =	vmul.u32 $0x5, v4  }
0xb8: {  	v5 =	vmul.u32 $0xF, v5  }
0xb9: {  	v4 =	vadd.s32 v6, v4  }
0xba: {  	v4 =	vadd.s32 v5, v4  }
0xbb: {  	[tilespmem:v3+s11+$0xFFFFFFC0 ss:$0x1] =	vst.idx.msk $0xffff, v4  }
0xbc: {  	v4 =	vld.idx.msk [tilespmem:v0+s11+$0x0 ss:$0x1], $0xffff  }
0xbd: {  	v5 =	vld.idx.msk [tilespmem:v1+s11+$0xFFFFFFD0 ss:$0x1], $0xffff  }
0xbe: {  	v6 =	vld.idx.msk [tilespmem:v2+s11+$0x0 ss:$0x1], $0xffff;
	_ =	sdelay $0x2  }
0xbf: {  	v4 =	vmul.u32 $0x5, v4  }
0xc0: {  	v5 =	vmul.u32 $0xF, v5  }
0xc1: {  	v4 =	vadd.s32 v6, v4  }
0xc2: {  	v4 =	vadd.s32 v5, v4  }
0xc3: {  	[tilespmem:v3+s11+$0xFFFFFFD0 ss:$0x1] =	vst.idx.msk $0xffff, v4  }
0xc4: {  	v4 =	vld.idx.msk [tilespmem:v0+s11+$0x10 ss:$0x1], $0xffff  }
0xc5: {  	v5 =	vld.idx.msk [tilespmem:v1+s11+$0xFFFFFFE0 ss:$0x1], $0xffff  }
0xc6: {  	v6 =	vld.idx.msk [tilespmem:v2+s11+$0x10 ss:$0x1], $0xffff;
	_ =	sdelay $0x2  }
0xc7: {  	v4 =	vmul.u32 $0x5, v4  }
0xc8: {  	v5 =	vmul.u32 $0xF, v5  }
0xc9: {  	v4 =	vadd.s32 v6, v4  }
0xca: {  	v4 =	vadd.s32 v5, v4  }
0xcb: {  	[tilespmem:v3+s11+$0xFFFFFFE0 ss:$0x1] =	vst.idx.msk $0xffff, v4  }
0xcc: {  	v4 =	vld.idx.msk [tilespmem:v0+s11+$0x20 ss:$0x1], $0xffff  }
0xcd: {  	v5 =	vld.idx.msk [tilespmem:v1+s11+$0xFFFFFFF0 ss:$0x1], $0xffff  }
0xce: {  	v6 =	vld.idx.msk [tilespmem:v2+s11+$0x20 ss:$0x1], $0xffff;
	_ =	sdelay $0x2  }
0xcf: {  	v4 =	vmul.u32 $0x5, v4  }
0xd0: {  	v5 =	vmul.u32 $0xF, v5  }
0xd1: {  	v4 =	vadd.s32 v6, v4  }
0xd2: {  	v4 =	vadd.s32 v5, v4  }
0xd3: {  	[tilespmem:v3+s11+$0xFFFFFFF0 ss:$0x1] =	vst.idx.msk $0xffff, v4  }
0xd4: {  	v4 =	vld.idx.msk [tilespmem:v0+s11+$0x30 ss:$0x1], $0xffff  }
0xd5: {  	v5 =	vld.idx.msk [tilespmem:v1+s11+$0x0 ss:$0x1], $0xffff  }
0xd6: {  	v6 =	vld.idx.msk [tilespmem:v2+s11+$0x30 ss:$0x1], $0xffff;
	_ =	sdelay $0x2  }
0xd7: {  	v4 =	vmul.u32 $0x5, v4  }
0xd8: {  	v5 =	vmul.u32 $0xF, v5  }
0xd9: {  	v4 =	vadd.s32 v6, v4  }
0xda: {  	s12 =	simm.s32 $0x200;
	s13 =	simm.s32 $0x400;
	v4 =	vadd.s32 v5, v4  }
.LBB2_5:
0xdb: {  	p1 =	sne.s32 s13, $0x600  }
0xdc: {  	[tilespmem:v3+s11+$0x0 ss:$0x1] =	vst.idx.msk $0xffff, v4;
	s11 =	sshra.s32 s12, $0x2;
	s12 =	smov.u32 s13;
	s13 =	sadd.s32 $0x200, s13  }
0xdd: {  	v4 =	vld.idx.msk [tilespmem:v0+s11+$0xFFFFFFC0 ss:$0x1], $0xffff  }
0xde: {  	v5 =	vld.idx.msk [tilespmem:v1+s11+$0xFFFFFF90 ss:$0x1], $0xffff  }
0xdf: {  	v6 =	vld.idx.msk [tilespmem:v2+s11+$0xFFFFFFC0 ss:$0x1], $0xffff;
	_ =	sdelay $0x3  }
0xe0: {  	v4 =	vmul.u32 $0x5, v4  }
0xe1: {  	v5 =	vmul.u32 $0xF, v5  }
0xe2: {  	v4 =	vadd.s32 v6, v4  }
0xe3: {  	v4 =	vadd.s32 v5, v4  }
0xe4: {  	[tilespmem:v3+s11+$0xFFFFFF90 ss:$0x1] =	vst.idx.msk $0xffff, v4  }
0xe5: {  	v4 =	vld.idx.msk [tilespmem:v0+s11+$0xFFFFFFD0 ss:$0x1], $0xffff  }
0xe6: {  	v5 =	vld.idx.msk [tilespmem:v1+s11+$0xFFFFFFA0 ss:$0x1], $0xffff  }
0xe7: {  	v6 =	vld.idx.msk [tilespmem:v2+s11+$0xFFFFFFD0 ss:$0x1], $0xffff;
	_ =	sdelay $0x3  }
0xe8: {  	v4 =	vmul.u32 $0x5, v4  }
0xe9: {  	v5 =	vmul.u32 $0xF, v5  }
0xea: {  	v4 =	vadd.s32 v6, v4  }
0xeb: {  	v4 =	vadd.s32 v5, v4  }
0xec: {  	[tilespmem:v3+s11+$0xFFFFFFA0 ss:$0x1] =	vst.idx.msk $0xffff, v4  }
0xed: {  	v4 =	vld.idx.msk [tilespmem:v0+s11+$0xFFFFFFE0 ss:$0x1], $0xffff  }
0xee: {  	v5 =	vld.idx.msk [tilespmem:v1+s11+$0xFFFFFFB0 ss:$0x1], $0xffff  }
0xef: {  	v6 =	vld.idx.msk [tilespmem:v2+s11+$0xFFFFFFE0 ss:$0x1], $0xffff;
	_ =	sdelay $0x3  }
0xf0: {  	v4 =	vmul.u32 $0x5, v4  }
0xf1: {  	v5 =	vmul.u32 $0xF, v5  }
0xf2: {  	v4 =	vadd.s32 v6, v4  }
0xf3: {  	v4 =	vadd.s32 v5, v4  }
0xf4: {  	[tilespmem:v3+s11+$0xFFFFFFB0 ss:$0x1] =	vst.idx.msk $0xffff, v4  }
0xf5: {  	v4 =	vld.idx.msk [tilespmem:v0+s11+$0xFFFFFFF0 ss:$0x1], $0xffff  }
0xf6: {  	v5 =	vld.idx.msk [tilespmem:v1+s11+$0xFFFFFFC0 ss:$0x1], $0xffff  }
0xf7: {  	v6 =	vld.idx.msk [tilespmem:v2+s11+$0xFFFFFFF0 ss:$0x1], $0xffff;
	_ =	sdelay $0x3  }
0xf8: {  	v4 =	vmul.u32 $0x5, v4  }
0xf9: {  	v5 =	vmul.u32 $0xF, v5  }
0xfa: {  	v4 =	vadd.s32 v6, v4  }
0xfb: {  	v4 =	vadd.s32 v5, v4  }
0xfc: {  	[tilespmem:v3+s11+$0xFFFFFFC0 ss:$0x1] =	vst.idx.msk $0xffff, v4  }
0xfd: {  	v4 =	vld.idx.msk [tilespmem:v0+s11+$0x0 ss:$0x1], $0xffff  }
0xfe: {  	v5 =	vld.idx.msk [tilespmem:v1+s11+$0xFFFFFFD0 ss:$0x1], $0xffff  }
0xff: {  	v6 =	vld.idx.msk [tilespmem:v2+s11+$0x0 ss:$0x1], $0xffff;
	_ =	sdelay $0x3  }
0x100: {  	v4 =	vmul.u32 $0x5, v4  }
0x101: {  	v5 =	vmul.u32 $0xF, v5  }
0x102: {  	v4 =	vadd.s32 v6, v4  }
0x103: {  	v4 =	vadd.s32 v5, v4  }
0x104: {  	[tilespmem:v3+s11+$0xFFFFFFD0 ss:$0x1] =	vst.idx.msk $0xffff, v4  }
0x105: {  	v4 =	vld.idx.msk [tilespmem:v0+s11+$0x10 ss:$0x1], $0xffff  }
0x106: {  	v5 =	vld.idx.msk [tilespmem:v1+s11+$0xFFFFFFE0 ss:$0x1], $0xffff  }
0x107: {  	v6 =	vld.idx.msk [tilespmem:v2+s11+$0x10 ss:$0x1], $0xffff;
	_ =	sdelay $0x3  }
0x108: {  	v4 =	vmul.u32 $0x5, v4  }
0x109: {  	v5 =	vmul.u32 $0xF, v5  }
0x10a: {  	v4 =	vadd.s32 v6, v4  }
0x10b: {  	v4 =	vadd.s32 v5, v4  }
0x10c: {  	[tilespmem:v3+s11+$0xFFFFFFE0 ss:$0x1] =	vst.idx.msk $0xffff, v4  }
0x10d: {  	v4 =	vld.idx.msk [tilespmem:v0+s11+$0x20 ss:$0x1], $0xffff  }
0x10e: {  	v5 =	vld.idx.msk [tilespmem:v1+s11+$0xFFFFFFF0 ss:$0x1], $0xffff  }
0x10f: {  	v6 =	vld.idx.msk [tilespmem:v2+s11+$0x20 ss:$0x1], $0xffff;
	_ =	sdelay $0x3  }
0x110: {  	v4 =	vmul.u32 $0x5, v4  }
0x111: {  	v5 =	vmul.u32 $0xF, v5  }
0x112: {  	v4 =	vadd.s32 v6, v4  }
0x113: {  	v4 =	vadd.s32 v5, v4  }
0x114: {  	[tilespmem:v3+s11+$0xFFFFFFF0 ss:$0x1] =	vst.idx.msk $0xffff, v4  }
0x115: {  	v4 =	vld.idx.msk [tilespmem:v0+s11+$0x30 ss:$0x1], $0xffff  }
0x116: {  	v5 =	vld.idx.msk [tilespmem:v1+s11+$0x0 ss:$0x1], $0xffff  }
0x117: {  	v6 =	vld.idx.msk [tilespmem:v2+s11+$0x30 ss:$0x1], $0xffff;
	_ =	sdelay $0x2  }
.Ltmp1:
0x118: {  	(pc) =	sbr.rel @p1 .LBB2_5-.Ltmp1, $4  }
0x119: {  	v4 =	vmul.u32 $0x5, v4  }
0x11a: {  	v5 =	vmul.u32 $0xF, v5  }
0x11b: {  	v4 =	vadd.s32 v6, v4  }
0x11c: {  	v4 =	vadd.s32 v5, v4  }
0x11d: {  	_ =	sdelay $0x3  }
0x11e: {  	s12 =	sshra.s32 s12, $0x2;
	[tilespmem:v3+s11+$0x0 ss:$0x1] =	vst.idx.msk $0xffff, v4  }
0x11f: {  	v4 =	vld.idx.msk [tilespmem:v0+s12+$0xFFFFFFC0 ss:$0x1], $0xffff  }
0x120: {  	v5 =	vld.idx.msk [tilespmem:v1+s12+$0xFFFFFF90 ss:$0x1], $0xffff  }
0x121: {  	v6 =	vld.idx.msk [tilespmem:v2+s12+$0xFFFFFFC0 ss:$0x1], $0xffff;
	_ =	sdelay $0x2  }
0x122: {  	v4 =	vmul.u32 $0x5, v4  }
0x123: {  	v5 =	vmul.u32 $0xF, v5  }
0x124: {  	v4 =	vadd.s32 v6, v4  }
0x125: {  	v4 =	vadd.s32 v5, v4  }
0x126: {  	[tilespmem:v3+s12+$0xFFFFFF90 ss:$0x1] =	vst.idx.msk $0xffff, v4  }
0x127: {  	v4 =	vld.idx.msk [tilespmem:v0+s12+$0xFFFFFFD0 ss:$0x1], $0xffff  }
0x128: {  	v49 =	vld.idx.msk [tilespmem:v1+s12+$0xFFFFFFA0 ss:$0x1], $0xffff  }
0x129: {  	v50 =	vld.idx.msk [tilespmem:v2+s12+$0xFFFFFFD0 ss:$0x1], $0xffff;
	_ =	sdelay $0x2  }
0x12a: {  	v4 =	vmul.u32 $0x5, v4  }
0x12b: {  	v5 =	vmul.u32 $0xF, v49  }
0x12c: {  	v4 =	vadd.s32 v50, v4  }
0x12d: {  	v4 =	vadd.s32 v5, v4  }
0x12e: {  	[tilespmem:v3+s12+$0xFFFFFFA0 ss:$0x1] =	vst.idx.msk $0xffff, v4  }
0x12f: {  	v4 =	vld.idx.msk [tilespmem:v0+s12+$0xFFFFFFE0 ss:$0x1], $0xffff  }
0x130: {  	v51 =	vld.idx.msk [tilespmem:v1+s12+$0xFFFFFFB0 ss:$0x1], $0xffff  }
0x131: {  	v52 =	vld.idx.msk [tilespmem:v2+s12+$0xFFFFFFE0 ss:$0x1], $0xffff;
	_ =	sdelay $0x2  }
0x132: {  	v4 =	vmul.u32 $0x5, v4  }
0x133: {  	v5 =	vmul.u32 $0xF, v51  }
0x134: {  	v4 =	vadd.s32 v52, v4  }
0x135: {  	v4 =	vadd.s32 v5, v4  }
0x136: {  	[tilespmem:v3+s12+$0xFFFFFFB0 ss:$0x1] =	vst.idx.msk $0xffff, v4  }
0x137: {  	v4 =	vld.idx.msk [tilespmem:v0+s12+$0xFFFFFFF0 ss:$0x1], $0xffff  }
0x138: {  	v53 =	vld.idx.msk [tilespmem:v1+s12+$0xFFFFFFC0 ss:$0x1], $0xffff  }
0x139: {  	v54 =	vld.idx.msk [tilespmem:v2+s12+$0xFFFFFFF0 ss:$0x1], $0xffff;
	_ =	sdelay $0x2  }
0x13a: {  	v4 =	vmul.u32 $0x5, v4  }
0x13b: {  	v5 =	vmul.u32 $0xF, v53  }
0x13c: {  	v4 =	vadd.s32 v54, v4  }
0x13d: {  	v4 =	vadd.s32 v5, v4  }
0x13e: {  	[tilespmem:v3+s12+$0xFFFFFFC0 ss:$0x1] =	vst.idx.msk $0xffff, v4  }
0x13f: {  	v4 =	vld.idx.msk [tilespmem:v0+s12+$0x0 ss:$0x1], $0xffff  }
0x140: {  	v55 =	vld.idx.msk [tilespmem:v1+s12+$0xFFFFFFD0 ss:$0x1], $0xffff  }
0x141: {  	v56 =	vld.idx.msk [tilespmem:v2+s12+$0x0 ss:$0x1], $0xffff;
	_ =	sdelay $0x2  }
0x142: {  	v4 =	vmul.u32 $0x5, v4  }
0x143: {  	v5 =	vmul.u32 $0xF, v55  }
0x144: {  	v4 =	vadd.s32 v56, v4  }
0x145: {  	v4 =	vadd.s32 v5, v4  }
0x146: {  	[tilespmem:v3+s12+$0xFFFFFFD0 ss:$0x1] =	vst.idx.msk $0xffff, v4  }
0x147: {  	v4 =	vld.idx.msk [tilespmem:v0+s12+$0x10 ss:$0x1], $0xffff  }
0x148: {  	v57 =	vld.idx.msk [tilespmem:v1+s12+$0xFFFFFFE0 ss:$0x1], $0xffff  }
0x149: {  	v58 =	vld.idx.msk [tilespmem:v2+s12+$0x10 ss:$0x1], $0xffff;
	_ =	sdelay $0x2  }
0x14a: {  	v4 =	vmul.u32 $0x5, v4  }
0x14b: {  	v5 =	vmul.u32 $0xF, v57  }
0x14c: {  	v4 =	vadd.s32 v58, v4  }
0x14d: {  	v4 =	vadd.s32 v5, v4  }
0x14e: {  	[tilespmem:v3+s12+$0xFFFFFFE0 ss:$0x1] =	vst.idx.msk $0xffff, v4  }
0x14f: {  	v4 =	vld.idx.msk [tilespmem:v0+s12+$0x20 ss:$0x1], $0xffff  }
0x150: {  	v59 =	vld.idx.msk [tilespmem:v1+s12+$0xFFFFFFF0 ss:$0x1], $0xffff  }
0x151: {  	v60 =	vld.idx.msk [tilespmem:v2+s12+$0x20 ss:$0x1], $0xffff;
	_ =	sdelay $0x2  }
0x152: {  	v4 =	vmul.u32 $0x5, v4  }
0x153: {  	v5 =	vmul.u32 $0xF, v59  }
0x154: {  	v4 =	vadd.s32 v60, v4  }
0x155: {  	v4 =	vadd.s32 v5, v4  }
0x156: {  	[tilespmem:v3+s12+$0xFFFFFFF0 ss:$0x1] =	vst.idx.msk $0xffff, v4  }
0x157: {  	v61 =	vld.idx.msk [tilespmem:v0+s12+$0x30 ss:$0x1], $0xffff  }
0x158: {  	v62 =	vld.idx.msk [tilespmem:v1+s12+$0x0 ss:$0x1], $0xffff  }
0x159: {  	v63 =	vld.idx.msk [tilespmem:v2+s12+$0x30 ss:$0x1], $0xffff;
	_ =	sdelay $0x2  }
0x15a: {  	v0 =	vmul.u32 $0x5, v61  }
0x15b: {  	v1 =	vmul.u32 $0xF, v62  }
0x15c: {  	v0 =	vadd.s32 v63, v0  }
0x15d: {  	p1 =	sne.s32 s19, $0x7;
	v0 =	vadd.s32 v1, v0  }
0x15e: {  	s11 =	simm.s32 @!p1 $0x0;
	[tilespmem:v3+s12+$0x0 ss:$0x1] =	vst.idx.msk $0xffff, v0;
	s12 =	simm.s32 @!p1 $0x4180  }
0x15f: {  	[tilespmem:s12], [sflag:$0x9] =	stream.linear.gather @!p1 [hbm4b:s14+s11], $0x1000, $0x38;
	[tilespmem:$0x17180] =	vst v63  }
0x160: {  	s13 =	rddreg [dreg:$0xb];
	s12 =	simm.s32 @!p1 $0x5180  }
0x161: {  	[tilespmem:s12], [sflag:$0x9] =	stream.linear.gather @!p1 [hbm4b:s13+s11], $0x1000, $0x38;
	[tilespmem:$0x17180] =	vst v63  }
0x162: {  	s12 =	simm.s32 @!p1 $0x6180;
	s13 =	rddreg [dreg:$0xc]  }
0x163: {  	[tilespmem:s12], [sflag:$0x9] =	stream.linear.gather @!p1 [hbm4b:s13+s11], $0x1000, $0x38;
	[tilespmem:$0x17180] =	vst v63  }
0x164: {  	s12 =	sshll.u32 s19, $0x2  }
0x165: {  	_ =	swait.ge [sflag:s6], $0x4000;
	s11 =	sadd.s32 s4, s12  }
0x166: {  	[sflag:s6] =	ssyncset.done $0x0;
	s11 =	sshll.u32 s11, $0xB  }
0x167: {  	s18 =	simm.s32 $0x0;
	[sflag:s6] =	ssyncadd.s32 $0xFFFFC000;
	s11 =	sadd.s32 s5, s11  }
0x168: {  	[hbm4b:s11+s18] =	stream.linear.scatter [tilespmem:s31], [sflag:$0x5], $0x4000, $0x38;
	[tilespmem:$0x17180] =	vst v63  }
0x169: {  	_ =	swait.ge [sflag:s7], $0x4000  }
0x16a: {  	[sflag:s7] =	ssyncset.done $0x0  }
0x16b: {  	s13 =	sadd.s32 $0x800, s11;
	[sflag:s7] =	ssyncadd.s32 $0xFFFFC000  }
0x16c: {  	[hbm4b:s13+s18] =	stream.linear.scatter [tilespmem:s30], [sflag:$0x6], $0x4000, $0x38;
	[tilespmem:$0x17180] =	vst v63  }
0x16d: {  	_ =	swait.ge [sflag:s8], $0x4000  }
0x16e: {  	[sflag:s8] =	ssyncset.done $0x0  }
0x16f: {  	s13 =	sadd.s32 $0x1000, s11;
	[sflag:s8] =	ssyncadd.s32 $0xFFFFC000  }
0x170: {  	[hbm4b:s13+s18] =	stream.linear.scatter [tilespmem:s0], [sflag:$0x7], $0x4000, $0x38;
	[tilespmem:$0x17180] =	vst v63  }
0x171: {  	_ =	swait.ge [sflag:s24], $0x4000  }
0x172: {  	[sflag:s24] =	ssyncset.done $0x0  }
0x173: {  	s11 =	sadd.s32 $0x1800, s11;
	[sflag:s24] =	ssyncadd.s32 $0xFFFFC000  }
0x174: {  	[hbm4b:s11+s18] =	stream.linear.scatter [tilespmem:s3], [sflag:$0x8], $0x4000, $0x38;
	[tilespmem:$0x17180] =	vst v63  }
0x175: {  	s12 =	sshll.u32 s19, $0x9;
	_ =	swait.ge [sflag:s25], $0x4000  }
0x176: {  	s11 =	sand.u32 $0x3FFFFE00, s12;
	[sflag:s25] =	ssyncset.done $0x0  }
0x177: {  	s13 =	sadd.s32 $0x380, s11;
	[sflag:s25] =	ssyncadd.s32 $0xFFFFC000  }
0x178: {  	[tilespmem:s31], [sflag:$0x1] =	stream.indirect.gather [spmem:s1], $0x80, s13, s29, $0xb8;
	[tilespmem:$0x17180] =	vst v63  }
0x179: {  	_ =	swait.ge [sflag:s9], $0x4000  }
0x17a: {  	[sflag:s9] =	ssyncset.done $0x0  }
0x17b: {  	s13 =	sadd.s32 $0x400, s11;
	[sflag:s9] =	ssyncadd.s32 $0xFFFFC000  }
0x17c: {  	[tilespmem:s30], [sflag:$0x2] =	stream.indirect.gather [spmem:s1], $0x80, s13, s29, $0xb8;
	[tilespmem:$0x17180] =	vst v63  }
0x17d: {  	_ =	swait.ge [sflag:s26], $0x4000  }
0x17e: {  	s19 =	sadd.s32 $0x1, s19;
	[sflag:s26] =	ssyncset.done $0x0  }
0x17f: {  	p1 =	sne.s32 s19, $0x8;
	s13 =	sadd.s32 $0x480, s11;
	[sflag:s26] =	ssyncadd.s32 $0xFFFFC000  }
0x180: {  	[tilespmem:s0], [sflag:$0x3] =	stream.indirect.gather [spmem:s1], $0x80, s13, s29, $0xb8;
	[tilespmem:$0x17180] =	vst v63  }
.Ltmp2:
0x181: {  	_ = 	snop;
	(pc) =	sbr.rel @p1 .LBB2_4-.Ltmp2, $4  }
0x182: {  	s20 =	sadd.s32 $0x200, s20;
	_ =	swait.ge [sflag:s10], $0x4000  }
0x183: {  	s21 =	sadd.s32 $0x200, s21;
	s22 =	sadd.s32 $0x200, s22;
	[sflag:s10] =	ssyncset.done $0x0  }
0x184: {  	s28 =	sadd.s32 $0x200, s28;
	s11 =	sadd.s32 $0x500, s11;
	[sflag:s10] =	ssyncadd.s32 $0xFFFFC000  }
0x185: {  	[tilespmem:s3], [sflag:$0x4] =	stream.indirect.gather [spmem:s1], $0x80, s11, s29, $0xb8;
	[tilespmem:$0x17180] =	vst v63  }
0x186: {  	s20 =	simm.s32 $0x2180  }
0x187: {  	s21 =	simm.s32 $0x51C0;
	s22 =	simm.s32 $0x61F0;
	s28 =	simm.s32 $0x41C0  }
.LBB2_8:
0x188: {  	p1 =	sne.s32 s18, $0x0  }
0x189: {  	s11 =	simm.s32 @!p1 $0x9  }
0x18a: {  	_ =	swait.ge @!p1 [sflag:s11], $0x1000  }
0x18b: {  	[sflag:s11] =	ssyncset.done @!p1 $0x0  }
0x18c: {  	[sflag:s11] =	ssyncadd.s32 @!p1 $0xFFFFF000  }
0x18d: {  	_ =	swait.ge @!p1 [sflag:s11], $0x1000  }
0x18e: {  	v0 =	vmov s21;
	[sflag:s11] =	ssyncset.done @!p1 $0x0  }
0x18f: {  	v1 =	vmov s22;
	[sflag:s11] =	ssyncadd.s32 @!p1 $0xFFFFF000  }
0x190: {  	v2 =	vmov s28;
	_ =	swait.ge @!p1 [sflag:s11], $0x1000  }
0x191: {  	[sflag:s11] =	ssyncset.done @!p1 $0x0  }
0x192: {  	s12 =	simm.s32 $0x0;
	[sflag:s11] =	ssyncadd.s32 @!p1 $0xFFFFF000  }
0x193: {  	v4 =	vld.idx.msk [tilespmem:v0+s12+$0xFFFFFFC0 ss:$0x1], $0xffff  }
0x194: {  	v5 =	vld.idx.msk [tilespmem:v1+s12+$0xFFFFFF90 ss:$0x1], $0xffff  }
0x195: {  	v6 =	vld.idx.msk [tilespmem:v2+s12+$0xFFFFFFC0 ss:$0x1], $0xffff;
	_ =	sdelay $0x1  }
0x196: {  	v3 =	vmov s20  }
0x197: {  	v4 =	vmul.u32 $0x5, v4  }
0x198: {  	v5 =	vmul.u32 $0xF, v5  }
0x199: {  	v4 =	vadd.s32 v6, v4  }
0x19a: {  	v4 =	vadd.s32 v5, v4  }
0x19b: {  	[tilespmem:v3+s12+$0x0 ss:$0x1] =	vst.idx.msk $0xffff, v4  }
0x19c: {  	v4 =	vld.idx.msk [tilespmem:v0+s12+$0xFFFFFFD0 ss:$0x1], $0xffff  }
0x19d: {  	v5 =	vld.idx.msk [tilespmem:v1+s12+$0xFFFFFFA0 ss:$0x1], $0xffff  }
0x19e: {  	v6 =	vld.idx.msk [tilespmem:v2+s12+$0xFFFFFFD0 ss:$0x1], $0xffff;
	_ =	sdelay $0x2  }
0x19f: {  	v4 =	vmul.u32 $0x5, v4  }
0x1a0: {  	v5 =	vmul.u32 $0xF, v5  }
0x1a1: {  	v4 =	vadd.s32 v6, v4  }
0x1a2: {  	v4 =	vadd.s32 v5, v4  }
0x1a3: {  	[tilespmem:v3+s12+$0x10 ss:$0x1] =	vst.idx.msk $0xffff, v4  }
0x1a4: {  	v4 =	vld.idx.msk [tilespmem:v0+s12+$0xFFFFFFE0 ss:$0x1], $0xffff  }
0x1a5: {  	v5 =	vld.idx.msk [tilespmem:v1+s12+$0xFFFFFFB0 ss:$0x1], $0xffff  }
0x1a6: {  	v6 =	vld.idx.msk [tilespmem:v2+s12+$0xFFFFFFE0 ss:$0x1], $0xffff;
	_ =	sdelay $0x2  }
0x1a7: {  	v4 =	vmul.u32 $0x5, v4  }
0x1a8: {  	v5 =	vmul.u32 $0xF, v5  }
0x1a9: {  	v4 =	vadd.s32 v6, v4  }
0x1aa: {  	v4 =	vadd.s32 v5, v4  }
0x1ab: {  	[tilespmem:v3+s12+$0x20 ss:$0x1] =	vst.idx.msk $0xffff, v4  }
0x1ac: {  	v4 =	vld.idx.msk [tilespmem:v0+s12+$0xFFFFFFF0 ss:$0x1], $0xffff  }
0x1ad: {  	v5 =	vld.idx.msk [tilespmem:v1+s12+$0xFFFFFFC0 ss:$0x1], $0xffff  }
0x1ae: {  	v6 =	vld.idx.msk [tilespmem:v2+s12+$0xFFFFFFF0 ss:$0x1], $0xffff;
	_ =	sdelay $0x2  }
0x1af: {  	v4 =	vmul.u32 $0x5, v4  }
0x1b0: {  	v5 =	vmul.u32 $0xF, v5  }
0x1b1: {  	v4 =	vadd.s32 v6, v4  }
0x1b2: {  	v4 =	vadd.s32 v5, v4  }
0x1b3: {  	[tilespmem:v3+s12+$0x30 ss:$0x1] =	vst.idx.msk $0xffff, v4  }
0x1b4: {  	v4 =	vld.idx.msk [tilespmem:v0+s12+$0x0 ss:$0x1], $0xffff  }
0x1b5: {  	v5 =	vld.idx.msk [tilespmem:v1+s12+$0xFFFFFFD0 ss:$0x1], $0xffff  }
0x1b6: {  	v6 =	vld.idx.msk [tilespmem:v2+s12+$0x0 ss:$0x1], $0xffff;
	_ =	sdelay $0x2  }
0x1b7: {  	v4 =	vmul.u32 $0x5, v4  }
0x1b8: {  	v5 =	vmul.u32 $0xF, v5  }
0x1b9: {  	v4 =	vadd.s32 v6, v4  }
0x1ba: {  	v4 =	vadd.s32 v5, v4  }
0x1bb: {  	[tilespmem:v3+s12+$0x40 ss:$0x1] =	vst.idx.msk $0xffff, v4  }
0x1bc: {  	v4 =	vld.idx.msk [tilespmem:v0+s12+$0x10 ss:$0x1], $0xffff  }
0x1bd: {  	v5 =	vld.idx.msk [tilespmem:v1+s12+$0xFFFFFFE0 ss:$0x1], $0xffff  }
0x1be: {  	v6 =	vld.idx.msk [tilespmem:v2+s12+$0x10 ss:$0x1], $0xffff;
	_ =	sdelay $0x2  }
0x1bf: {  	v4 =	vmul.u32 $0x5, v4  }
0x1c0: {  	v5 =	vmul.u32 $0xF, v5  }
0x1c1: {  	v4 =	vadd.s32 v6, v4  }
0x1c2: {  	v4 =	vadd.s32 v5, v4  }
0x1c3: {  	[tilespmem:v3+s12+$0x50 ss:$0x1] =	vst.idx.msk $0xffff, v4  }
0x1c4: {  	v4 =	vld.idx.msk [tilespmem:v0+s12+$0x20 ss:$0x1], $0xffff  }
0x1c5: {  	v5 =	vld.idx.msk [tilespmem:v1+s12+$0xFFFFFFF0 ss:$0x1], $0xffff  }
0x1c6: {  	v6 =	vld.idx.msk [tilespmem:v2+s12+$0x20 ss:$0x1], $0xffff;
	_ =	sdelay $0x2  }
0x1c7: {  	v4 =	vmul.u32 $0x5, v4  }
0x1c8: {  	v5 =	vmul.u32 $0xF, v5  }
0x1c9: {  	v4 =	vadd.s32 v6, v4  }
0x1ca: {  	v4 =	vadd.s32 v5, v4  }
0x1cb: {  	[tilespmem:v3+s12+$0x60 ss:$0x1] =	vst.idx.msk $0xffff, v4  }
0x1cc: {  	v4 =	vld.idx.msk [tilespmem:v0+s12+$0x30 ss:$0x1], $0xffff  }
0x1cd: {  	v5 =	vld.idx.msk [tilespmem:v1+s12+$0x0 ss:$0x1], $0xffff  }
0x1ce: {  	v6 =	vld.idx.msk [tilespmem:v2+s12+$0x30 ss:$0x1], $0xffff;
	_ =	sdelay $0x2  }
0x1cf: {  	v4 =	vmul.u32 $0x5, v4  }
0x1d0: {  	v5 =	vmul.u32 $0xF, v5  }
0x1d1: {  	s11 =	sor.u32 $0x8, s18;
	v4 =	vadd.s32 v6, v4  }
0x1d2: {  	s13 =	simm.s32 $0x200;
	s14 =	simm.s32 $0x400;
	s19 =	sshll.u32 s11, $0x2;
	v4 =	vadd.s32 v5, v4  }
.LBB2_9:
0x1d3: {  	p1 =	sne.s32 s14, $0x600  }
0x1d4: {  	[tilespmem:v3+s12+$0x70 ss:$0x1] =	vst.idx.msk $0xffff, v4;
	s12 =	sshra.s32 s13, $0x2;
	s13 =	smov.u32 s14;
	s14 =	sadd.s32 $0x200, s14  }
0x1d5: {  	v4 =	vld.idx.msk [tilespmem:v0+s12+$0xFFFFFFC0 ss:$0x1], $0xffff  }
0x1d6: {  	v5 =	vld.idx.msk [tilespmem:v1+s12+$0xFFFFFF90 ss:$0x1], $0xffff  }
0x1d7: {  	v6 =	vld.idx.msk [tilespmem:v2+s12+$0xFFFFFFC0 ss:$0x1], $0xffff;
	_ =	sdelay $0x3  }
0x1d8: {  	v4 =	vmul.u32 $0x5, v4  }
0x1d9: {  	v5 =	vmul.u32 $0xF, v5  }
0x1da: {  	v4 =	vadd.s32 v6, v4  }
0x1db: {  	v4 =	vadd.s32 v5, v4  }
0x1dc: {  	[tilespmem:v3+s12+$0x0 ss:$0x1] =	vst.idx.msk $0xffff, v4  }
0x1dd: {  	v4 =	vld.idx.msk [tilespmem:v0+s12+$0xFFFFFFD0 ss:$0x1], $0xffff  }
0x1de: {  	v5 =	vld.idx.msk [tilespmem:v1+s12+$0xFFFFFFA0 ss:$0x1], $0xffff  }
0x1df: {  	v6 =	vld.idx.msk [tilespmem:v2+s12+$0xFFFFFFD0 ss:$0x1], $0xffff;
	_ =	sdelay $0x3  }
0x1e0: {  	v4 =	vmul.u32 $0x5, v4  }
0x1e1: {  	v5 =	vmul.u32 $0xF, v5  }
0x1e2: {  	v4 =	vadd.s32 v6, v4  }
0x1e3: {  	v4 =	vadd.s32 v5, v4  }
0x1e4: {  	[tilespmem:v3+s12+$0x10 ss:$0x1] =	vst.idx.msk $0xffff, v4  }
0x1e5: {  	v4 =	vld.idx.msk [tilespmem:v0+s12+$0xFFFFFFE0 ss:$0x1], $0xffff  }
0x1e6: {  	v5 =	vld.idx.msk [tilespmem:v1+s12+$0xFFFFFFB0 ss:$0x1], $0xffff  }
0x1e7: {  	v6 =	vld.idx.msk [tilespmem:v2+s12+$0xFFFFFFE0 ss:$0x1], $0xffff;
	_ =	sdelay $0x3  }
0x1e8: {  	v4 =	vmul.u32 $0x5, v4  }
0x1e9: {  	v5 =	vmul.u32 $0xF, v5  }
0x1ea: {  	v4 =	vadd.s32 v6, v4  }
0x1eb: {  	v4 =	vadd.s32 v5, v4  }
0x1ec: {  	[tilespmem:v3+s12+$0x20 ss:$0x1] =	vst.idx.msk $0xffff, v4  }
0x1ed: {  	v4 =	vld.idx.msk [tilespmem:v0+s12+$0xFFFFFFF0 ss:$0x1], $0xffff  }
0x1ee: {  	v5 =	vld.idx.msk [tilespmem:v1+s12+$0xFFFFFFC0 ss:$0x1], $0xffff  }
0x1ef: {  	v6 =	vld.idx.msk [tilespmem:v2+s12+$0xFFFFFFF0 ss:$0x1], $0xffff;
	_ =	sdelay $0x3  }
0x1f0: {  	v4 =	vmul.u32 $0x5, v4  }
0x1f1: {  	v5 =	vmul.u32 $0xF, v5  }
0x1f2: {  	v4 =	vadd.s32 v6, v4  }
0x1f3: {  	v4 =	vadd.s32 v5, v4  }
0x1f4: {  	[tilespmem:v3+s12+$0x30 ss:$0x1] =	vst.idx.msk $0xffff, v4  }
0x1f5: {  	v4 =	vld.idx.msk [tilespmem:v0+s12+$0x0 ss:$0x1], $0xffff  }
0x1f6: {  	v5 =	vld.idx.msk [tilespmem:v1+s12+$0xFFFFFFD0 ss:$0x1], $0xffff  }
0x1f7: {  	v6 =	vld.idx.msk [tilespmem:v2+s12+$0x0 ss:$0x1], $0xffff;
	_ =	sdelay $0x3  }
0x1f8: {  	v4 =	vmul.u32 $0x5, v4  }
0x1f9: {  	v5 =	vmul.u32 $0xF, v5  }
0x1fa: {  	v4 =	vadd.s32 v6, v4  }
0x1fb: {  	v4 =	vadd.s32 v5, v4  }
0x1fc: {  	[tilespmem:v3+s12+$0x40 ss:$0x1] =	vst.idx.msk $0xffff, v4  }
0x1fd: {  	v4 =	vld.idx.msk [tilespmem:v0+s12+$0x10 ss:$0x1], $0xffff  }
0x1fe: {  	v5 =	vld.idx.msk [tilespmem:v1+s12+$0xFFFFFFE0 ss:$0x1], $0xffff  }
0x1ff: {  	v6 =	vld.idx.msk [tilespmem:v2+s12+$0x10 ss:$0x1], $0xffff;
	_ =	sdelay $0x3  }
0x200: {  	v4 =	vmul.u32 $0x5, v4  }
0x201: {  	v5 =	vmul.u32 $0xF, v5  }
0x202: {  	v4 =	vadd.s32 v6, v4  }
0x203: {  	v4 =	vadd.s32 v5, v4  }
0x204: {  	[tilespmem:v3+s12+$0x50 ss:$0x1] =	vst.idx.msk $0xffff, v4  }
0x205: {  	v4 =	vld.idx.msk [tilespmem:v0+s12+$0x20 ss:$0x1], $0xffff  }
0x206: {  	v5 =	vld.idx.msk [tilespmem:v1+s12+$0xFFFFFFF0 ss:$0x1], $0xffff  }
0x207: {  	v6 =	vld.idx.msk [tilespmem:v2+s12+$0x20 ss:$0x1], $0xffff;
	_ =	sdelay $0x3  }
0x208: {  	v4 =	vmul.u32 $0x5, v4  }
0x209: {  	v5 =	vmul.u32 $0xF, v5  }
0x20a: {  	v4 =	vadd.s32 v6, v4  }
0x20b: {  	v4 =	vadd.s32 v5, v4  }
0x20c: {  	[tilespmem:v3+s12+$0x60 ss:$0x1] =	vst.idx.msk $0xffff, v4  }
0x20d: {  	v4 =	vld.idx.msk [tilespmem:v0+s12+$0x30 ss:$0x1], $0xffff  }
0x20e: {  	v5 =	vld.idx.msk [tilespmem:v1+s12+$0x0 ss:$0x1], $0xffff  }
0x20f: {  	v6 =	vld.idx.msk [tilespmem:v2+s12+$0x30 ss:$0x1], $0xffff;
	_ =	sdelay $0x2  }
.Ltmp3:
0x210: {  	(pc) =	sbr.rel @p1 .LBB2_9-.Ltmp3, $4  }
0x211: {  	v4 =	vmul.u32 $0x5, v4  }
0x212: {  	v5 =	vmul.u32 $0xF, v5  }
0x213: {  	v4 =	vadd.s32 v6, v4  }
0x214: {  	v4 =	vadd.s32 v5, v4  }
0x215: {  	_ =	sdelay $0x3  }
0x216: {  	s13 =	sshra.s32 s13, $0x2;
	[tilespmem:v3+s12+$0x70 ss:$0x1] =	vst.idx.msk $0xffff, v4  }
0x217: {  	v4 =	vld.idx.msk [tilespmem:v0+s13+$0xFFFFFFC0 ss:$0x1], $0xffff  }
0x218: {  	v5 =	vld.idx.msk [tilespmem:v1+s13+$0xFFFFFF90 ss:$0x1], $0xffff  }
0x219: {  	v6 =	vld.idx.msk [tilespmem:v2+s13+$0xFFFFFFC0 ss:$0x1], $0xffff;
	_ =	sdelay $0x2  }
0x21a: {  	v4 =	vmul.u32 $0x5, v4  }
0x21b: {  	v5 =	vmul.u32 $0xF, v5  }
0x21c: {  	v4 =	vadd.s32 v6, v4  }
0x21d: {  	v4 =	vadd.s32 v5, v4  }
0x21e: {  	[tilespmem:v3+s13+$0x0 ss:$0x1] =	vst.idx.msk $0xffff, v4  }
0x21f: {  	v4 =	vld.idx.msk [tilespmem:v0+s13+$0xFFFFFFD0 ss:$0x1], $0xffff  }
0x220: {  	v49 =	vld.idx.msk [tilespmem:v1+s13+$0xFFFFFFA0 ss:$0x1], $0xffff  }
0x221: {  	v50 =	vld.idx.msk [tilespmem:v2+s13+$0xFFFFFFD0 ss:$0x1], $0xffff;
	_ =	sdelay $0x2  }
0x222: {  	v4 =	vmul.u32 $0x5, v4  }
0x223: {  	v5 =	vmul.u32 $0xF, v49  }
0x224: {  	v4 =	vadd.s32 v50, v4  }
0x225: {  	v4 =	vadd.s32 v5, v4  }
0x226: {  	[tilespmem:v3+s13+$0x10 ss:$0x1] =	vst.idx.msk $0xffff, v4  }
0x227: {  	v4 =	vld.idx.msk [tilespmem:v0+s13+$0xFFFFFFE0 ss:$0x1], $0xffff  }
0x228: {  	v51 =	vld.idx.msk [tilespmem:v1+s13+$0xFFFFFFB0 ss:$0x1], $0xffff  }
0x229: {  	v52 =	vld.idx.msk [tilespmem:v2+s13+$0xFFFFFFE0 ss:$0x1], $0xffff;
	_ =	sdelay $0x2  }
0x22a: {  	v4 =	vmul.u32 $0x5, v4  }
0x22b: {  	v5 =	vmul.u32 $0xF, v51  }
0x22c: {  	v4 =	vadd.s32 v52, v4  }
0x22d: {  	v4 =	vadd.s32 v5, v4  }
0x22e: {  	[tilespmem:v3+s13+$0x20 ss:$0x1] =	vst.idx.msk $0xffff, v4  }
0x22f: {  	v4 =	vld.idx.msk [tilespmem:v0+s13+$0xFFFFFFF0 ss:$0x1], $0xffff  }
0x230: {  	v53 =	vld.idx.msk [tilespmem:v1+s13+$0xFFFFFFC0 ss:$0x1], $0xffff  }
0x231: {  	v54 =	vld.idx.msk [tilespmem:v2+s13+$0xFFFFFFF0 ss:$0x1], $0xffff;
	_ =	sdelay $0x2  }
0x232: {  	v4 =	vmul.u32 $0x5, v4  }
0x233: {  	v5 =	vmul.u32 $0xF, v53  }
0x234: {  	v4 =	vadd.s32 v54, v4  }
0x235: {  	v4 =	vadd.s32 v5, v4  }
0x236: {  	[tilespmem:v3+s13+$0x30 ss:$0x1] =	vst.idx.msk $0xffff, v4  }
0x237: {  	v4 =	vld.idx.msk [tilespmem:v0+s13+$0x0 ss:$0x1], $0xffff  }
0x238: {  	v55 =	vld.idx.msk [tilespmem:v1+s13+$0xFFFFFFD0 ss:$0x1], $0xffff  }
0x239: {  	v56 =	vld.idx.msk [tilespmem:v2+s13+$0x0 ss:$0x1], $0xffff;
	_ =	sdelay $0x2  }
0x23a: {  	v4 =	vmul.u32 $0x5, v4  }
0x23b: {  	v5 =	vmul.u32 $0xF, v55  }
0x23c: {  	v4 =	vadd.s32 v56, v4  }
0x23d: {  	v4 =	vadd.s32 v5, v4  }
0x23e: {  	[tilespmem:v3+s13+$0x40 ss:$0x1] =	vst.idx.msk $0xffff, v4  }
0x23f: {  	v4 =	vld.idx.msk [tilespmem:v0+s13+$0x10 ss:$0x1], $0xffff  }
0x240: {  	v57 =	vld.idx.msk [tilespmem:v1+s13+$0xFFFFFFE0 ss:$0x1], $0xffff  }
0x241: {  	v58 =	vld.idx.msk [tilespmem:v2+s13+$0x10 ss:$0x1], $0xffff;
	_ =	sdelay $0x2  }
0x242: {  	v4 =	vmul.u32 $0x5, v4  }
0x243: {  	v5 =	vmul.u32 $0xF, v57  }
0x244: {  	v4 =	vadd.s32 v58, v4  }
0x245: {  	v4 =	vadd.s32 v5, v4  }
0x246: {  	[tilespmem:v3+s13+$0x50 ss:$0x1] =	vst.idx.msk $0xffff, v4  }
0x247: {  	v4 =	vld.idx.msk [tilespmem:v0+s13+$0x20 ss:$0x1], $0xffff  }
0x248: {  	v59 =	vld.idx.msk [tilespmem:v1+s13+$0xFFFFFFF0 ss:$0x1], $0xffff  }
0x249: {  	v60 =	vld.idx.msk [tilespmem:v2+s13+$0x20 ss:$0x1], $0xffff;
	_ =	sdelay $0x2  }
0x24a: {  	v4 =	vmul.u32 $0x5, v4  }
0x24b: {  	v5 =	vmul.u32 $0xF, v59  }
0x24c: {  	v4 =	vadd.s32 v60, v4  }
0x24d: {  	v4 =	vadd.s32 v5, v4  }
0x24e: {  	[tilespmem:v3+s13+$0x60 ss:$0x1] =	vst.idx.msk $0xffff, v4  }
0x24f: {  	v61 =	vld.idx.msk [tilespmem:v0+s13+$0x30 ss:$0x1], $0xffff  }
0x250: {  	v62 =	vld.idx.msk [tilespmem:v1+s13+$0x0 ss:$0x1], $0xffff  }
0x251: {  	v63 =	vld.idx.msk [tilespmem:v2+s13+$0x30 ss:$0x1], $0xffff;
	_ =	sdelay $0x2  }
0x252: {  	v0 =	vmul.u32 $0x5, v61  }
0x253: {  	v1 =	vmul.u32 $0xF, v62  }
0x254: {  	v0 =	vadd.s32 v63, v0  }
0x255: {  	p1 =	sne.s32 s18, $0x7;
	v0 =	vadd.s32 v1, v0  }
0x256: {  	s12 =	simm.s32 @!p1 $0x0;
	[tilespmem:v3+s13+$0x70 ss:$0x1] =	vst.idx.msk $0xffff, v0;
	s13 =	simm.s32 @!p1 $0x4180  }
0x257: {  	[tilespmem:s13], [sflag:$0x9] =	stream.linear.gather @!p1 [hbm4b:s15+s12], $0x1000, $0x38;
	[tilespmem:$0x17180] =	vst v63  }
0x258: {  	s13 =	simm.s32 @!p1 $0x5180  }
0x259: {  	[tilespmem:s13], [sflag:$0x9] =	stream.linear.gather @!p1 [hbm4b:s16+s12], $0x1000, $0x38;
	[tilespmem:$0x17180] =	vst v63  }
0x25a: {  	s13 =	simm.s32 @!p1 $0x6180  }
0x25b: {  	[tilespmem:s13], [sflag:$0x9] =	stream.linear.gather @!p1 [hbm4b:s17+s12], $0x1000, $0x38;
	[tilespmem:$0x17180] =	vst v63  }
0x25c: {  	s13 =	sadd.s32 s4, s19;
	_ =	swait.ge [sflag:s6], $0x4000  }
0x25d: {  	s12 =	sshll.u32 s13, $0xB;
	[sflag:s6] =	ssyncset.done $0x0  }
0x25e: {  	s19 =	simm.s32 $0x0;
	s14 =	sadd.s32 s5, s12;
	[sflag:s6] =	ssyncadd.s32 $0xFFFFC000  }
0x25f: {  	[hbm4b:s14+s19] =	stream.linear.scatter [tilespmem:s31], [sflag:$0x5], $0x4000, $0x38;
	[tilespmem:$0x17180] =	vst v63  }
0x260: {  	s14 =	sadd.s32 $0x800, s12;
	_ =	swait.ge [sflag:s7], $0x4000  }
0x261: {  	s13 =	sand.u32 $0x1FFFE800, s14;
	[sflag:s7] =	ssyncset.done $0x0  }
0x262: {  	s13 =	sadd.s32 s5, s13;
	[sflag:s7] =	ssyncadd.s32 $0xFFFFC000  }
0x263: {  	[hbm4b:s13+s19] =	stream.linear.scatter [tilespmem:s30], [sflag:$0x6], $0x4000, $0x38;
	[tilespmem:$0x17180] =	vst v63  }
0x264: {  	s14 =	sadd.s32 $0x1000, s12;
	_ =	swait.ge [sflag:s8], $0x4000  }
0x265: {  	s13 =	sand.u32 $0x1FFFF000, s14;
	[sflag:s8] =	ssyncset.done $0x0  }
0x266: {  	s13 =	sadd.s32 s5, s13;
	[sflag:s8] =	ssyncadd.s32 $0xFFFFC000  }
0x267: {  	[hbm4b:s13+s19] =	stream.linear.scatter [tilespmem:s0], [sflag:$0x7], $0x4000, $0x38;
	[tilespmem:$0x17180] =	vst v63  }
0x268: {  	s12 =	sadd.s32 $0x1800, s12;
	_ =	swait.ge [sflag:s24], $0x4000  }
0x269: {  	s12 =	sand.u32 $0x1FFFF800, s12;
	[sflag:s24] =	ssyncset.done $0x0  }
0x26a: {  	s12 =	sadd.s32 s5, s12;
	[sflag:s24] =	ssyncadd.s32 $0xFFFFC000  }
0x26b: {  	[hbm4b:s12+s19] =	stream.linear.scatter [tilespmem:s3], [sflag:$0x8], $0x4000, $0x38;
	[tilespmem:$0x17180] =	vst v63  }
0x26c: {  	s11 =	sshll.u32 s11, $0x9;
	_ =	swait.ge [sflag:s25], $0x4000  }
0x26d: {  	s11 =	sand.u32 $0x3FFFFE00, s11;
	[sflag:s25] =	ssyncset.done $0x0  }
0x26e: {  	s14 =	sadd.s32 $0x380, s11;
	[sflag:s25] =	ssyncadd.s32 $0xFFFFC000  }
0x26f: {  	[tilespmem:s31], [sflag:$0x1] =	stream.indirect.gather [spmem:s1], $0x80, s14, s29, $0xb8;
	[tilespmem:$0x17180] =	vst v63  }
0x270: {  	_ =	swait.ge [sflag:s9], $0x4000  }
0x271: {  	[sflag:s9] =	ssyncset.done $0x0  }
0x272: {  	s13 =	sadd.s32 $0x400, s11;
	[sflag:s9] =	ssyncadd.s32 $0xFFFFC000  }
0x273: {  	[tilespmem:s30], [sflag:$0x2] =	stream.indirect.gather [spmem:s1], $0x80, s13, s29, $0xb8;
	[tilespmem:$0x17180] =	vst v63  }
0x274: {  	_ =	swait.ge [sflag:s26], $0x4000  }
0x275: {  	s18 =	sadd.s32 $0x1, s18;
	[sflag:s26] =	ssyncset.done $0x0  }
0x276: {  	p1 =	sne.s32 s18, $0x8;
	s14 =	sadd.s32 $0x480, s11;
	[sflag:s26] =	ssyncadd.s32 $0xFFFFC000  }
0x277: {  	[tilespmem:s0], [sflag:$0x3] =	stream.indirect.gather [spmem:s1], $0x80, s14, s29, $0xb8;
	[tilespmem:$0x17180] =	vst v63  }
.Ltmp4:
0x278: {  	_ = 	snop;
	(pc) =	sbr.rel @p1 .LBB2_8-.Ltmp4, $4  }
0x279: {  	s20 =	sadd.s32 $0x200, s20;
	_ =	swait.ge [sflag:s10], $0x4000  }
0x27a: {  	s21 =	sadd.s32 $0x200, s21;
	s22 =	sadd.s32 $0x200, s22;
	[sflag:s10] =	ssyncset.done $0x0  }
0x27b: {  	s28 =	sadd.s32 $0x200, s28;
	s11 =	sadd.s32 $0x500, s11;
	[sflag:s10] =	ssyncadd.s32 $0xFFFFC000  }
0x27c: {  	[tilespmem:s3], [sflag:$0x4] =	stream.indirect.gather [spmem:s1], $0x80, s11, s29, $0xb8;
	[tilespmem:$0x17180] =	vst v63  }
0x27d: {  	s18 =	simm.s32 $0x31F0  }
0x27e: {  	s20 =	simm.s32 $0x51C0;
	s21 =	simm.s32 $0x61F0;
	s22 =	simm.s32 $0x41C0  }
.LBB2_12:
0x27f: {  	p1 =	sne.s32 s19, $0x0  }
0x280: {  	s11 =	simm.s32 @!p1 $0x9  }
0x281: {  	_ =	swait.ge @!p1 [sflag:s11], $0x1000  }
0x282: {  	[sflag:s11] =	ssyncset.done @!p1 $0x0  }
0x283: {  	[sflag:s11] =	ssyncadd.s32 @!p1 $0xFFFFF000  }
0x284: {  	_ =	swait.ge @!p1 [sflag:s11], $0x1000  }
0x285: {  	v0 =	vmov s20;
	[sflag:s11] =	ssyncset.done @!p1 $0x0  }
0x286: {  	v1 =	vmov s21;
	[sflag:s11] =	ssyncadd.s32 @!p1 $0xFFFFF000  }
0x287: {  	v2 =	vmov s22;
	_ =	swait.ge @!p1 [sflag:s11], $0x1000  }
0x288: {  	[sflag:s11] =	ssyncset.done @!p1 $0x0  }
0x289: {  	s12 =	simm.s32 $0x0;
	[sflag:s11] =	ssyncadd.s32 @!p1 $0xFFFFF000  }
0x28a: {  	v4 =	vld.idx.msk [tilespmem:v0+s12+$0xFFFFFFC0 ss:$0x1], $0xffff  }
0x28b: {  	v5 =	vld.idx.msk [tilespmem:v1+s12+$0xFFFFFF90 ss:$0x1], $0xffff  }
0x28c: {  	v6 =	vld.idx.msk [tilespmem:v2+s12+$0xFFFFFFC0 ss:$0x1], $0xffff;
	_ =	sdelay $0x1  }
0x28d: {  	v3 =	vmov s18  }
0x28e: {  	v4 =	vmul.u32 $0x5, v4  }
0x28f: {  	v5 =	vmul.u32 $0xF, v5  }
0x290: {  	v4 =	vadd.s32 v6, v4  }
0x291: {  	v4 =	vadd.s32 v5, v4  }
0x292: {  	[tilespmem:v3+s12+$0xFFFFFF90 ss:$0x1] =	vst.idx.msk $0xffff, v4  }
0x293: {  	v4 =	vld.idx.msk [tilespmem:v0+s12+$0xFFFFFFD0 ss:$0x1], $0xffff  }
0x294: {  	v5 =	vld.idx.msk [tilespmem:v1+s12+$0xFFFFFFA0 ss:$0x1], $0xffff  }
0x295: {  	v6 =	vld.idx.msk [tilespmem:v2+s12+$0xFFFFFFD0 ss:$0x1], $0xffff;
	_ =	sdelay $0x2  }
0x296: {  	v4 =	vmul.u32 $0x5, v4  }
0x297: {  	v5 =	vmul.u32 $0xF, v5  }
0x298: {  	v4 =	vadd.s32 v6, v4  }
0x299: {  	v4 =	vadd.s32 v5, v4  }
0x29a: {  	[tilespmem:v3+s12+$0xFFFFFFA0 ss:$0x1] =	vst.idx.msk $0xffff, v4  }
0x29b: {  	v4 =	vld.idx.msk [tilespmem:v0+s12+$0xFFFFFFE0 ss:$0x1], $0xffff  }
0x29c: {  	v5 =	vld.idx.msk [tilespmem:v1+s12+$0xFFFFFFB0 ss:$0x1], $0xffff  }
0x29d: {  	v6 =	vld.idx.msk [tilespmem:v2+s12+$0xFFFFFFE0 ss:$0x1], $0xffff;
	_ =	sdelay $0x2  }
0x29e: {  	v4 =	vmul.u32 $0x5, v4  }
0x29f: {  	v5 =	vmul.u32 $0xF, v5  }
0x2a0: {  	v4 =	vadd.s32 v6, v4  }
0x2a1: {  	v4 =	vadd.s32 v5, v4  }
0x2a2: {  	[tilespmem:v3+s12+$0xFFFFFFB0 ss:$0x1] =	vst.idx.msk $0xffff, v4  }
0x2a3: {  	v4 =	vld.idx.msk [tilespmem:v0+s12+$0xFFFFFFF0 ss:$0x1], $0xffff  }
0x2a4: {  	v5 =	vld.idx.msk [tilespmem:v1+s12+$0xFFFFFFC0 ss:$0x1], $0xffff  }
0x2a5: {  	v6 =	vld.idx.msk [tilespmem:v2+s12+$0xFFFFFFF0 ss:$0x1], $0xffff;
	_ =	sdelay $0x2  }
0x2a6: {  	v4 =	vmul.u32 $0x5, v4  }
0x2a7: {  	v5 =	vmul.u32 $0xF, v5  }
0x2a8: {  	v4 =	vadd.s32 v6, v4  }
0x2a9: {  	v4 =	vadd.s32 v5, v4  }
0x2aa: {  	[tilespmem:v3+s12+$0xFFFFFFC0 ss:$0x1] =	vst.idx.msk $0xffff, v4  }
0x2ab: {  	v4 =	vld.idx.msk [tilespmem:v0+s12+$0x0 ss:$0x1], $0xffff  }
0x2ac: {  	v5 =	vld.idx.msk [tilespmem:v1+s12+$0xFFFFFFD0 ss:$0x1], $0xffff  }
0x2ad: {  	v6 =	vld.idx.msk [tilespmem:v2+s12+$0x0 ss:$0x1], $0xffff;
	_ =	sdelay $0x2  }
0x2ae: {  	v4 =	vmul.u32 $0x5, v4  }
0x2af: {  	v5 =	vmul.u32 $0xF, v5  }
0x2b0: {  	v4 =	vadd.s32 v6, v4  }
0x2b1: {  	v4 =	vadd.s32 v5, v4  }
0x2b2: {  	[tilespmem:v3+s12+$0xFFFFFFD0 ss:$0x1] =	vst.idx.msk $0xffff, v4  }
0x2b3: {  	v4 =	vld.idx.msk [tilespmem:v0+s12+$0x10 ss:$0x1], $0xffff  }
0x2b4: {  	v5 =	vld.idx.msk [tilespmem:v1+s12+$0xFFFFFFE0 ss:$0x1], $0xffff  }
0x2b5: {  	v6 =	vld.idx.msk [tilespmem:v2+s12+$0x10 ss:$0x1], $0xffff;
	_ =	sdelay $0x2  }
0x2b6: {  	v4 =	vmul.u32 $0x5, v4  }
0x2b7: {  	v5 =	vmul.u32 $0xF, v5  }
0x2b8: {  	v4 =	vadd.s32 v6, v4  }
0x2b9: {  	v4 =	vadd.s32 v5, v4  }
0x2ba: {  	[tilespmem:v3+s12+$0xFFFFFFE0 ss:$0x1] =	vst.idx.msk $0xffff, v4  }
0x2bb: {  	v4 =	vld.idx.msk [tilespmem:v0+s12+$0x20 ss:$0x1], $0xffff  }
0x2bc: {  	v5 =	vld.idx.msk [tilespmem:v1+s12+$0xFFFFFFF0 ss:$0x1], $0xffff  }
0x2bd: {  	v6 =	vld.idx.msk [tilespmem:v2+s12+$0x20 ss:$0x1], $0xffff;
	_ =	sdelay $0x2  }
0x2be: {  	v4 =	vmul.u32 $0x5, v4  }
0x2bf: {  	v5 =	vmul.u32 $0xF, v5  }
0x2c0: {  	v4 =	vadd.s32 v6, v4  }
0x2c1: {  	v4 =	vadd.s32 v5, v4  }
0x2c2: {  	[tilespmem:v3+s12+$0xFFFFFFF0 ss:$0x1] =	vst.idx.msk $0xffff, v4  }
0x2c3: {  	v4 =	vld.idx.msk [tilespmem:v0+s12+$0x30 ss:$0x1], $0xffff  }
0x2c4: {  	v5 =	vld.idx.msk [tilespmem:v1+s12+$0x0 ss:$0x1], $0xffff  }
0x2c5: {  	v6 =	vld.idx.msk [tilespmem:v2+s12+$0x30 ss:$0x1], $0xffff;
	_ =	sdelay $0x2  }
0x2c6: {  	v4 =	vmul.u32 $0x5, v4  }
0x2c7: {  	s11 =	sor.u32 $0x10, s19;
	v5 =	vmul.u32 $0xF, v5  }
0x2c8: {  	s13 =	sshll.u32 s11, $0x9;
	v4 =	vadd.s32 v6, v4  }
0x2c9: {  	s14 =	simm.s32 $0x400;
	s28 =	sand.u32 $0x3FFFFE00, s13;
	s13 =	simm.s32 $0x200;
	v4 =	vadd.s32 v5, v4  }
.LBB2_13:
0x2ca: {  	p1 =	sne.s32 s14, $0x600  }
0x2cb: {  	[tilespmem:v3+s12+$0x0 ss:$0x1] =	vst.idx.msk $0xffff, v4;
	s12 =	sshra.s32 s13, $0x2;
	s13 =	smov.u32 s14;
	s14 =	sadd.s32 $0x200, s14  }
0x2cc: {  	v4 =	vld.idx.msk [tilespmem:v0+s12+$0xFFFFFFC0 ss:$0x1], $0xffff  }
0x2cd: {  	v5 =	vld.idx.msk [tilespmem:v1+s12+$0xFFFFFF90 ss:$0x1], $0xffff  }
0x2ce: {  	v6 =	vld.idx.msk [tilespmem:v2+s12+$0xFFFFFFC0 ss:$0x1], $0xffff;
	_ =	sdelay $0x3  }
0x2cf: {  	v4 =	vmul.u32 $0x5, v4  }
0x2d0: {  	v5 =	vmul.u32 $0xF, v5  }
0x2d1: {  	v4 =	vadd.s32 v6, v4  }
0x2d2: {  	v4 =	vadd.s32 v5, v4  }
0x2d3: {  	[tilespmem:v3+s12+$0xFFFFFF90 ss:$0x1] =	vst.idx.msk $0xffff, v4  }
0x2d4: {  	v4 =	vld.idx.msk [tilespmem:v0+s12+$0xFFFFFFD0 ss:$0x1], $0xffff  }
0x2d5: {  	v5 =	vld.idx.msk [tilespmem:v1+s12+$0xFFFFFFA0 ss:$0x1], $0xffff  }
0x2d6: {  	v6 =	vld.idx.msk [tilespmem:v2+s12+$0xFFFFFFD0 ss:$0x1], $0xffff;
	_ =	sdelay $0x3  }
0x2d7: {  	v4 =	vmul.u32 $0x5, v4  }
0x2d8: {  	v5 =	vmul.u32 $0xF, v5  }
0x2d9: {  	v4 =	vadd.s32 v6, v4  }
0x2da: {  	v4 =	vadd.s32 v5, v4  }
0x2db: {  	[tilespmem:v3+s12+$0xFFFFFFA0 ss:$0x1] =	vst.idx.msk $0xffff, v4  }
0x2dc: {  	v4 =	vld.idx.msk [tilespmem:v0+s12+$0xFFFFFFE0 ss:$0x1], $0xffff  }
0x2dd: {  	v5 =	vld.idx.msk [tilespmem:v1+s12+$0xFFFFFFB0 ss:$0x1], $0xffff  }
0x2de: {  	v6 =	vld.idx.msk [tilespmem:v2+s12+$0xFFFFFFE0 ss:$0x1], $0xffff;
	_ =	sdelay $0x3  }
0x2df: {  	v4 =	vmul.u32 $0x5, v4  }
0x2e0: {  	v5 =	vmul.u32 $0xF, v5  }
0x2e1: {  	v4 =	vadd.s32 v6, v4  }
0x2e2: {  	v4 =	vadd.s32 v5, v4  }
0x2e3: {  	[tilespmem:v3+s12+$0xFFFFFFB0 ss:$0x1] =	vst.idx.msk $0xffff, v4  }
0x2e4: {  	v4 =	vld.idx.msk [tilespmem:v0+s12+$0xFFFFFFF0 ss:$0x1], $0xffff  }
0x2e5: {  	v5 =	vld.idx.msk [tilespmem:v1+s12+$0xFFFFFFC0 ss:$0x1], $0xffff  }
0x2e6: {  	v6 =	vld.idx.msk [tilespmem:v2+s12+$0xFFFFFFF0 ss:$0x1], $0xffff;
	_ =	sdelay $0x3  }
0x2e7: {  	v4 =	vmul.u32 $0x5, v4  }
0x2e8: {  	v5 =	vmul.u32 $0xF, v5  }
0x2e9: {  	v4 =	vadd.s32 v6, v4  }
0x2ea: {  	v4 =	vadd.s32 v5, v4  }
0x2eb: {  	[tilespmem:v3+s12+$0xFFFFFFC0 ss:$0x1] =	vst.idx.msk $0xffff, v4  }
0x2ec: {  	v4 =	vld.idx.msk [tilespmem:v0+s12+$0x0 ss:$0x1], $0xffff  }
0x2ed: {  	v5 =	vld.idx.msk [tilespmem:v1+s12+$0xFFFFFFD0 ss:$0x1], $0xffff  }
0x2ee: {  	v6 =	vld.idx.msk [tilespmem:v2+s12+$0x0 ss:$0x1], $0xffff;
	_ =	sdelay $0x3  }
0x2ef: {  	v4 =	vmul.u32 $0x5, v4  }
0x2f0: {  	v5 =	vmul.u32 $0xF, v5  }
0x2f1: {  	v4 =	vadd.s32 v6, v4  }
0x2f2: {  	v4 =	vadd.s32 v5, v4  }
0x2f3: {  	[tilespmem:v3+s12+$0xFFFFFFD0 ss:$0x1] =	vst.idx.msk $0xffff, v4  }
0x2f4: {  	v4 =	vld.idx.msk [tilespmem:v0+s12+$0x10 ss:$0x1], $0xffff  }
0x2f5: {  	v5 =	vld.idx.msk [tilespmem:v1+s12+$0xFFFFFFE0 ss:$0x1], $0xffff  }
0x2f6: {  	v6 =	vld.idx.msk [tilespmem:v2+s12+$0x10 ss:$0x1], $0xffff;
	_ =	sdelay $0x3  }
0x2f7: {  	v4 =	vmul.u32 $0x5, v4  }
0x2f8: {  	v5 =	vmul.u32 $0xF, v5  }
0x2f9: {  	v4 =	vadd.s32 v6, v4  }
0x2fa: {  	v4 =	vadd.s32 v5, v4  }
0x2fb: {  	[tilespmem:v3+s12+$0xFFFFFFE0 ss:$0x1] =	vst.idx.msk $0xffff, v4  }
0x2fc: {  	v4 =	vld.idx.msk [tilespmem:v0+s12+$0x20 ss:$0x1], $0xffff  }
0x2fd: {  	v5 =	vld.idx.msk [tilespmem:v1+s12+$0xFFFFFFF0 ss:$0x1], $0xffff  }
0x2fe: {  	v6 =	vld.idx.msk [tilespmem:v2+s12+$0x20 ss:$0x1], $0xffff;
	_ =	sdelay $0x3  }
0x2ff: {  	v4 =	vmul.u32 $0x5, v4  }
0x300: {  	v5 =	vmul.u32 $0xF, v5  }
0x301: {  	v4 =	vadd.s32 v6, v4  }
0x302: {  	v4 =	vadd.s32 v5, v4  }
0x303: {  	[tilespmem:v3+s12+$0xFFFFFFF0 ss:$0x1] =	vst.idx.msk $0xffff, v4  }
0x304: {  	v4 =	vld.idx.msk [tilespmem:v0+s12+$0x30 ss:$0x1], $0xffff  }
0x305: {  	v5 =	vld.idx.msk [tilespmem:v1+s12+$0x0 ss:$0x1], $0xffff  }
0x306: {  	v6 =	vld.idx.msk [tilespmem:v2+s12+$0x30 ss:$0x1], $0xffff;
	_ =	sdelay $0x2  }
.Ltmp5:
0x307: {  	(pc) =	sbr.rel @p1 .LBB2_13-.Ltmp5, $4  }
0x308: {  	v4 =	vmul.u32 $0x5, v4  }
0x309: {  	v5 =	vmul.u32 $0xF, v5  }
0x30a: {  	v4 =	vadd.s32 v6, v4  }
0x30b: {  	v4 =	vadd.s32 v5, v4  }
0x30c: {  	_ =	sdelay $0x3  }
0x30d: {  	s13 =	sshra.s32 s13, $0x2;
	[tilespmem:v3+s12+$0x0 ss:$0x1] =	vst.idx.msk $0xffff, v4  }
0x30e: {  	v4 =	vld.idx.msk [tilespmem:v0+s13+$0xFFFFFFC0 ss:$0x1], $0xffff  }
0x30f: {  	v5 =	vld.idx.msk [tilespmem:v1+s13+$0xFFFFFF90 ss:$0x1], $0xffff  }
0x310: {  	v6 =	vld.idx.msk [tilespmem:v2+s13+$0xFFFFFFC0 ss:$0x1], $0xffff;
	_ =	sdelay $0x2  }
0x311: {  	v4 =	vmul.u32 $0x5, v4  }
0x312: {  	v5 =	vmul.u32 $0xF, v5  }
0x313: {  	v4 =	vadd.s32 v6, v4  }
0x314: {  	v4 =	vadd.s32 v5, v4  }
0x315: {  	[tilespmem:v3+s13+$0xFFFFFF90 ss:$0x1] =	vst.idx.msk $0xffff, v4  }
0x316: {  	v4 =	vld.idx.msk [tilespmem:v0+s13+$0xFFFFFFD0 ss:$0x1], $0xffff  }
0x317: {  	v49 =	vld.idx.msk [tilespmem:v1+s13+$0xFFFFFFA0 ss:$0x1], $0xffff  }
0x318: {  	v50 =	vld.idx.msk [tilespmem:v2+s13+$0xFFFFFFD0 ss:$0x1], $0xffff;
	_ =	sdelay $0x2  }
0x319: {  	v4 =	vmul.u32 $0x5, v4  }
0x31a: {  	v5 =	vmul.u32 $0xF, v49  }
0x31b: {  	v4 =	vadd.s32 v50, v4  }
0x31c: {  	v4 =	vadd.s32 v5, v4  }
0x31d: {  	[tilespmem:v3+s13+$0xFFFFFFA0 ss:$0x1] =	vst.idx.msk $0xffff, v4  }
0x31e: {  	v4 =	vld.idx.msk [tilespmem:v0+s13+$0xFFFFFFE0 ss:$0x1], $0xffff  }
0x31f: {  	v51 =	vld.idx.msk [tilespmem:v1+s13+$0xFFFFFFB0 ss:$0x1], $0xffff  }
0x320: {  	v52 =	vld.idx.msk [tilespmem:v2+s13+$0xFFFFFFE0 ss:$0x1], $0xffff;
	_ =	sdelay $0x2  }
0x321: {  	v4 =	vmul.u32 $0x5, v4  }
0x322: {  	v5 =	vmul.u32 $0xF, v51  }
0x323: {  	v4 =	vadd.s32 v52, v4  }
0x324: {  	v4 =	vadd.s32 v5, v4  }
0x325: {  	[tilespmem:v3+s13+$0xFFFFFFB0 ss:$0x1] =	vst.idx.msk $0xffff, v4  }
0x326: {  	v4 =	vld.idx.msk [tilespmem:v0+s13+$0xFFFFFFF0 ss:$0x1], $0xffff  }
0x327: {  	v53 =	vld.idx.msk [tilespmem:v1+s13+$0xFFFFFFC0 ss:$0x1], $0xffff  }
0x328: {  	v54 =	vld.idx.msk [tilespmem:v2+s13+$0xFFFFFFF0 ss:$0x1], $0xffff;
	_ =	sdelay $0x2  }
0x329: {  	v4 =	vmul.u32 $0x5, v4  }
0x32a: {  	v5 =	vmul.u32 $0xF, v53  }
0x32b: {  	v4 =	vadd.s32 v54, v4  }
0x32c: {  	v4 =	vadd.s32 v5, v4  }
0x32d: {  	[tilespmem:v3+s13+$0xFFFFFFC0 ss:$0x1] =	vst.idx.msk $0xffff, v4  }
0x32e: {  	v4 =	vld.idx.msk [tilespmem:v0+s13+$0x0 ss:$0x1], $0xffff  }
0x32f: {  	v55 =	vld.idx.msk [tilespmem:v1+s13+$0xFFFFFFD0 ss:$0x1], $0xffff  }
0x330: {  	v56 =	vld.idx.msk [tilespmem:v2+s13+$0x0 ss:$0x1], $0xffff;
	_ =	sdelay $0x2  }
0x331: {  	v4 =	vmul.u32 $0x5, v4  }
0x332: {  	v5 =	vmul.u32 $0xF, v55  }
0x333: {  	v4 =	vadd.s32 v56, v4  }
0x334: {  	v4 =	vadd.s32 v5, v4  }
0x335: {  	[tilespmem:v3+s13+$0xFFFFFFD0 ss:$0x1] =	vst.idx.msk $0xffff, v4  }
0x336: {  	v4 =	vld.idx.msk [tilespmem:v0+s13+$0x10 ss:$0x1], $0xffff  }
0x337: {  	v57 =	vld.idx.msk [tilespmem:v1+s13+$0xFFFFFFE0 ss:$0x1], $0xffff  }
0x338: {  	v58 =	vld.idx.msk [tilespmem:v2+s13+$0x10 ss:$0x1], $0xffff;
	_ =	sdelay $0x2  }
0x339: {  	v4 =	vmul.u32 $0x5, v4  }
0x33a: {  	v5 =	vmul.u32 $0xF, v57  }
0x33b: {  	v4 =	vadd.s32 v58, v4  }
0x33c: {  	v4 =	vadd.s32 v5, v4  }
0x33d: {  	[tilespmem:v3+s13+$0xFFFFFFE0 ss:$0x1] =	vst.idx.msk $0xffff, v4  }
0x33e: {  	v4 =	vld.idx.msk [tilespmem:v0+s13+$0x20 ss:$0x1], $0xffff  }
0x33f: {  	v59 =	vld.idx.msk [tilespmem:v1+s13+$0xFFFFFFF0 ss:$0x1], $0xffff  }
0x340: {  	v60 =	vld.idx.msk [tilespmem:v2+s13+$0x20 ss:$0x1], $0xffff;
	_ =	sdelay $0x2  }
0x341: {  	v4 =	vmul.u32 $0x5, v4  }
0x342: {  	v5 =	vmul.u32 $0xF, v59  }
0x343: {  	v4 =	vadd.s32 v60, v4  }
0x344: {  	v4 =	vadd.s32 v5, v4  }
0x345: {  	[tilespmem:v3+s13+$0xFFFFFFF0 ss:$0x1] =	vst.idx.msk $0xffff, v4  }
0x346: {  	v61 =	vld.idx.msk [tilespmem:v0+s13+$0x30 ss:$0x1], $0xffff  }
0x347: {  	v62 =	vld.idx.msk [tilespmem:v1+s13+$0x0 ss:$0x1], $0xffff  }
0x348: {  	v63 =	vld.idx.msk [tilespmem:v2+s13+$0x30 ss:$0x1], $0xffff;
	_ =	sdelay $0x2  }
0x349: {  	v0 =	vmul.u32 $0x5, v61  }
0x34a: {  	v1 =	vmul.u32 $0xF, v62  }
0x34b: {  	v0 =	vadd.s32 v63, v0  }
0x34c: {  	v0 =	vadd.s32 v1, v0  }
0x34d: {  	s11 =	sshll.u32 s11, $0x2;
	[tilespmem:v3+s13+$0x0 ss:$0x1] =	vst.idx.msk $0xffff, v0  }
0x34e: {  	s11 =	sadd.s32 s4, s11;
	_ =	swait.ge [sflag:s6], $0x4000  }
0x34f: {  	s11 =	sshll.u32 s11, $0xB;
	[sflag:s6] =	ssyncset.done $0x0  }
0x350: {  	s14 =	sadd.s32 s5, s11;
	s13 =	simm.s32 $0x0;
	[sflag:s6] =	ssyncadd.s32 $0xFFFFC000  }
0x351: {  	[hbm4b:s14+s13] =	stream.linear.scatter [tilespmem:s31], [sflag:$0x5], $0x4000, $0x38;
	[tilespmem:$0x17180] =	vst v63  }
0x352: {  	s14 =	sadd.s32 $0x800, s11;
	_ =	swait.ge [sflag:s7], $0x4000  }
0x353: {  	s12 =	sand.u32 $0x1FFFE800, s14;
	[sflag:s7] =	ssyncset.done $0x0  }
0x354: {  	s12 =	sadd.s32 s5, s12;
	[sflag:s7] =	ssyncadd.s32 $0xFFFFC000  }
0x355: {  	[hbm4b:s12+s13] =	stream.linear.scatter [tilespmem:s30], [sflag:$0x6], $0x4000, $0x38;
	[tilespmem:$0x17180] =	vst v63  }
0x356: {  	s14 =	sadd.s32 $0x1000, s11;
	_ =	swait.ge [sflag:s8], $0x4000  }
0x357: {  	s12 =	sand.u32 $0x1FFFF000, s14;
	[sflag:s8] =	ssyncset.done $0x0  }
0x358: {  	s12 =	sadd.s32 s5, s12;
	[sflag:s8] =	ssyncadd.s32 $0xFFFFC000  }
0x359: {  	[hbm4b:s12+s13] =	stream.linear.scatter [tilespmem:s0], [sflag:$0x7], $0x4000, $0x38;
	[tilespmem:$0x17180] =	vst v63  }
0x35a: {  	s11 =	sadd.s32 $0x1800, s11;
	_ =	swait.ge [sflag:s24], $0x4000  }
0x35b: {  	s11 =	sand.u32 $0x1FFFF800, s11;
	[sflag:s24] =	ssyncset.done $0x0  }
0x35c: {  	s11 =	sadd.s32 s5, s11;
	[sflag:s24] =	ssyncadd.s32 $0xFFFFC000  }
0x35d: {  	[hbm4b:s11+s13] =	stream.linear.scatter [tilespmem:s3], [sflag:$0x8], $0x4000, $0x38;
	[tilespmem:$0x17180] =	vst v63  }
0x35e: {  	_ =	swait.ge [sflag:s25], $0x4000  }
0x35f: {  	[sflag:s25] =	ssyncset.done $0x0  }
0x360: {  	s12 =	sadd.s32 $0x380, s28;
	[sflag:s25] =	ssyncadd.s32 $0xFFFFC000  }
0x361: {  	[tilespmem:s31], [sflag:$0x1] =	stream.indirect.gather [spmem:s1], $0x80, s12, s29, $0xb8;
	[tilespmem:$0x17180] =	vst v63  }
0x362: {  	_ =	swait.ge [sflag:s9], $0x4000  }
0x363: {  	[sflag:s9] =	ssyncset.done $0x0  }
0x364: {  	s13 =	sadd.s32 $0x400, s28;
	[sflag:s9] =	ssyncadd.s32 $0xFFFFC000  }
0x365: {  	[tilespmem:s30], [sflag:$0x2] =	stream.indirect.gather [spmem:s1], $0x80, s13, s29, $0xb8;
	[tilespmem:$0x17180] =	vst v63  }
0x366: {  	_ =	swait.ge [sflag:s26], $0x4000  }
0x367: {  	s19 =	sadd.s32 $0x1, s19;
	[sflag:s26] =	ssyncset.done $0x0  }
0x368: {  	p1 =	sne.s32 s19, $0x8;
	s14 =	sadd.s32 $0x480, s28;
	[sflag:s26] =	ssyncadd.s32 $0xFFFFC000  }
0x369: {  	[tilespmem:s0], [sflag:$0x3] =	stream.indirect.gather [spmem:s1], $0x80, s14, s29, $0xb8;
	[tilespmem:$0x17180] =	vst v63  }
.Ltmp6:
0x36a: {  	_ = 	snop;
	(pc) =	sbr.rel @p1 .LBB2_12-.Ltmp6, $4  }
0x36b: {  	s18 =	sadd.s32 $0x200, s18;
	_ =	swait.ge [sflag:s10], $0x4000  }
0x36c: {  	s20 =	sadd.s32 $0x200, s20;
	s21 =	sadd.s32 $0x200, s21;
	[sflag:s10] =	ssyncset.done $0x0  }
0x36d: {  	s22 =	sadd.s32 $0x200, s22;
	s28 =	sadd.s32 $0x500, s28;
	[sflag:s10] =	ssyncadd.s32 $0xFFFFC000  }
0x36e: {  	[tilespmem:s3], [sflag:$0x4] =	stream.indirect.gather [spmem:s1], $0x80, s28, s29, $0xb8;
	[tilespmem:$0x17180] =	vst v63  }
0x36f: {  	_ =	swait.ge [sflag:s6], $0x4000  }
0x370: {  	s11 =	sadd.s32 $0x0, s23;
	[sflag:s6] =	ssyncset.done $0x0  }
0x371: {  	s12 =	sadd.s32 $0x30000, s11;
	[sflag:s6] =	ssyncadd.s32 $0xFFFFC000  }
0x372: {  	[hbm4b:s12+s2] =	stream.linear.scatter [tilespmem:s31], [sflag:$0x5], $0x4000, $0x38;
	[tilespmem:$0x17180] =	vst v63  }
0x373: {  	_ =	swait.ge [sflag:s7], $0x4000  }
0x374: {  	[sflag:s7] =	ssyncset.done $0x0  }
0x375: {  	s19 =	sadd.s32 $0x30800, s11;
	[sflag:s7] =	ssyncadd.s32 $0xFFFFC000  }
0x376: {  	[hbm4b:s19+s2] =	stream.linear.scatter [tilespmem:s30], [sflag:$0x6], $0x4000, $0x38;
	[tilespmem:$0x17180] =	vst v63  }
0x377: {  	_ =	swait.ge [sflag:s8], $0x4000  }
0x378: {  	[sflag:s8] =	ssyncset.done $0x0  }
0x379: {  	s20 =	sadd.s32 $0x31000, s11;
	[sflag:s8] =	ssyncadd.s32 $0xFFFFC000  }
0x37a: {  	[hbm4b:s20+s2] =	stream.linear.scatter [tilespmem:s0], [sflag:$0x7], $0x4000, $0x38;
	[tilespmem:$0x17180] =	vst v63  }
0x37b: {  	_ =	swait.ge [sflag:s24], $0x4000  }
0x37c: {  	[sflag:s24] =	ssyncset.done $0x0  }
0x37d: {  	s11 =	sadd.s32 $0x31800, s11;
	[sflag:s24] =	ssyncadd.s32 $0xFFFFC000  }
0x37e: {  	[hbm4b:s11+s2] =	stream.linear.scatter [tilespmem:s3], [sflag:$0x8], $0x4000, $0x38;
	[tilespmem:$0x17180] =	vst v63  }
0x37f: {  	_ =	swait.ge [sflag:s25], $0x4000  }
0x380: {  	[sflag:s25] =	ssyncset.done $0x0  }
0x381: {  	s21 =	simm.s32 $0x3380;
	[sflag:s25] =	ssyncadd.s32 $0xFFFFC000  }
0x382: {  	[tilespmem:s31], [sflag:$0x1] =	stream.indirect.gather [spmem:s1], $0x80, s21, s29, $0xb8;
	[tilespmem:$0x17180] =	vst v63  }
0x383: {  	_ =	swait.ge [sflag:s9], $0x4000  }
0x384: {  	[sflag:s9] =	ssyncset.done $0x0  }
0x385: {  	s22 =	simm.s32 $0x3400;
	[sflag:s9] =	ssyncadd.s32 $0xFFFFC000  }
0x386: {  	[tilespmem:s30], [sflag:$0x2] =	stream.indirect.gather [spmem:s1], $0x80, s22, s29, $0xb8;
	[tilespmem:$0x17180] =	vst v63  }
0x387: {  	_ =	swait.ge [sflag:s26], $0x4000  }
0x388: {  	[sflag:s26] =	ssyncset.done $0x0  }
0x389: {  	s28 =	simm.s32 $0x3480;
	[sflag:s26] =	ssyncadd.s32 $0xFFFFC000  }
0x38a: {  	[tilespmem:s0], [sflag:$0x3] =	stream.indirect.gather [spmem:s1], $0x80, s28, s29, $0xb8;
	[tilespmem:$0x17180] =	vst v63  }
0x38b: {  	_ =	swait.ge [sflag:s10], $0x4000  }
0x38c: {  	s13 =	simm.s32 $0x3700;
	[sflag:s10] =	ssyncset.done $0x0  }
0x38d: {  	s12 =	simm.s32 $0x2000;
	s11 =	simm.s32 $0x3500;
	[sflag:s10] =	ssyncadd.s32 $0xFFFFC000  }
.LBB2_16:
0x38e: {  	[tilespmem:s3], [sflag:$0x4] =	stream.indirect.gather [spmem:s1], $0x80, s11, s29, $0xb8;
	[tilespmem:$0x17180] =	vst v63  }
0x38f: {  	s14 =	smov.u32 s12;
	s11 =	smov.u32 s13  }
0x390: {  	p1 =	sne.s32 s12, $0xC000;
	s12 =	sadd.s32 $0x2000, s12;
	_ =	swait.ge [sflag:s6], $0x4000  }
0x391: {  	s14 =	sadd.s32 s14, s23;
	[sflag:s6] =	ssyncset.done $0x0  }
0x392: {  	s18 =	sadd.s32 $0x30000, s14;
	[sflag:s6] =	ssyncadd.s32 $0xFFFFC000  }
0x393: {  	[hbm4b:s18+s2] =	stream.linear.scatter [tilespmem:s31], [sflag:$0x5], $0x4000, $0x38;
	[tilespmem:$0x17180] =	vst v63  }
0x394: {  	_ =	swait.ge [sflag:s7], $0x4000  }
0x395: {  	[sflag:s7] =	ssyncset.done $0x0  }
0x396: {  	s18 =	sadd.s32 $0x30800, s14;
	[sflag:s7] =	ssyncadd.s32 $0xFFFFC000  }
0x397: {  	[hbm4b:s18+s2] =	stream.linear.scatter [tilespmem:s30], [sflag:$0x6], $0x4000, $0x38;
	[tilespmem:$0x17180] =	vst v63  }
0x398: {  	_ =	swait.ge [sflag:s8], $0x4000  }
0x399: {  	[sflag:s8] =	ssyncset.done $0x0  }
0x39a: {  	s18 =	sadd.s32 $0x31000, s14;
	[sflag:s8] =	ssyncadd.s32 $0xFFFFC000  }
0x39b: {  	[hbm4b:s18+s2] =	stream.linear.scatter [tilespmem:s0], [sflag:$0x7], $0x4000, $0x38;
	[tilespmem:$0x17180] =	vst v63  }
0x39c: {  	_ =	swait.ge [sflag:s24], $0x4000  }
0x39d: {  	[sflag:s24] =	ssyncset.done $0x0  }
0x39e: {  	s14 =	sadd.s32 $0x31800, s14;
	[sflag:s24] =	ssyncadd.s32 $0xFFFFC000  }
0x39f: {  	[hbm4b:s14+s2] =	stream.linear.scatter [tilespmem:s3], [sflag:$0x8], $0x4000, $0x38;
	[tilespmem:$0x17180] =	vst v63  }
0x3a0: {  	_ =	swait.ge [sflag:s25], $0x4000  }
0x3a1: {  	[sflag:s25] =	ssyncset.done $0x0  }
0x3a2: {  	s14 =	sadd.s32 $0xFFFFFE80, s13;
	[sflag:s25] =	ssyncadd.s32 $0xFFFFC000  }
0x3a3: {  	[tilespmem:s31], [sflag:$0x1] =	stream.indirect.gather [spmem:s1], $0x80, s14, s29, $0xb8;
	[tilespmem:$0x17180] =	vst v63  }
0x3a4: {  	_ =	swait.ge [sflag:s9], $0x4000  }
0x3a5: {  	[sflag:s9] =	ssyncset.done $0x0  }
0x3a6: {  	s14 =	sadd.s32 $0xFFFFFF00, s13;
	[sflag:s9] =	ssyncadd.s32 $0xFFFFC000  }
0x3a7: {  	[tilespmem:s30], [sflag:$0x2] =	stream.indirect.gather [spmem:s1], $0x80, s14, s29, $0xb8;
	[tilespmem:$0x17180] =	vst v63  }
0x3a8: {  	_ =	swait.ge [sflag:s26], $0x4000  }
0x3a9: {  	[sflag:s26] =	ssyncset.done $0x0  }
.Ltmp7:
0x3aa: {  	s14 =	sadd.s32 $0xFFFFFF80, s13;
	[sflag:s26] =	ssyncadd.s32 $0xFFFFC000;
	(pc) =	sbr.rel @p1 .LBB2_16-.Ltmp7, $4  }
0x3ab: {  	[tilespmem:s0], [sflag:$0x3] =	stream.indirect.gather [spmem:s1], $0x80, s14, s29, $0xb8;
	[tilespmem:$0x17180] =	vst v63  }
0x3ac: {  	_ =	swait.ge [sflag:s10], $0x4000  }
0x3ad: {  	[sflag:s10] =	ssyncset.done $0x0  }
0x3ae: {  	s13 =	sadd.s32 $0x200, s13;
	[sflag:s10] =	ssyncadd.s32 $0xFFFFC000  }
0x3af: {  	[tilespmem:s3], [sflag:$0x4] =	stream.indirect.gather [spmem:s1], $0x80, s11, s29, $0xb8;
	[tilespmem:$0x17180] =	vst v63  }
0x3b0: {  	_ =	swait.ge [sflag:s6], $0x4000  }
0x3b1: {  	[sflag:s6] =	ssyncset.done $0x0  }
0x3b2: {  	s19 =	rddreg [dreg:$0xe];
	[sflag:s6] =	ssyncadd.s32 $0xFFFFC000  }
0x3b3: {  	[hbm4b:s19+s2] =	stream.linear.scatter [tilespmem:s31], [sflag:$0x5], $0x4000, $0x38;
	[tilespmem:$0x17180] =	vst v63  }
0x3b4: {  	_ =	swait.ge [sflag:s7], $0x4000  }
0x3b5: {  	[sflag:s7] =	ssyncset.done $0x0  }
0x3b6: {  	s20 =	rddreg [dreg:$0xf];
	[sflag:s7] =	ssyncadd.s32 $0xFFFFC000  }
0x3b7: {  	[hbm4b:s20+s2] =	stream.linear.scatter [tilespmem:s30], [sflag:$0x6], $0x4000, $0x38;
	[tilespmem:$0x17180] =	vst v63  }
0x3b8: {  	_ =	swait.ge [sflag:s8], $0x4000  }
0x3b9: {  	[sflag:s8] =	ssyncset.done $0x0  }
0x3ba: {  	s21 =	rddreg [dreg:$0x10];
	[sflag:s8] =	ssyncadd.s32 $0xFFFFC000  }
0x3bb: {  	[hbm4b:s21+s2] =	stream.linear.scatter [tilespmem:s0], [sflag:$0x7], $0x4000, $0x38;
	[tilespmem:$0x17180] =	vst v63  }
0x3bc: {  	_ =	swait.ge [sflag:s24], $0x4000  }
0x3bd: {  	[sflag:s24] =	ssyncset.done $0x0  }
0x3be: {  	s22 =	rddreg [dreg:$0x11];
	[sflag:s24] =	ssyncadd.s32 $0xFFFFC000  }
0x3bf: {  	[hbm4b:s22+s2] =	stream.linear.scatter [tilespmem:s3], [sflag:$0x8], $0x4000, $0x38;
	[tilespmem:$0x17180] =	vst v63  }
0x3c0: {  	_ =	swait.ge [sflag:s25], $0x4000  }
0x3c1: {  	[sflag:s25] =	ssyncset.done $0x0  }
0x3c2: {  	[sflag:s25] =	ssyncadd.s32 $0xFFFFC000  }
0x3c3: {  	_ =	swait.ge [sflag:s9], $0x4000  }
0x3c4: {  	[sflag:s9] =	ssyncset.done $0x0  }
0x3c5: {  	[sflag:s9] =	ssyncadd.s32 $0xFFFFC000  }
0x3c6: {  	_ =	swait.ge [sflag:s26], $0x4000  }
0x3c7: {  	[sflag:s26] =	ssyncset.done $0x0  }
0x3c8: {  	[sflag:s26] =	ssyncadd.s32 $0xFFFFC000  }
0x3c9: {  	_ =	swait.ge [sflag:s10], $0x4000  }
0x3ca: {  	s12 =	rddreg [dreg:$0x12]  }
0x3cb: {  	s28 =	rddreg [dreg:$0xd];
	s12 =	sadd.s32 $0x1, s12  }
0x3cc: {  	p1 =	sne.s32 s12, s28  }
.Ltmp8:
0x3cd: {  	_ = 	snop;
	(pc) =	sbr.rel @p1 .LBB2_1-.Ltmp8, $3  }
0x3ce: {  	_ =	sdelay $0x1  }
0x3cf: {  	s18 =	simm.s32 $0x4180;
	s20 =	simm.s32 $0x5180;
	[sflag:s10] =	ssyncset.done $0x0  }
0x3d0: {  	s21 =	simm.s32 $0x6180;
	s14 =	rddreg [dreg:$0xa];
	[sflag:s10] =	ssyncadd.s32 $0xFFFFC000  }
0x3d1: {  	_ =	sfence.sel $0x180000  }
0x3d2: {  	[bflag:$0x0] =	sbarrier.arrive $0xFFFF  }
0x3d3: {  	_ =	strace $0x90000047  }
0x3d4: {  	[bflag:$0x2] =	sbarrier.arrive $0xFFFF  }
0x3d5: {  	s0 =	rddreg [dreg:$0x2]  }
0x3d6: {  	s0 =	sadd.s32 @!p0 $0x100000, s0  }
0x3d7: {  	[sflag:s0] =	ssyncadd.tile.s32 @!p0 $0x1;
	_ =	shalt  }
.Lfunc_end2:
_tile_overlayer_lowered:
.L_overlay_start_2:
0x3d8: {  	(tag) =	ssettag $0x2  }
0x3d9: {  	s0 =	rddreg [dreg:$0x0];
	s2 =	stileid.u32  }
0x3da: {  	s1 =	rddreg [dreg:$0x1];
	p0 =	sne.s32 s2, $0x0  }
0x3db: {  	s3 =	rddreg [dreg:$0x2];
	[bflag:$0x3] =	sbarrier.arrive $0xFFFF;
	s2 =	simm.s32 @!p0 $0x1C0A  }
0x3dc: {  	[timem:s3], [sflag:s2] =	dma.local @!p0 [hbm:s0], s1  }
0x3dd: {  	s0 =	simm.s32 @!p0 $0xA  }
0x3de: {  	_ =	swait.ge @!p0 [sflag:s0], s1  }
0x3df: {  	s1 =	ssub.s32 @!p0 $0x0, s1;
	[sflag:s0] =	ssyncset.done @!p0 $0x0  }
0x3e0: {  	[sflag:s0] =	ssyncadd.s32 @!p0 s1  }
0x3e1: {  	[bflag:$0x3] =	sbarrier.arrive $0xFFFF  }
0x3e2: {  	_ =	shalt  }

</sc_bundles>
